<compile_context>
chip_gen: v7x
topology: tpu7x:2x2x1
jax: 0.10.2.dev20260603
libtpu: 0.0.44.dev20260713+nightly
codegen_flags: <defaults>
</compile_context>

<pallas_src>
import functools

import jax
import jax.numpy as jnp
from jax import lax
from jax.experimental import pallas as pl
from jax.experimental.pallas import tpu as pltpu
from jax.experimental.pallas import tpu_sc as plsc

B, L, F = 16384, 50, 768
EMBED_DIM, H1, H2 = 128, 256, 128
NPART = F // 128
NC, NS = 2, 16
NW = NC * NS
BAGS_PER_W = B // NW
NB = 64
NCHUNK = BAGS_PER_W // NB
NIB = 4
CHW = NB * L
PSTRIDE = NB * 128

_mesh = plsc.VectorSubcoreMesh(core_axis_name="c", subcore_axis_name="s")


def _make_counts_kernel(nbags):
    bags_per_w = nbags // NW
    nchunk = bags_per_w // NB

    @functools.partial(
        pl.kernel,
        out_type=jax.ShapeDtypeStruct((NPART * nbags * 128,), jnp.float32),
        mesh=_mesh,
        scratch_types=[
            [pltpu.VMEM((CHW,), jnp.int32) for _ in range(NIB)],
            [pltpu.VMEM((NB * F,), jnp.float32) for _ in range(2)],
            pltpu.VMEM((CHW,), jnp.int32),
            [pltpu.SemaphoreType.DMA for _ in range(NIB + 2)],
        ],
        compiler_params=pltpu.CompilerParams(needs_layout_passes=False),
    )
    def counts_kernel(idx_hbm, bagoff_hbm, counts_hbm, idx_bufs, cnt_bufs,
                      bagoff_v, sems):
        wid = lax.axis_index("s") * NC + lax.axis_index("c")
        base_bag = wid * bags_per_w

        ones = jnp.ones((16,), jnp.float32)
        zeros16 = jnp.zeros((16,), jnp.float32)

        pltpu.sync_copy(bagoff_hbm, bagoff_v)

        for buf in range(2):
            def _z(i, c, buf=buf):
                cnt_bufs[buf][pl.ds(i * 16, 16)] = zeros16
                return c
            lax.fori_loop(0, NB * F // 16, _z, 0)

        def _idx_dma(chunk):
            row0 = base_bag + chunk * NB
            return pltpu.async_copy(
                idx_hbm.at[pl.ds(row0 * L, CHW)],
                idx_bufs[chunk % NIB],
                sems[chunk % NIB])

        def _scatter(chunk, add):
            val = ones if add else zeros16
            op = plsc.addupdate_scatter if add else plsc.store_scatter
            idx_v, counts_v = idx_bufs[chunk % NIB], cnt_bufs[chunk % 2]

            def _dst(o):
                iv = idx_v[pl.ds(o, 16)]
                bo = bagoff_v[pl.ds(o, 16)]
                return ((iv >> 7) << 13) + ((iv & 127) + bo)

            if add:
                def _vec4(v, c):
                    for u in range(4):
                        op(counts_v, [_dst(v * 64 + u * 16)], val)
                    return c
                lax.fori_loop(0, CHW // 64, _vec4, 0)
            else:
                @plsc.parallel_loop(0, CHW // 16, step=1, unroll=8)
                def _vec(v):
                    op(counts_v, [_dst(v * 16)], val)

        def _out_dma(chunk):
            row0 = base_bag + chunk * NB
            buf = chunk % 2
            return [pltpu.async_copy(
                cnt_bufs[buf].at[pl.ds(p * PSTRIDE, PSTRIDE)],
                counts_hbm.at[pl.ds(p * nbags * 128 + row0 * 128, PSTRIDE)],
                sems[NIB + buf]) for p in range(NPART)]

        out_dma = [None, None]
        idx_dma = _idx_dma(0)
        for chunk in range(nchunk):
            buf = chunk % 2
            if chunk + 1 < nchunk:
                next_idx_dma = _idx_dma(chunk + 1)
            if out_dma[buf] is not None:
                for cp in out_dma[buf]:
                    cp.wait()
                _scatter(chunk - 2, add=False)
            idx_dma.wait()
            _scatter(chunk, add=True)
            out_dma[buf] = _out_dma(chunk)
            if chunk + 1 < nchunk:
                idx_dma = next_idx_dma
        for buf in range(2):
            for cp in out_dma[buf]:
                cp.wait()

    return counts_kernel


NSLICE = 1
SLICE_B = B // NSLICE
_counts_kernel_slice = _make_counts_kernel(SLICE_B)


def _m1_body(emb_ref, w1t_ref, m1_ref):
    m1_ref[...] = jnp.dot(emb_ref[...], w1t_ref[...],
                          preferred_element_type=jnp.float32)


def _mlp_body(c0, c1, c2, c3, c4, c5, m10, m11, m12, m13, m14, m15,
              b1_ref, w2t_ref, b2_ref, w3t_ref, b3_ref, out_ref):
    cs = (c0, c1, c2, c3, c4, c5)
    ms = (m10, m11, m12, m13, m14, m15)
    h1 = b1_ref[...]
    for p in range(NPART):
        h1 = h1 + jnp.dot(cs[p][...], ms[p][...],
                          preferred_element_type=jnp.float32)
    h1 = jnp.maximum(h1, 0.0)
    h2 = jnp.dot(h1, w2t_ref[...], preferred_element_type=jnp.float32) \
        + b2_ref[...]
    h2 = jnp.maximum(h2, 0.0)
    out_ref[...] = jnp.dot(h2, w3t_ref[...],
                           preferred_element_type=jnp.float32) + b3_ref[...]


_MLP_BLK = 2048


def _mlp_slice(counts_pm, m1, b1, W2, b2, W3, b3):
    nblk = SLICE_B // _MLP_BLK
    cnt_specs = [
        pl.BlockSpec((_MLP_BLK, 128), lambda i, p=p: (p * nblk + i, 0))
        for p in range(NPART)
    ]
    m1_specs = [
        pl.BlockSpec((128, H1), lambda i, p=p: (p, 0)) for p in range(NPART)
    ]
    return pl.pallas_call(
        _mlp_body,
        grid=(nblk,),
        in_specs=cnt_specs + m1_specs + [
            pl.BlockSpec((1, H1), lambda i: (0, 0)),
            pl.BlockSpec((H1, H2), lambda i: (0, 0)),
            pl.BlockSpec((1, H2), lambda i: (0, 0)),
            pl.BlockSpec((H2, 1), lambda i: (0, 0)),
            pl.BlockSpec((1, 1), lambda i: (0, 0)),
        ],
        out_specs=pl.BlockSpec((_MLP_BLK, 1), lambda i: (i, 0)),
        out_shape=jax.ShapeDtypeStruct((SLICE_B, 1), jnp.float32),
    )(*([counts_pm] * NPART), *([m1] * NPART),
      b1.reshape(1, H1), W2.T, b2.reshape(1, H2), W3.T, b3.reshape(1, 1))


def kernel(features_indices, emb, W1, b1, W2, b2, W3, b3):
    idx = features_indices.astype(jnp.int32)
    bagoff = (jnp.arange(CHW, dtype=jnp.int32) // L) * 128

    m1 = pl.pallas_call(
        _m1_body,
        out_shape=jax.ShapeDtypeStruct((F, H1), jnp.float32),
    )(emb, W1.T)

    outs = []
    for s in range(NSLICE):
        idx_s = idx[s * SLICE_B:(s + 1) * SLICE_B].reshape(-1)
        counts_pm = _counts_kernel_slice(idx_s, bagoff)
        counts_pm = counts_pm.reshape(NPART * SLICE_B, 128)
        outs.append(_mlp_slice(counts_pm, m1, b1, W2, b2, W3, b3))
    return outs[0] if NSLICE == 1 else jnp.concatenate(outs, axis=0)

# --- scband reference (transcript-rebuilt; emitter-appended) ---
"""Pipeline reference for scband-nnue-28209345200531 (READ-ONLY COPY).

The authoritative reference and input builder live on the scoring server;
editing this copy changes nothing except your own understanding.
"""

import jax, jax.numpy as jnp
import numpy as np

B, L = 16384, 50
FEATURE_DIM, EMBED_DIM, HIDDEN_DIM = 768, 128, 256

def setup_inputs(seed: int = 0) -> dict:
    key = jax.random.key(seed)
    ks = jax.random.split(key, 8)
    features_indices = jax.random.randint(ks[0], (B, L), 0, FEATURE_DIM)
    emb = jax.random.normal(ks[1], (FEATURE_DIM, EMBED_DIM), dtype=jnp.float32) * 0.05
    W1 = jax.random.normal(ks[2], (HIDDEN_DIM, EMBED_DIM), dtype=jnp.float32) * 0.05
    b1 = jnp.zeros((HIDDEN_DIM,), dtype=jnp.float32)
    W2 = jax.random.normal(ks[3], (HIDDEN_DIM // 2, HIDDEN_DIM), dtype=jnp.float32) * 0.05
    b2 = jnp.zeros((HIDDEN_DIM // 2,), dtype=jnp.float32)
    W3 = jax.random.normal(ks[4], (1, HIDDEN_DIM // 2), dtype=jnp.float32) * 0.05
    b3 = jnp.zeros((1,), dtype=jnp.float32)
    return {"features_indices": features_indices, "emb": emb, "W1": W1, "b1": b1, "W2": W2, "b2": b2, "W3": W3, "b3": b3}

def reference(features_indices, emb, W1, b1, W2, b2, W3, b3):
    # EmbeddingBag(mode='sum') with 2D indices: gather then sum over bag dim
    x = jnp.take(emb, features_indices, axis=0).sum(axis=1)  # [B, EMBED_DIM]
    # hidden1 + relu (dropout is identity in eval)
    x = jax.nn.relu(x @ W1.T + b1)
    # hidden2 + relu
    x = jax.nn.relu(x @ W2.T + b2)
    # output
    out = x @ W3.T + b3  # [B, 1]
    return out

if __name__ == "__main__":
    import jax
    _d = setup_inputs()
    print(jax.jit(kernel)(*tuple(_d.values())))

</pallas_src>

<mosaic_0001>
#map = affine_map<(d0, d1) -> (0)>
module attributes {stable_mosaic.version = 14 : i64} {
  func.func @counts_kernel(%arg0: i32, %arg1: i32, %arg2: memref<819200xi32, #tpu.memory_space<hbm>>, %arg3: memref<3200xi32, #tpu.memory_space<hbm>>, %arg4: memref<12582912xf32, #tpu.memory_space<hbm>>, %arg5: memref<3200xi32, #tpu.memory_space<vmem>>, %arg6: memref<3200xi32, #tpu.memory_space<vmem>>, %arg7: memref<3200xi32, #tpu.memory_space<vmem>>, %arg8: memref<3200xi32, #tpu.memory_space<vmem>>, %arg9: memref<49152xf32, #tpu.memory_space<vmem>>, %arg10: memref<49152xf32, #tpu.memory_space<vmem>>, %arg11: memref<3200xi32, #tpu.memory_space<vmem>>, %arg12: memref<!tpu.dma_semaphore, #tpu.memory_space<semaphore_mem>>, %arg13: memref<!tpu.dma_semaphore, #tpu.memory_space<semaphore_mem>>, %arg14: memref<!tpu.dma_semaphore, #tpu.memory_space<semaphore_mem>>, %arg15: memref<!tpu.dma_semaphore, #tpu.memory_space<semaphore_mem>>, %arg16: memref<!tpu.dma_semaphore, #tpu.memory_space<semaphore_mem>>, %arg17: memref<!tpu.dma_semaphore, #tpu.memory_space<semaphore_mem>>) attributes {dimension_semantics = [#tpu.dimension_semantics<core_parallel>, #tpu.dimension_semantics<subcore_parallel>], iteration_bounds = array<i64: 2, 16>, scalar_prefetch = 0 : i64, scratch_operands = 13 : i64, tpu.core_type = #tpu.core_type<sc_vector_subcore>, window_params = [{transform_indices = #map}, {transform_indices = #map}, {transform_indices = #map}]} {
    %mul3A = arith.constant 2 : i32
    %mul3A_0 = arith.muli %arg1, %mul3A : i32
    %add3A = arith.addi %mul3A_0, %arg0 : i32
    %mul3A_1 = arith.constant 512 : i32
    %mul3A_2 = arith.muli %add3A, %mul3A_1 : i32
    %broadcast_in_dim3A = arith.constant 1.000000e+00 : f32
    %broadcast_in_dim3A_3 = vector.broadcast %broadcast_in_dim3A : f32 to vector<16xf32>
    %broadcast_in_dim3A_4 = arith.constant 0.000000e+00 : f32
    %broadcast_in_dim3A_5 = vector.broadcast %broadcast_in_dim3A_4 : f32 to vector<16xf32>
    "tpu.region"() ({
      %run_scoped3A = tpu.sem_alloc : memref<!tpu.dma_semaphore, #tpu.memory_space<semaphore_mem>>
      tpu.enqueue_dma source(%arg3 : memref<3200xi32, #tpu.memory_space<hbm>>) target(%arg11 : memref<3200xi32, #tpu.memory_space<vmem>>) target_semaphore(%run_scoped3A : memref<!tpu.dma_semaphore, #tpu.memory_space<semaphore_mem>>)
      tpu.wait_dma2 semaphore(%run_scoped3A : memref<!tpu.dma_semaphore, #tpu.memory_space<semaphore_mem>>) src(%arg3 : memref<3200xi32, #tpu.memory_space<hbm>>) dst(%arg11 : memref<3200xi32, #tpu.memory_space<vmem>>)
      tpu.yield
    }) : () -> ()
    %scan3A = arith.constant 0 : i32
    %scan3A_6 = arith.constant 0 : i32
    %scan3A_7 = arith.constant 3072 : i32
    %scan3A_8 = arith.addi %scan3A_6, %scan3A_7 : i32
    %scan3A_9 = arith.constant 1 : i32
    scf.for %scan3A_928 = %scan3A_6 to %scan3A_8 step %scan3A_9  : i32 {
      %mul3A_929 = arith.constant 16 : i32
      %mul3A_930 = arith.muli %scan3A_928, %mul3A_929 : i32
      %swap3A = arith.index_cast %mul3A_930 : i32 to index
      %swap3A_931 = tpu.vector_load %arg9[%swap3A] {strides = array<i32>} : memref<49152xf32, #tpu.memory_space<vmem>>, vector<16xf32>,
      tpu.vector_store %arg9[%swap3A], %broadcast_in_dim3A_5 {strides = array<i32>} : memref<49152xf32, #tpu.memory_space<vmem>>, vector<16xf32>,
    }
    %scan3A_10 = arith.constant 3072 : i32
    %scan3A_11 = arith.constant 0 : i32
    %scan3A_12 = arith.constant 0 : i32
    %scan3A_13 = arith.constant 3072 : i32
    %scan3A_14 = arith.addi %scan3A_12, %scan3A_13 : i32
    %scan3A_15 = arith.constant 1 : i32
    scf.for %scan3A_928 = %scan3A_12 to %scan3A_14 step %scan3A_15  : i32 {
      %mul3A_929 = arith.constant 16 : i32
      %mul3A_930 = arith.muli %scan3A_928, %mul3A_929 : i32
      %swap3A = arith.index_cast %mul3A_930 : i32 to index
      %swap3A_931 = tpu.vector_load %arg10[%swap3A] {strides = array<i32>} : memref<49152xf32, #tpu.memory_space<vmem>>, vector<16xf32>,
      tpu.vector_store %arg10[%swap3A], %broadcast_in_dim3A_5 {strides = array<i32>} : memref<49152xf32, #tpu.memory_space<vmem>>, vector<16xf32>,
    }
    %scan3A_16 = arith.constant 3072 : i32
    %add3A_17 = arith.constant 0 : i32
    %add3A_18 = arith.addi %mul3A_2, %add3A_17 : i32
    %mul3A_19 = arith.constant 50 : i32
    %mul3A_20 = arith.muli %add3A_18, %mul3A_19 : i32
    %dma_start3A = tpu.memref_slice %arg2[%mul3A_20] : memref<819200xi32, #tpu.memory_space<hbm>> -> memref<3200xi32, #tpu.memory_space<hbm>>
    %dma_start3A_21 = tpu.memref_slice %arg2[%mul3A_20] : memref<819200xi32, #tpu.memory_space<hbm>> -> memref<3200xi32, #tpu.memory_space<hbm>>
    tpu.enqueue_dma source(%dma_start3A_21 : memref<3200xi32, #tpu.memory_space<hbm>>) target(%arg5 : memref<3200xi32, #tpu.memory_space<vmem>>) target_semaphore(%arg12 : memref<!tpu.dma_semaphore, #tpu.memory_space<semaphore_mem>>)
    %add3A_22 = arith.constant 64 : i32
    %add3A_23 = arith.addi %mul3A_2, %add3A_22 : i32
    %mul3A_24 = arith.constant 50 : i32
    %mul3A_25 = arith.muli %add3A_23, %mul3A_24 : i32
    %dma_start3A_26 = tpu.memref_slice %arg2[%mul3A_25] : memref<819200xi32, #tpu.memory_space<hbm>> -> memref<3200xi32, #tpu.memory_space<hbm>>
    %dma_start3A_27 = tpu.memref_slice %arg2[%mul3A_25] : memref<819200xi32, #tpu.memory_space<hbm>> -> memref<3200xi32, #tpu.memory_space<hbm>>
    tpu.enqueue_dma source(%dma_start3A_27 : memref<3200xi32, #tpu.memory_space<hbm>>) target(%arg6 : memref<3200xi32, #tpu.memory_space<vmem>>) target_semaphore(%arg13 : memref<!tpu.dma_semaphore, #tpu.memory_space<semaphore_mem>>)
    %dma_wait3A = tpu.memref_slice %arg2[%mul3A_20] : memref<819200xi32, #tpu.memory_space<hbm>> -> memref<3200xi32, #tpu.memory_space<hbm>>
    %dma_wait3A_28 = tpu.memref_slice %arg2[%mul3A_20] : memref<819200xi32, #tpu.memory_space<hbm>> -> memref<3200xi32, #tpu.memory_space<hbm>>
    tpu.wait_dma2 semaphore(%arg12 : memref<!tpu.dma_semaphore, #tpu.memory_space<semaphore_mem>>) src(%dma_wait3A_28 : memref<3200xi32, #tpu.memory_space<hbm>>) dst(%arg5 : memref<3200xi32, #tpu.memory_space<vmem>>)
    %scan3A_29 = arith.constant 0 : i32
    %scan3A_30 = arith.constant 0 : i32
    %scan3A_31 = arith.constant 50 : i32
    %scan3A_32 = arith.addi %scan3A_30, %scan3A_31 : i32
    %scan3A_33 = arith.constant 1 : i32
    scf.for %scan3A_928 = %scan3A_30 to %scan3A_32 step %scan3A_33  : i32 {
      %mul3A_929 = arith.constant 64 : i32
      %mul3A_930 = arith.muli %scan3A_928, %mul3A_929 : i32
      %add3A_931 = arith.constant 0 : i32
      %add3A_932 = arith.addi %mul3A_930, %add3A_931 : i32
      %get3A = arith.index_cast %add3A_932 : i32 to index
      %get3A_933 = tpu.vector_load %arg5[%get3A] {strides = array<i32>} : memref<3200xi32, #tpu.memory_space<vmem>>, vector<16xi32>,
      %get3A_934 = arith.index_cast %add3A_932 : i32 to index
      %get3A_935 = tpu.vector_load %arg11[%get3A_934] {strides = array<i32>} : memref<3200xi32, #tpu.memory_space<vmem>>, vector<16xi32>,
      %shift_right_arithmetic3A = arith.constant 7 : i32
      %shift_right_arithmetic3A_936 = vector.broadcast %shift_right_arithmetic3A : i32 to vector<16xi32>
      %shift_right_arithmetic3A_937 = arith.shrsi %get3A_933, %shift_right_arithmetic3A_936 : vector<16xi32>
      %shift_left3A = arith.constant 13 : i32
      %shift_left3A_938 = vector.broadcast %shift_left3A : i32 to vector<16xi32>
      %shift_left3A_939 = arith.shli %shift_right_arithmetic3A_937, %shift_left3A_938 : vector<16xi32>
      %and3A = arith.constant 127 : i32
      %and3A_940 = vector.broadcast %and3A : i32 to vector<16xi32>
      %and3A_941 = arith.andi %get3A_933, %and3A_940 : vector<16xi32>
      %add3A_942 = arith.addi %and3A_941, %get3A_935 : vector<16xi32>
      %add3A_943 = arith.addi %shift_left3A_939, %add3A_942 : vector<16xi32>
      tpu.vector_store_idx %arg9[%add3A_943], %broadcast_in_dim3A_3 {add = true} : memref<49152xf32, #tpu.memory_space<vmem>>[vector<16xi32>], vector<16xf32>,
      %mul3A_944 = arith.constant 64 : i32
      %mul3A_945 = arith.muli %scan3A_928, %mul3A_944 : i32
      %add3A_946 = arith.constant 16 : i32
      %add3A_947 = arith.addi %mul3A_945, %add3A_946 : i32
      %get3A_948 = arith.index_cast %add3A_947 : i32 to index
      %get3A_949 = tpu.vector_load %arg5[%get3A_948] {strides = array<i32>} : memref<3200xi32, #tpu.memory_space<vmem>>, vector<16xi32>,
      %get3A_950 = arith.index_cast %add3A_947 : i32 to index
      %get3A_951 = tpu.vector_load %arg11[%get3A_950] {strides = array<i32>} : memref<3200xi32, #tpu.memory_space<vmem>>, vector<16xi32>,
      %shift_right_arithmetic3A_952 = arith.constant 7 : i32
      %shift_right_arithmetic3A_953 = vector.broadcast %shift_right_arithmetic3A_952 : i32 to vector<16xi32>
      %shift_right_arithmetic3A_954 = arith.shrsi %get3A_949, %shift_right_arithmetic3A_953 : vector<16xi32>
      %shift_left3A_955 = arith.constant 13 : i32
      %shift_left3A_956 = vector.broadcast %shift_left3A_955 : i32 to vector<16xi32>
      %shift_left3A_957 = arith.shli %shift_right_arithmetic3A_954, %shift_left3A_956 : vector<16xi32>
      %and3A_958 = arith.constant 127 : i32
      %and3A_959 = vector.broadcast %and3A_958 : i32 to vector<16xi32>
      %and3A_960 = arith.andi %get3A_949, %and3A_959 : vector<16xi32>
      %add3A_961 = arith.addi %and3A_960, %get3A_951 : vector<16xi32>
      %add3A_962 = arith.addi %shift_left3A_957, %add3A_961 : vector<16xi32>
      tpu.vector_store_idx %arg9[%add3A_962], %broadcast_in_dim3A_3 {add = true} : memref<49152xf32, #tpu.memory_space<vmem>>[vector<16xi32>], vector<16xf32>,
      %mul3A_963 = arith.constant 64 : i32
      %mul3A_964 = arith.muli %scan3A_928, %mul3A_963 : i32
      %add3A_965 = arith.constant 32 : i32
      %add3A_966 = arith.addi %mul3A_964, %add3A_965 : i32
      %get3A_967 = arith.index_cast %add3A_966 : i32 to index
      %get3A_968 = tpu.vector_load %arg5[%get3A_967] {strides = array<i32>} : memref<3200xi32, #tpu.memory_space<vmem>>, vector<16xi32>,
      %get3A_969 = arith.index_cast %add3A_966 : i32 to index
      %get3A_970 = tpu.vector_load %arg11[%get3A_969] {strides = array<i32>} : memref<3200xi32, #tpu.memory_space<vmem>>, vector<16xi32>,
      %shift_right_arithmetic3A_971 = arith.constant 7 : i32
      %shift_right_arithmetic3A_972 = vector.broadcast %shift_right_arithmetic3A_971 : i32 to vector<16xi32>
      %shift_right_arithmetic3A_973 = arith.shrsi %get3A_968, %shift_right_arithmetic3A_972 : vector<16xi32>
      %shift_left3A_974 = arith.constant 13 : i32
      %shift_left3A_975 = vector.broadcast %shift_left3A_974 : i32 to vector<16xi32>
      %shift_left3A_976 = arith.shli %shift_right_arithmetic3A_973, %shift_left3A_975 : vector<16xi32>
      %and3A_977 = arith.constant 127 : i32
      %and3A_978 = vector.broadcast %and3A_977 : i32 to vector<16xi32>
      %and3A_979 = arith.andi %get3A_968, %and3A_978 : vector<16xi32>
      %add3A_980 = arith.addi %and3A_979, %get3A_970 : vector<16xi32>
      %add3A_981 = arith.addi %shift_left3A_976, %add3A_980 : vector<16xi32>
      tpu.vector_store_idx %arg9[%add3A_981], %broadcast_in_dim3A_3 {add = true} : memref<49152xf32, #tpu.memory_space<vmem>>[vector<16xi32>], vector<16xf32>,
      %mul3A_982 = arith.constant 64 : i32
      %mul3A_983 = arith.muli %scan3A_928, %mul3A_982 : i32
      %add3A_984 = arith.constant 48 : i32
      %add3A_985 = arith.addi %mul3A_983, %add3A_984 : i32
      %get3A_986 = arith.index_cast %add3A_985 : i32 to index
      %get3A_987 = tpu.vector_load %arg5[%get3A_986] {strides = array<i32>} : memref<3200xi32, #tpu.memory_space<vmem>>, vector<16xi32>,
      %get3A_988 = arith.index_cast %add3A_985 : i32 to index
      %get3A_989 = tpu.vector_load %arg11[%get3A_988] {strides = array<i32>} : memref<3200xi32, #tpu.memory_space<vmem>>, vector<16xi32>,
      %shift_right_arithmetic3A_990 = arith.constant 7 : i32
      %shift_right_arithmetic3A_991 = vector.broadcast %shift_right_arithmetic3A_990 : i32 to vector<16xi32>
      %shift_right_arithmetic3A_992 = arith.shrsi %get3A_987, %shift_right_arithmetic3A_991 : vector<16xi32>
      %shift_left3A_993 = arith.constant 13 : i32
      %shift_left3A_994 = vector.broadcast %shift_left3A_993 : i32 to vector<16xi32>
      %shift_left3A_995 = arith.shli %shift_right_arithmetic3A_992, %shift_left3A_994 : vector<16xi32>
      %and3A_996 = arith.constant 127 : i32
      %and3A_997 = vector.broadcast %and3A_996 : i32 to vector<16xi32>
      %and3A_998 = arith.andi %get3A_987, %and3A_997 : vector<16xi32>
      %add3A_999 = arith.addi %and3A_998, %get3A_989 : vector<16xi32>
      %add3A_1000 = arith.addi %shift_left3A_995, %add3A_999 : vector<16xi32>
      tpu.vector_store_idx %arg9[%add3A_1000], %broadcast_in_dim3A_3 {add = true} : memref<49152xf32, #tpu.memory_space<vmem>>[vector<16xi32>], vector<16xf32>,
    }
    %scan3A_34 = arith.constant 50 : i32
    %add3A_35 = arith.constant 0 : i32
    %add3A_36 = arith.addi %mul3A_2, %add3A_35 : i32
    %mul3A_37 = arith.constant 128 : i32
    %mul3A_38 = arith.muli %add3A_36, %mul3A_37 : i32
    %add3A_39 = arith.constant 0 : i32
    %add3A_40 = arith.addi %add3A_39, %mul3A_38 : i32
    %dma_start3A_41 = arith.constant 0 : i32
    %dma_start3A_42 = tpu.memref_slice %arg9[%dma_start3A_41] : memref<49152xf32, #tpu.memory_space<vmem>> -> memref<8192xf32, #tpu.memory_space<vmem>>
    %dma_start3A_43 = tpu.memref_slice %arg4[%add3A_40] : memref<12582912xf32, #tpu.memory_space<hbm>> -> memref<8192xf32, #tpu.memory_space<hbm>>
    %dma_start3A_44 = tpu.memref_slice %arg4[%add3A_40] : memref<12582912xf32, #tpu.memory_space<hbm>> -> memref<8192xf32, #tpu.memory_space<hbm>>
    %dma_start3A_45 = arith.constant 0 : i32
    %dma_start3A_46 = tpu.memref_slice %arg9[%dma_start3A_45] : memref<49152xf32, #tpu.memory_space<vmem>> -> memref<8192xf32, #tpu.memory_space<vmem>>
    tpu.enqueue_dma source(%dma_start3A_46 : memref<8192xf32, #tpu.memory_space<vmem>>) target(%dma_start3A_44 : memref<8192xf32, #tpu.memory_space<hbm>>) target_semaphore(%arg16 : memref<!tpu.dma_semaphore, #tpu.memory_space<semaphore_mem>>)
    %mul3A_47 = arith.constant 128 : i32
    %mul3A_48 = arith.muli %add3A_36, %mul3A_47 : i32
    %add3A_49 = arith.constant 2097152 : i32
    %add3A_50 = arith.addi %add3A_49, %mul3A_48 : i32
    %dma_start3A_51 = arith.constant 8192 : i32
    %dma_start3A_52 = tpu.memref_slice %arg9[%dma_start3A_51] : memref<49152xf32, #tpu.memory_space<vmem>> -> memref<8192xf32, #tpu.memory_space<vmem>>
    %dma_start3A_53 = tpu.memref_slice %arg4[%add3A_50] : memref<12582912xf32, #tpu.memory_space<hbm>> -> memref<8192xf32, #tpu.memory_space<hbm>>
    %dma_start3A_54 = tpu.memref_slice %arg4[%add3A_50] : memref<12582912xf32, #tpu.memory_space<hbm>> -> memref<8192xf32, #tpu.memory_space<hbm>>
    %dma_start3A_55 = arith.constant 8192 : i32
    %dma_start3A_56 = tpu.memref_slice %arg9[%dma_start3A_55] : memref<49152xf32, #tpu.memory_space<vmem>> -> memref<8192xf32, #tpu.memory_space<vmem>>
    tpu.enqueue_dma source(%dma_start3A_56 : memref<8192xf32, #tpu.memory_space<vmem>>) target(%dma_start3A_54 : memref<8192xf32, #tpu.memory_space<hbm>>) target_semaphore(%arg16 : memref<!tpu.dma_semaphore, #tpu.memory_space<semaphore_mem>>)
    %mul3A_57 = arith.constant 128 : i32
    %mul3A_58 = arith.muli %add3A_36, %mul3A_57 : i32
    %add3A_59 = arith.constant 4194304 : i32
    %add3A_60 = arith.addi %add3A_59, %mul3A_58 : i32
    %dma_start3A_61 = arith.constant 16384 : i32
    %dma_start3A_62 = tpu.memref_slice %arg9[%dma_start3A_61] : memref<49152xf32, #tpu.memory_space<vmem>> -> memref<8192xf32, #tpu.memory_space<vmem>>
    %dma_start3A_63 = tpu.memref_slice %arg4[%add3A_60] : memref<12582912xf32, #tpu.memory_space<hbm>> -> memref<8192xf32, #tpu.memory_space<hbm>>
    %dma_start3A_64 = tpu.memref_slice %arg4[%add3A_60] : memref<12582912xf32, #tpu.memory_space<hbm>> -> memref<8192xf32, #tpu.memory_space<hbm>>
    %dma_start3A_65 = arith.constant 16384 : i32
    %dma_start3A_66 = tpu.memref_slice %arg9[%dma_start3A_65] : memref<49152xf32, #tpu.memory_space<vmem>> -> memref<8192xf32, #tpu.memory_space<vmem>>
    tpu.enqueue_dma source(%dma_start3A_66 : memref<8192xf32, #tpu.memory_space<vmem>>) target(%dma_start3A_64 : memref<8192xf32, #tpu.memory_space<hbm>>) target_semaphore(%arg16 : memref<!tpu.dma_semaphore, #tpu.memory_space<semaphore_mem>>)
    %mul3A_67 = arith.constant 128 : i32
    %mul3A_68 = arith.muli %add3A_36, %mul3A_67 : i32
    %add3A_69 = arith.constant 6291456 : i32
    %add3A_70 = arith.addi %add3A_69, %mul3A_68 : i32
    %dma_start3A_71 = arith.constant 24576 : i32
    %dma_start3A_72 = tpu.memref_slice %arg9[%dma_start3A_71] : memref<49152xf32, #tpu.memory_space<vmem>> -> memref<8192xf32, #tpu.memory_space<vmem>>
    %dma_start3A_73 = tpu.memref_slice %arg4[%add3A_70] : memref<12582912xf32, #tpu.memory_space<hbm>> -> memref<8192xf32, #tpu.memory_space<hbm>>
    %dma_start3A_74 = tpu.memref_slice %arg4[%add3A_70] : memref<12582912xf32, #tpu.memory_space<hbm>> -> memref<8192xf32, #tpu.memory_space<hbm>>
    %dma_start3A_75 = arith.constant 24576 : i32
    %dma_start3A_76 = tpu.memref_slice %arg9[%dma_start3A_75] : memref<49152xf32, #tpu.memory_space<vmem>> -> memref<8192xf32, #tpu.memory_space<vmem>>
    tpu.enqueue_dma source(%dma_start3A_76 : memref<8192xf32, #tpu.memory_space<vmem>>) target(%dma_start3A_74 : memref<8192xf32, #tpu.memory_space<hbm>>) target_semaphore(%arg16 : memref<!tpu.dma_semaphore, #tpu.memory_space<semaphore_mem>>)
    %mul3A_77 = arith.constant 128 : i32
    %mul3A_78 = arith.muli %add3A_36, %mul3A_77 : i32
    %add3A_79 = arith.constant 8388608 : i32
    %add3A_80 = arith.addi %add3A_79, %mul3A_78 : i32
    %dma_start3A_81 = arith.constant 32768 : i32
    %dma_start3A_82 = tpu.memref_slice %arg9[%dma_start3A_81] : memref<49152xf32, #tpu.memory_space<vmem>> -> memref<8192xf32, #tpu.memory_space<vmem>>
    %dma_start3A_83 = tpu.memref_slice %arg4[%add3A_80] : memref<12582912xf32, #tpu.memory_space<hbm>> -> memref<8192xf32, #tpu.memory_space<hbm>>
    %dma_start3A_84 = tpu.memref_slice %arg4[%add3A_80] : memref<12582912xf32, #tpu.memory_space<hbm>> -> memref<8192xf32, #tpu.memory_space<hbm>>
    %dma_start3A_85 = arith.constant 32768 : i32
    %dma_start3A_86 = tpu.memref_slice %arg9[%dma_start3A_85] : memref<49152xf32, #tpu.memory_space<vmem>> -> memref<8192xf32, #tpu.memory_space<vmem>>
    tpu.enqueue_dma source(%dma_start3A_86 : memref<8192xf32, #tpu.memory_space<vmem>>) target(%dma_start3A_84 : memref<8192xf32, #tpu.memory_space<hbm>>) target_semaphore(%arg16 : memref<!tpu.dma_semaphore, #tpu.memory_space<semaphore_mem>>)
    %mul3A_87 = arith.constant 128 : i32
    %mul3A_88 = arith.muli %add3A_36, %mul3A_87 : i32
    %add3A_89 = arith.constant 10485760 : i32
    %add3A_90 = arith.addi %add3A_89, %mul3A_88 : i32
    %dma_start3A_91 = arith.constant 40960 : i32
    %dma_start3A_92 = tpu.memref_slice %arg9[%dma_start3A_91] : memref<49152xf32, #tpu.memory_space<vmem>> -> memref<8192xf32, #tpu.memory_space<vmem>>
    %dma_start3A_93 = tpu.memref_slice %arg4[%add3A_90] : memref<12582912xf32, #tpu.memory_space<hbm>> -> memref<8192xf32, #tpu.memory_space<hbm>>
    %dma_start3A_94 = tpu.memref_slice %arg4[%add3A_90] : memref<12582912xf32, #tpu.memory_space<hbm>> -> memref<8192xf32, #tpu.memory_space<hbm>>
    %dma_start3A_95 = arith.constant 40960 : i32
    %dma_start3A_96 = tpu.memref_slice %arg9[%dma_start3A_95] : memref<49152xf32, #tpu.memory_space<vmem>> -> memref<8192xf32, #tpu.memory_space<vmem>>
    tpu.enqueue_dma source(%dma_start3A_96 : memref<8192xf32, #tpu.memory_space<vmem>>) target(%dma_start3A_94 : memref<8192xf32, #tpu.memory_space<hbm>>) target_semaphore(%arg16 : memref<!tpu.dma_semaphore, #tpu.memory_space<semaphore_mem>>)
    %add3A_97 = arith.constant 128 : i32
    %add3A_98 = arith.addi %mul3A_2, %add3A_97 : i32
    %mul3A_99 = arith.constant 50 : i32
    %mul3A_100 = arith.muli %add3A_98, %mul3A_99 : i32
    %dma_start3A_101 = tpu.memref_slice %arg2[%mul3A_100] : memref<819200xi32, #tpu.memory_space<hbm>> -> memref<3200xi32, #tpu.memory_space<hbm>>
    %dma_start3A_102 = tpu.memref_slice %arg2[%mul3A_100] : memref<819200xi32, #tpu.memory_space<hbm>> -> memref<3200xi32, #tpu.memory_space<hbm>>
    tpu.enqueue_dma source(%dma_start3A_102 : memref<3200xi32, #tpu.memory_space<hbm>>) target(%arg7 : memref<3200xi32, #tpu.memory_space<vmem>>) target_semaphore(%arg14 : memref<!tpu.dma_semaphore, #tpu.memory_space<semaphore_mem>>)
    %dma_wait3A_103 = tpu.memref_slice %arg2[%mul3A_25] : memref<819200xi32, #tpu.memory_space<hbm>> -> memref<3200xi32, #tpu.memory_space<hbm>>
    %dma_wait3A_104 = tpu.memref_slice %arg2[%mul3A_25] : memref<819200xi32, #tpu.memory_space<hbm>> -> memref<3200xi32, #tpu.memory_space<hbm>>
    tpu.wait_dma2 semaphore(%arg13 : memref<!tpu.dma_semaphore, #tpu.memory_space<semaphore_mem>>) src(%dma_wait3A_104 : memref<3200xi32, #tpu.memory_space<hbm>>) dst(%arg6 : memref<3200xi32, #tpu.memory_space<vmem>>)
    %scan3A_105 = arith.constant 0 : i32
    %scan3A_106 = arith.constant 0 : i32
    %scan3A_107 = arith.constant 50 : i32
    %scan3A_108 = arith.addi %scan3A_106, %scan3A_107 : i32
    %scan3A_109 = arith.constant 1 : i32
    scf.for %scan3A_928 = %scan3A_106 to %scan3A_108 step %scan3A_109  : i32 {
      %mul3A_929 = arith.constant 64 : i32
      %mul3A_930 = arith.muli %scan3A_928, %mul3A_929 : i32
      %add3A_931 = arith.constant 0 : i32
      %add3A_932 = arith.addi %mul3A_930, %add3A_931 : i32
      %get3A = arith.index_cast %add3A_932 : i32 to index
      %get3A_933 = tpu.vector_load %arg6[%get3A] {strides = array<i32>} : memref<3200xi32, #tpu.memory_space<vmem>>, vector<16xi32>,
      %get3A_934 = arith.index_cast %add3A_932 : i32 to index
      %get3A_935 = tpu.vector_load %arg11[%get3A_934] {strides = array<i32>} : memref<3200xi32, #tpu.memory_space<vmem>>, vector<16xi32>,
      %shift_right_arithmetic3A = arith.constant 7 : i32
      %shift_right_arithmetic3A_936 = vector.broadcast %shift_right_arithmetic3A : i32 to vector<16xi32>
      %shift_right_arithmetic3A_937 = arith.shrsi %get3A_933, %shift_right_arithmetic3A_936 : vector<16xi32>
      %shift_left3A = arith.constant 13 : i32
      %shift_left3A_938 = vector.broadcast %shift_left3A : i32 to vector<16xi32>
      %shift_left3A_939 = arith.shli %shift_right_arithmetic3A_937, %shift_left3A_938 : vector<16xi32>
      %and3A = arith.constant 127 : i32
      %and3A_940 = vector.broadcast %and3A : i32 to vector<16xi32>
      %and3A_941 = arith.andi %get3A_933, %and3A_940 : vector<16xi32>
      %add3A_942 = arith.addi %and3A_941, %get3A_935 : vector<16xi32>
      %add3A_943 = arith.addi %shift_left3A_939, %add3A_942 : vector<16xi32>
      tpu.vector_store_idx %arg10[%add3A_943], %broadcast_in_dim3A_3 {add = true} : memref<49152xf32, #tpu.memory_space<vmem>>[vector<16xi32>], vector<16xf32>,
      %mul3A_944 = arith.constant 64 : i32
      %mul3A_945 = arith.muli %scan3A_928, %mul3A_944 : i32
      %add3A_946 = arith.constant 16 : i32
      %add3A_947 = arith.addi %mul3A_945, %add3A_946 : i32
      %get3A_948 = arith.index_cast %add3A_947 : i32 to index
      %get3A_949 = tpu.vector_load %arg6[%get3A_948] {strides = array<i32>} : memref<3200xi32, #tpu.memory_space<vmem>>, vector<16xi32>,
      %get3A_950 = arith.index_cast %add3A_947 : i32 to index
      %get3A_951 = tpu.vector_load %arg11[%get3A_950] {strides = array<i32>} : memref<3200xi32, #tpu.memory_space<vmem>>, vector<16xi32>,
      %shift_right_arithmetic3A_952 = arith.constant 7 : i32
      %shift_right_arithmetic3A_953 = vector.broadcast %shift_right_arithmetic3A_952 : i32 to vector<16xi32>
      %shift_right_arithmetic3A_954 = arith.shrsi %get3A_949, %shift_right_arithmetic3A_953 : vector<16xi32>
      %shift_left3A_955 = arith.constant 13 : i32
      %shift_left3A_956 = vector.broadcast %shift_left3A_955 : i32 to vector<16xi32>
      %shift_left3A_957 = arith.shli %shift_right_arithmetic3A_954, %shift_left3A_956 : vector<16xi32>
      %and3A_958 = arith.constant 127 : i32
      %and3A_959 = vector.broadcast %and3A_958 : i32 to vector<16xi32>
      %and3A_960 = arith.andi %get3A_949, %and3A_959 : vector<16xi32>
      %add3A_961 = arith.addi %and3A_960, %get3A_951 : vector<16xi32>
      %add3A_962 = arith.addi %shift_left3A_957, %add3A_961 : vector<16xi32>
      tpu.vector_store_idx %arg10[%add3A_962], %broadcast_in_dim3A_3 {add = true} : memref<49152xf32, #tpu.memory_space<vmem>>[vector<16xi32>], vector<16xf32>,
      %mul3A_963 = arith.constant 64 : i32
      %mul3A_964 = arith.muli %scan3A_928, %mul3A_963 : i32
      %add3A_965 = arith.constant 32 : i32
      %add3A_966 = arith.addi %mul3A_964, %add3A_965 : i32
      %get3A_967 = arith.index_cast %add3A_966 : i32 to index
      %get3A_968 = tpu.vector_load %arg6[%get3A_967] {strides = array<i32>} : memref<3200xi32, #tpu.memory_space<vmem>>, vector<16xi32>,
      %get3A_969 = arith.index_cast %add3A_966 : i32 to index
      %get3A_970 = tpu.vector_load %arg11[%get3A_969] {strides = array<i32>} : memref<3200xi32, #tpu.memory_space<vmem>>, vector<16xi32>,
      %shift_right_arithmetic3A_971 = arith.constant 7 : i32
      %shift_right_arithmetic3A_972 = vector.broadcast %shift_right_arithmetic3A_971 : i32 to vector<16xi32>
      %shift_right_arithmetic3A_973 = arith.shrsi %get3A_968, %shift_right_arithmetic3A_972 : vector<16xi32>
      %shift_left3A_974 = arith.constant 13 : i32
      %shift_left3A_975 = vector.broadcast %shift_left3A_974 : i32 to vector<16xi32>
      %shift_left3A_976 = arith.shli %shift_right_arithmetic3A_973, %shift_left3A_975 : vector<16xi32>
      %and3A_977 = arith.constant 127 : i32
      %and3A_978 = vector.broadcast %and3A_977 : i32 to vector<16xi32>
      %and3A_979 = arith.andi %get3A_968, %and3A_978 : vector<16xi32>
      %add3A_980 = arith.addi %and3A_979, %get3A_970 : vector<16xi32>
      %add3A_981 = arith.addi %shift_left3A_976, %add3A_980 : vector<16xi32>
      tpu.vector_store_idx %arg10[%add3A_981], %broadcast_in_dim3A_3 {add = true} : memref<49152xf32, #tpu.memory_space<vmem>>[vector<16xi32>], vector<16xf32>,
      %mul3A_982 = arith.constant 64 : i32
      %mul3A_983 = arith.muli %scan3A_928, %mul3A_982 : i32
      %add3A_984 = arith.constant 48 : i32
      %add3A_985 = arith.addi %mul3A_983, %add3A_984 : i32
      %get3A_986 = arith.index_cast %add3A_985 : i32 to index
      %get3A_987 = tpu.vector_load %arg6[%get3A_986] {strides = array<i32>} : memref<3200xi32, #tpu.memory_space<vmem>>, vector<16xi32>,
      %get3A_988 = arith.index_cast %add3A_985 : i32 to index
      %get3A_989 = tpu.vector_load %arg11[%get3A_988] {strides = array<i32>} : memref<3200xi32, #tpu.memory_space<vmem>>, vector<16xi32>,
      %shift_right_arithmetic3A_990 = arith.constant 7 : i32
      %shift_right_arithmetic3A_991 = vector.broadcast %shift_right_arithmetic3A_990 : i32 to vector<16xi32>
      %shift_right_arithmetic3A_992 = arith.shrsi %get3A_987, %shift_right_arithmetic3A_991 : vector<16xi32>
      %shift_left3A_993 = arith.constant 13 : i32
      %shift_left3A_994 = vector.broadcast %shift_left3A_993 : i32 to vector<16xi32>
      %shift_left3A_995 = arith.shli %shift_right_arithmetic3A_992, %shift_left3A_994 : vector<16xi32>
      %and3A_996 = arith.constant 127 : i32
      %and3A_997 = vector.broadcast %and3A_996 : i32 to vector<16xi32>
      %and3A_998 = arith.andi %get3A_987, %and3A_997 : vector<16xi32>
      %add3A_999 = arith.addi %and3A_998, %get3A_989 : vector<16xi32>
      %add3A_1000 = arith.addi %shift_left3A_995, %add3A_999 : vector<16xi32>
      tpu.vector_store_idx %arg10[%add3A_1000], %broadcast_in_dim3A_3 {add = true} : memref<49152xf32, #tpu.memory_space<vmem>>[vector<16xi32>], vector<16xf32>,
    }
    %scan3A_110 = arith.constant 50 : i32
    %add3A_111 = arith.constant 64 : i32
    %add3A_112 = arith.addi %mul3A_2, %add3A_111 : i32
    %mul3A_113 = arith.constant 128 : i32
    %mul3A_114 = arith.muli %add3A_112, %mul3A_113 : i32
    %add3A_115 = arith.constant 0 : i32
    %add3A_116 = arith.addi %add3A_115, %mul3A_114 : i32
    %dma_start3A_117 = arith.constant 0 : i32
    %dma_start3A_118 = tpu.memref_slice %arg10[%dma_start3A_117] : memref<49152xf32, #tpu.memory_space<vmem>> -> memref<8192xf32, #tpu.memory_space<vmem>>
    %dma_start3A_119 = tpu.memref_slice %arg4[%add3A_116] : memref<12582912xf32, #tpu.memory_space<hbm>> -> memref<8192xf32, #tpu.memory_space<hbm>>
    %dma_start3A_120 = tpu.memref_slice %arg4[%add3A_116] : memref<12582912xf32, #tpu.memory_space<hbm>> -> memref<8192xf32, #tpu.memory_space<hbm>>
    %dma_start3A_121 = arith.constant 0 : i32
    %dma_start3A_122 = tpu.memref_slice %arg10[%dma_start3A_121] : memref<49152xf32, #tpu.memory_space<vmem>> -> memref<8192xf32, #tpu.memory_space<vmem>>
    tpu.enqueue_dma source(%dma_start3A_122 : memref<8192xf32, #tpu.memory_space<vmem>>) target(%dma_start3A_120 : memref<8192xf32, #tpu.memory_space<hbm>>) target_semaphore(%arg17 : memref<!tpu.dma_semaphore, #tpu.memory_space<semaphore_mem>>)
    %mul3A_123 = arith.constant 128 : i32
    %mul3A_124 = arith.muli %add3A_112, %mul3A_123 : i32
    %add3A_125 = arith.constant 2097152 : i32
    %add3A_126 = arith.addi %add3A_125, %mul3A_124 : i32
    %dma_start3A_127 = arith.constant 8192 : i32
    %dma_start3A_128 = tpu.memref_slice %arg10[%dma_start3A_127] : memref<49152xf32, #tpu.memory_space<vmem>> -> memref<8192xf32, #tpu.memory_space<vmem>>
    %dma_start3A_129 = tpu.memref_slice %arg4[%add3A_126] : memref<12582912xf32, #tpu.memory_space<hbm>> -> memref<8192xf32, #tpu.memory_space<hbm>>
    %dma_start3A_130 = tpu.memref_slice %arg4[%add3A_126] : memref<12582912xf32, #tpu.memory_space<hbm>> -> memref<8192xf32, #tpu.memory_space<hbm>>
    %dma_start3A_131 = arith.constant 8192 : i32
    %dma_start3A_132 = tpu.memref_slice %arg10[%dma_start3A_131] : memref<49152xf32, #tpu.memory_space<vmem>> -> memref<8192xf32, #tpu.memory_space<vmem>>
    tpu.enqueue_dma source(%dma_start3A_132 : memref<8192xf32, #tpu.memory_space<vmem>>) target(%dma_start3A_130 : memref<8192xf32, #tpu.memory_space<hbm>>) target_semaphore(%arg17 : memref<!tpu.dma_semaphore, #tpu.memory_space<semaphore_mem>>)
    %mul3A_133 = arith.constant 128 : i32
    %mul3A_134 = arith.muli %add3A_112, %mul3A_133 : i32
    %add3A_135 = arith.constant 4194304 : i32
    %add3A_136 = arith.addi %add3A_135, %mul3A_134 : i32
    %dma_start3A_137 = arith.constant 16384 : i32
    %dma_start3A_138 = tpu.memref_slice %arg10[%dma_start3A_137] : memref<49152xf32, #tpu.memory_space<vmem>> -> memref<8192xf32, #tpu.memory_space<vmem>>
    %dma_start3A_139 = tpu.memref_slice %arg4[%add3A_136] : memref<12582912xf32, #tpu.memory_space<hbm>> -> memref<8192xf32, #tpu.memory_space<hbm>>
    %dma_start3A_140 = tpu.memref_slice %arg4[%add3A_136] : memref<12582912xf32, #tpu.memory_space<hbm>> -> memref<8192xf32, #tpu.memory_space<hbm>>
    %dma_start3A_141 = arith.constant 16384 : i32
    %dma_start3A_142 = tpu.memref_slice %arg10[%dma_start3A_141] : memref<49152xf32, #tpu.memory_space<vmem>> -> memref<8192xf32, #tpu.memory_space<vmem>>
    tpu.enqueue_dma source(%dma_start3A_142 : memref<8192xf32, #tpu.memory_space<vmem>>) target(%dma_start3A_140 : memref<8192xf32, #tpu.memory_space<hbm>>) target_semaphore(%arg17 : memref<!tpu.dma_semaphore, #tpu.memory_space<semaphore_mem>>)
    %mul3A_143 = arith.constant 128 : i32
    %mul3A_144 = arith.muli %add3A_112, %mul3A_143 : i32
    %add3A_145 = arith.constant 6291456 : i32
    %add3A_146 = arith.addi %add3A_145, %mul3A_144 : i32
    %dma_start3A_147 = arith.constant 24576 : i32
    %dma_start3A_148 = tpu.memref_slice %arg10[%dma_start3A_147] : memref<49152xf32, #tpu.memory_space<vmem>> -> memref<8192xf32, #tpu.memory_space<vmem>>
    %dma_start3A_149 = tpu.memref_slice %arg4[%add3A_146] : memref<12582912xf32, #tpu.memory_space<hbm>> -> memref<8192xf32, #tpu.memory_space<hbm>>
    %dma_start3A_150 = tpu.memref_slice %arg4[%add3A_146] : memref<12582912xf32, #tpu.memory_space<hbm>> -> memref<8192xf32, #tpu.memory_space<hbm>>
    %dma_start3A_151 = arith.constant 24576 : i32
    %dma_start3A_152 = tpu.memref_slice %arg10[%dma_start3A_151] : memref<49152xf32, #tpu.memory_space<vmem>> -> memref<8192xf32, #tpu.memory_space<vmem>>
    tpu.enqueue_dma source(%dma_start3A_152 : memref<8192xf32, #tpu.memory_space<vmem>>) target(%dma_start3A_150 : memref<8192xf32, #tpu.memory_space<hbm>>) target_semaphore(%arg17 : memref<!tpu.dma_semaphore, #tpu.memory_space<semaphore_mem>>)
    %mul3A_153 = arith.constant 128 : i32
    %mul3A_154 = arith.muli %add3A_112, %mul3A_153 : i32
    %add3A_155 = arith.constant 8388608 : i32
    %add3A_156 = arith.addi %add3A_155, %mul3A_154 : i32
    %dma_start3A_157 = arith.constant 32768 : i32
    %dma_start3A_158 = tpu.memref_slice %arg10[%dma_start3A_157] : memref<49152xf32, #tpu.memory_space<vmem>> -> memref<8192xf32, #tpu.memory_space<vmem>>
    %dma_start3A_159 = tpu.memref_slice %arg4[%add3A_156] : memref<12582912xf32, #tpu.memory_space<hbm>> -> memref<8192xf32, #tpu.memory_space<hbm>>
    %dma_start3A_160 = tpu.memref_slice %arg4[%add3A_156] : memref<12582912xf32, #tpu.memory_space<hbm>> -> memref<8192xf32, #tpu.memory_space<hbm>>
    %dma_start3A_161 = arith.constant 32768 : i32
    %dma_start3A_162 = tpu.memref_slice %arg10[%dma_start3A_161] : memref<49152xf32, #tpu.memory_space<vmem>> -> memref<8192xf32, #tpu.memory_space<vmem>>
    tpu.enqueue_dma source(%dma_start3A_162 : memref<8192xf32, #tpu.memory_space<vmem>>) target(%dma_start3A_160 : memref<8192xf32, #tpu.memory_space<hbm>>) target_semaphore(%arg17 : memref<!tpu.dma_semaphore, #tpu.memory_space<semaphore_mem>>)
    %mul3A_163 = arith.constant 128 : i32
    %mul3A_164 = arith.muli %add3A_112, %mul3A_163 : i32
    %add3A_165 = arith.constant 10485760 : i32
    %add3A_166 = arith.addi %add3A_165, %mul3A_164 : i32
    %dma_start3A_167 = arith.constant 40960 : i32
    %dma_start3A_168 = tpu.memref_slice %arg10[%dma_start3A_167] : memref<49152xf32, #tpu.memory_space<vmem>> -> memref<8192xf32, #tpu.memory_space<vmem>>
    %dma_start3A_169 = tpu.memref_slice %arg4[%add3A_166] : memref<12582912xf32, #tpu.memory_space<hbm>> -> memref<8192xf32, #tpu.memory_space<hbm>>
    %dma_start3A_170 = tpu.memref_slice %arg4[%add3A_166] : memref<12582912xf32, #tpu.memory_space<hbm>> -> memref<8192xf32, #tpu.memory_space<hbm>>
    %dma_start3A_171 = arith.constant 40960 : i32
    %dma_start3A_172 = tpu.memref_slice %arg10[%dma_start3A_171] : memref<49152xf32, #tpu.memory_space<vmem>> -> memref<8192xf32, #tpu.memory_space<vmem>>
    tpu.enqueue_dma source(%dma_start3A_172 : memref<8192xf32, #tpu.memory_space<vmem>>) target(%dma_start3A_170 : memref<8192xf32, #tpu.memory_space<hbm>>) target_semaphore(%arg17 : memref<!tpu.dma_semaphore, #tpu.memory_space<semaphore_mem>>)
    %add3A_173 = arith.constant 192 : i32
    %add3A_174 = arith.addi %mul3A_2, %add3A_173 : i32
    %mul3A_175 = arith.constant 50 : i32
    %mul3A_176 = arith.muli %add3A_174, %mul3A_175 : i32
    %dma_start3A_177 = tpu.memref_slice %arg2[%mul3A_176] : memref<819200xi32, #tpu.memory_space<hbm>> -> memref<3200xi32, #tpu.memory_space<hbm>>
    %dma_start3A_178 = tpu.memref_slice %arg2[%mul3A_176] : memref<819200xi32, #tpu.memory_space<hbm>> -> memref<3200xi32, #tpu.memory_space<hbm>>
    tpu.enqueue_dma source(%dma_start3A_178 : memref<3200xi32, #tpu.memory_space<hbm>>) target(%arg8 : memref<3200xi32, #tpu.memory_space<vmem>>) target_semaphore(%arg15 : memref<!tpu.dma_semaphore, #tpu.memory_space<semaphore_mem>>)
    %dma_wait3A_179 = arith.constant 0 : i32
    %dma_wait3A_180 = tpu.memref_slice %arg9[%dma_wait3A_179] : memref<49152xf32, #tpu.memory_space<vmem>> -> memref<8192xf32, #tpu.memory_space<vmem>>
    %dma_wait3A_181 = tpu.memref_slice %arg4[%add3A_40] : memref<12582912xf32, #tpu.memory_space<hbm>> -> memref<8192xf32, #tpu.memory_space<hbm>>
    %dma_wait3A_182 = tpu.memref_slice %arg4[%add3A_40] : memref<12582912xf32, #tpu.memory_space<hbm>> -> memref<8192xf32, #tpu.memory_space<hbm>>
    %dma_wait3A_183 = arith.constant 0 : i32
    %dma_wait3A_184 = tpu.memref_slice %arg9[%dma_wait3A_183] : memref<49152xf32, #tpu.memory_space<vmem>> -> memref<8192xf32, #tpu.memory_space<vmem>>
    tpu.wait_dma2 semaphore(%arg16 : memref<!tpu.dma_semaphore, #tpu.memory_space<semaphore_mem>>) src(%dma_wait3A_184 : memref<8192xf32, #tpu.memory_space<vmem>>) dst(%dma_wait3A_182 : memref<8192xf32, #tpu.memory_space<hbm>>)
    %dma_wait3A_185 = arith.constant 8192 : i32
    %dma_wait3A_186 = tpu.memref_slice %arg9[%dma_wait3A_185] : memref<49152xf32, #tpu.memory_space<vmem>> -> memref<8192xf32, #tpu.memory_space<vmem>>
    %dma_wait3A_187 = tpu.memref_slice %arg4[%add3A_50] : memref<12582912xf32, #tpu.memory_space<hbm>> -> memref<8192xf32, #tpu.memory_space<hbm>>
    %dma_wait3A_188 = tpu.memref_slice %arg4[%add3A_50] : memref<12582912xf32, #tpu.memory_space<hbm>> -> memref<8192xf32, #tpu.memory_space<hbm>>
    %dma_wait3A_189 = arith.constant 8192 : i32
    %dma_wait3A_190 = tpu.memref_slice %arg9[%dma_wait3A_189] : memref<49152xf32, #tpu.memory_space<vmem>> -> memref<8192xf32, #tpu.memory_space<vmem>>
    tpu.wait_dma2 semaphore(%arg16 : memref<!tpu.dma_semaphore, #tpu.memory_space<semaphore_mem>>) src(%dma_wait3A_190 : memref<8192xf32, #tpu.memory_space<vmem>>) dst(%dma_wait3A_188 : memref<8192xf32, #tpu.memory_space<hbm>>)
    %dma_wait3A_191 = arith.constant 16384 : i32
    %dma_wait3A_192 = tpu.memref_slice %arg9[%dma_wait3A_191] : memref<49152xf32, #tpu.memory_space<vmem>> -> memref<8192xf32, #tpu.memory_space<vmem>>
    %dma_wait3A_193 = tpu.memref_slice %arg4[%add3A_60] : memref<12582912xf32, #tpu.memory_space<hbm>> -> memref<8192xf32, #tpu.memory_space<hbm>>
    %dma_wait3A_194 = tpu.memref_slice %arg4[%add3A_60] : memref<12582912xf32, #tpu.memory_space<hbm>> -> memref<8192xf32, #tpu.memory_space<hbm>>
    %dma_wait3A_195 = arith.constant 16384 : i32
    %dma_wait3A_196 = tpu.memref_slice %arg9[%dma_wait3A_195] : memref<49152xf32, #tpu.memory_space<vmem>> -> memref<8192xf32, #tpu.memory_space<vmem>>
    tpu.wait_dma2 semaphore(%arg16 : memref<!tpu.dma_semaphore, #tpu.memory_space<semaphore_mem>>) src(%dma_wait3A_196 : memref<8192xf32, #tpu.memory_space<vmem>>) dst(%dma_wait3A_194 : memref<8192xf32, #tpu.memory_space<hbm>>)
    %dma_wait3A_197 = arith.constant 24576 : i32
    %dma_wait3A_198 = tpu.memref_slice %arg9[%dma_wait3A_197] : memref<49152xf32, #tpu.memory_space<vmem>> -> memref<8192xf32, #tpu.memory_space<vmem>>
    %dma_wait3A_199 = tpu.memref_slice %arg4[%add3A_70] : memref<12582912xf32, #tpu.memory_space<hbm>> -> memref<8192xf32, #tpu.memory_space<hbm>>
    %dma_wait3A_200 = tpu.memref_slice %arg4[%add3A_70] : memref<12582912xf32, #tpu.memory_space<hbm>> -> memref<8192xf32, #tpu.memory_space<hbm>>
    %dma_wait3A_201 = arith.constant 24576 : i32
    %dma_wait3A_202 = tpu.memref_slice %arg9[%dma_wait3A_201] : memref<49152xf32, #tpu.memory_space<vmem>> -> memref<8192xf32, #tpu.memory_space<vmem>>
    tpu.wait_dma2 semaphore(%arg16 : memref<!tpu.dma_semaphore, #tpu.memory_space<semaphore_mem>>) src(%dma_wait3A_202 : memref<8192xf32, #tpu.memory_space<vmem>>) dst(%dma_wait3A_200 : memref<8192xf32, #tpu.memory_space<hbm>>)
    %dma_wait3A_203 = arith.constant 32768 : i32
    %dma_wait3A_204 = tpu.memref_slice %arg9[%dma_wait3A_203] : memref<49152xf32, #tpu.memory_space<vmem>> -> memref<8192xf32, #tpu.memory_space<vmem>>
    %dma_wait3A_205 = tpu.memref_slice %arg4[%add3A_80] : memref<12582912xf32, #tpu.memory_space<hbm>> -> memref<8192xf32, #tpu.memory_space<hbm>>
    %dma_wait3A_206 = tpu.memref_slice %arg4[%add3A_80] : memref<12582912xf32, #tpu.memory_space<hbm>> -> memref<8192xf32, #tpu.memory_space<hbm>>
    %dma_wait3A_207 = arith.constant 32768 : i32
    %dma_wait3A_208 = tpu.memref_slice %arg9[%dma_wait3A_207] : memref<49152xf32, #tpu.memory_space<vmem>> -> memref<8192xf32, #tpu.memory_space<vmem>>
    tpu.wait_dma2 semaphore(%arg16 : memref<!tpu.dma_semaphore, #tpu.memory_space<semaphore_mem>>) src(%dma_wait3A_208 : memref<8192xf32, #tpu.memory_space<vmem>>) dst(%dma_wait3A_206 : memref<8192xf32, #tpu.memory_space<hbm>>)
    %dma_wait3A_209 = arith.constant 40960 : i32
    %dma_wait3A_210 = tpu.memref_slice %arg9[%dma_wait3A_209] : memref<49152xf32, #tpu.memory_space<vmem>> -> memref<8192xf32, #tpu.memory_space<vmem>>
    %dma_wait3A_211 = tpu.memref_slice %arg4[%add3A_90] : memref<12582912xf32, #tpu.memory_space<hbm>> -> memref<8192xf32, #tpu.memory_space<hbm>>
    %dma_wait3A_212 = tpu.memref_slice %arg4[%add3A_90] : memref<12582912xf32, #tpu.memory_space<hbm>> -> memref<8192xf32, #tpu.memory_space<hbm>>
    %dma_wait3A_213 = arith.constant 40960 : i32
    %dma_wait3A_214 = tpu.memref_slice %arg9[%dma_wait3A_213] : memref<49152xf32, #tpu.memory_space<vmem>> -> memref<8192xf32, #tpu.memory_space<vmem>>
    tpu.wait_dma2 semaphore(%arg16 : memref<!tpu.dma_semaphore, #tpu.memory_space<semaphore_mem>>) src(%dma_wait3A_214 : memref<8192xf32, #tpu.memory_space<vmem>>) dst(%dma_wait3A_212 : memref<8192xf32, #tpu.memory_space<hbm>>)
    %parallel_loop3A = arith.constant 0 : i32
    %parallel_loop3A_215 = arith.constant 200 : i32
    %parallel_loop3A_216 = arith.constant 1 : i32
    scf.for %parallel_loop3A_928 = %parallel_loop3A to %parallel_loop3A_215 step %parallel_loop3A_216  : i32 {
      %parallel_loop3A_929 = arith.constant 16 : i32
      %parallel_loop3A_930 = arith.muli %parallel_loop3A_928, %parallel_loop3A_929 : i32
      %parallel_loop3A_931 = arith.index_cast %parallel_loop3A_930 : i32 to index
      %parallel_loop3A_932 = tpu.vector_load %arg5[%parallel_loop3A_931] {strides = array<i32>} : memref<3200xi32, #tpu.memory_space<vmem>>, vector<16xi32>,
      %parallel_loop3A_933 = arith.index_cast %parallel_loop3A_930 : i32 to index
      %parallel_loop3A_934 = tpu.vector_load %arg11[%parallel_loop3A_933] {strides = array<i32>} : memref<3200xi32, #tpu.memory_space<vmem>>, vector<16xi32>,
      %parallel_loop3A_935 = arith.constant 7 : i32
      %parallel_loop3A_936 = vector.broadcast %parallel_loop3A_935 : i32 to vector<16xi32>
      %parallel_loop3A_937 = arith.shrsi %parallel_loop3A_932, %parallel_loop3A_936 : vector<16xi32>
      %parallel_loop3A_938 = arith.constant 13 : i32
      %parallel_loop3A_939 = vector.broadcast %parallel_loop3A_938 : i32 to vector<16xi32>
      %parallel_loop3A_940 = arith.shli %parallel_loop3A_937, %parallel_loop3A_939 : vector<16xi32>
      %parallel_loop3A_941 = arith.constant 127 : i32
      %parallel_loop3A_942 = vector.broadcast %parallel_loop3A_941 : i32 to vector<16xi32>
      %parallel_loop3A_943 = arith.andi %parallel_loop3A_932, %parallel_loop3A_942 : vector<16xi32>
      %parallel_loop3A_944 = arith.addi %parallel_loop3A_943, %parallel_loop3A_934 : vector<16xi32>
      %parallel_loop3A_945 = arith.addi %parallel_loop3A_940, %parallel_loop3A_944 : vector<16xi32>
      tpu.vector_store_idx %arg9[%parallel_loop3A_945], %broadcast_in_dim3A_5 : memref<49152xf32, #tpu.memory_space<vmem>>[vector<16xi32>], vector<16xf32>,
    } {sc.loop_unroll_factor = 8 : i64, sc.parallel_access}
    %dma_wait3A_217 = tpu.memref_slice %arg2[%mul3A_100] : memref<819200xi32, #tpu.memory_space<hbm>> -> memref<3200xi32, #tpu.memory_space<hbm>>
    %dma_wait3A_218 = tpu.memref_slice %arg2[%mul3A_100] : memref<819200xi32, #tpu.memory_space<hbm>> -> memref<3200xi32, #tpu.memory_space<hbm>>
    tpu.wait_dma2 semaphore(%arg14 : memref<!tpu.dma_semaphore, #tpu.memory_space<semaphore_mem>>) src(%dma_wait3A_218 : memref<3200xi32, #tpu.memory_space<hbm>>) dst(%arg7 : memref<3200xi32, #tpu.memory_space<vmem>>)
    %scan3A_219 = arith.constant 0 : i32
    %scan3A_220 = arith.constant 0 : i32
    %scan3A_221 = arith.constant 50 : i32
    %scan3A_222 = arith.addi %scan3A_220, %scan3A_221 : i32
    %scan3A_223 = arith.constant 1 : i32
    scf.for %scan3A_928 = %scan3A_220 to %scan3A_222 step %scan3A_223  : i32 {
      %mul3A_929 = arith.constant 64 : i32
      %mul3A_930 = arith.muli %scan3A_928, %mul3A_929 : i32
      %add3A_931 = arith.constant 0 : i32
      %add3A_932 = arith.addi %mul3A_930, %add3A_931 : i32
      %get3A = arith.index_cast %add3A_932 : i32 to index
      %get3A_933 = tpu.vector_load %arg7[%get3A] {strides = array<i32>} : memref<3200xi32, #tpu.memory_space<vmem>>, vector<16xi32>,
      %get3A_934 = arith.index_cast %add3A_932 : i32 to index
      %get3A_935 = tpu.vector_load %arg11[%get3A_934] {strides = array<i32>} : memref<3200xi32, #tpu.memory_space<vmem>>, vector<16xi32>,
      %shift_right_arithmetic3A = arith.constant 7 : i32
      %shift_right_arithmetic3A_936 = vector.broadcast %shift_right_arithmetic3A : i32 to vector<16xi32>
      %shift_right_arithmetic3A_937 = arith.shrsi %get3A_933, %shift_right_arithmetic3A_936 : vector<16xi32>
      %shift_left3A = arith.constant 13 : i32
      %shift_left3A_938 = vector.broadcast %shift_left3A : i32 to vector<16xi32>
      %shift_left3A_939 = arith.shli %shift_right_arithmetic3A_937, %shift_left3A_938 : vector<16xi32>
      %and3A = arith.constant 127 : i32
      %and3A_940 = vector.broadcast %and3A : i32 to vector<16xi32>
      %and3A_941 = arith.andi %get3A_933, %and3A_940 : vector<16xi32>
      %add3A_942 = arith.addi %and3A_941, %get3A_935 : vector<16xi32>
      %add3A_943 = arith.addi %shift_left3A_939, %add3A_942 : vector<16xi32>
      tpu.vector_store_idx %arg9[%add3A_943], %broadcast_in_dim3A_3 {add = true} : memref<49152xf32, #tpu.memory_space<vmem>>[vector<16xi32>], vector<16xf32>,
      %mul3A_944 = arith.constant 64 : i32
      %mul3A_945 = arith.muli %scan3A_928, %mul3A_944 : i32
      %add3A_946 = arith.constant 16 : i32
      %add3A_947 = arith.addi %mul3A_945, %add3A_946 : i32
      %get3A_948 = arith.index_cast %add3A_947 : i32 to index
      %get3A_949 = tpu.vector_load %arg7[%get3A_948] {strides = array<i32>} : memref<3200xi32, #tpu.memory_space<vmem>>, vector<16xi32>,
      %get3A_950 = arith.index_cast %add3A_947 : i32 to index
      %get3A_951 = tpu.vector_load %arg11[%get3A_950] {strides = array<i32>} : memref<3200xi32, #tpu.memory_space<vmem>>, vector<16xi32>,
      %shift_right_arithmetic3A_952 = arith.constant 7 : i32
      %shift_right_arithmetic3A_953 = vector.broadcast %shift_right_arithmetic3A_952 : i32 to vector<16xi32>
      %shift_right_arithmetic3A_954 = arith.shrsi %get3A_949, %shift_right_arithmetic3A_953 : vector<16xi32>
      %shift_left3A_955 = arith.constant 13 : i32
      %shift_left3A_956 = vector.broadcast %shift_left3A_955 : i32 to vector<16xi32>
      %shift_left3A_957 = arith.shli %shift_right_arithmetic3A_954, %shift_left3A_956 : vector<16xi32>
      %and3A_958 = arith.constant 127 : i32
      %and3A_959 = vector.broadcast %and3A_958 : i32 to vector<16xi32>
      %and3A_960 = arith.andi %get3A_949, %and3A_959 : vector<16xi32>
      %add3A_961 = arith.addi %and3A_960, %get3A_951 : vector<16xi32>
      %add3A_962 = arith.addi %shift_left3A_957, %add3A_961 : vector<16xi32>
      tpu.vector_store_idx %arg9[%add3A_962], %broadcast_in_dim3A_3 {add = true} : memref<49152xf32, #tpu.memory_space<vmem>>[vector<16xi32>], vector<16xf32>,
      %mul3A_963 = arith.constant 64 : i32
      %mul3A_964 = arith.muli %scan3A_928, %mul3A_963 : i32
      %add3A_965 = arith.constant 32 : i32
      %add3A_966 = arith.addi %mul3A_964, %add3A_965 : i32
      %get3A_967 = arith.index_cast %add3A_966 : i32 to index
      %get3A_968 = tpu.vector_load %arg7[%get3A_967] {strides = array<i32>} : memref<3200xi32, #tpu.memory_space<vmem>>, vector<16xi32>,
      %get3A_969 = arith.index_cast %add3A_966 : i32 to index
      %get3A_970 = tpu.vector_load %arg11[%get3A_969] {strides = array<i32>} : memref<3200xi32, #tpu.memory_space<vmem>>, vector<16xi32>,
      %shift_right_arithmetic3A_971 = arith.constant 7 : i32
      %shift_right_arithmetic3A_972 = vector.broadcast %shift_right_arithmetic3A_971 : i32 to vector<16xi32>
      %shift_right_arithmetic3A_973 = arith.shrsi %get3A_968, %shift_right_arithmetic3A_972 : vector<16xi32>
      %shift_left3A_974 = arith.constant 13 : i32
      %shift_left3A_975 = vector.broadcast %shift_left3A_974 : i32 to vector<16xi32>
      %shift_left3A_976 = arith.shli %shift_right_arithmetic3A_973, %shift_left3A_975 : vector<16xi32>
      %and3A_977 = arith.constant 127 : i32
      %and3A_978 = vector.broadcast %and3A_977 : i32 to vector<16xi32>
      %and3A_979 = arith.andi %get3A_968, %and3A_978 : vector<16xi32>
      %add3A_980 = arith.addi %and3A_979, %get3A_970 : vector<16xi32>
      %add3A_981 = arith.addi %shift_left3A_976, %add3A_980 : vector<16xi32>
      tpu.vector_store_idx %arg9[%add3A_981], %broadcast_in_dim3A_3 {add = true} : memref<49152xf32, #tpu.memory_space<vmem>>[vector<16xi32>], vector<16xf32>,
      %mul3A_982 = arith.constant 64 : i32
      %mul3A_983 = arith.muli %scan3A_928, %mul3A_982 : i32
      %add3A_984 = arith.constant 48 : i32
      %add3A_985 = arith.addi %mul3A_983, %add3A_984 : i32
      %get3A_986 = arith.index_cast %add3A_985 : i32 to index
      %get3A_987 = tpu.vector_load %arg7[%get3A_986] {strides = array<i32>} : memref<3200xi32, #tpu.memory_space<vmem>>, vector<16xi32>,
      %get3A_988 = arith.index_cast %add3A_985 : i32 to index
      %get3A_989 = tpu.vector_load %arg11[%get3A_988] {strides = array<i32>} : memref<3200xi32, #tpu.memory_space<vmem>>, vector<16xi32>,
      %shift_right_arithmetic3A_990 = arith.constant 7 : i32
      %shift_right_arithmetic3A_991 = vector.broadcast %shift_right_arithmetic3A_990 : i32 to vector<16xi32>
      %shift_right_arithmetic3A_992 = arith.shrsi %get3A_987, %shift_right_arithmetic3A_991 : vector<16xi32>
      %shift_left3A_993 = arith.constant 13 : i32
      %shift_left3A_994 = vector.broadcast %shift_left3A_993 : i32 to vector<16xi32>
      %shift_left3A_995 = arith.shli %shift_right_arithmetic3A_992, %shift_left3A_994 : vector<16xi32>
      %and3A_996 = arith.constant 127 : i32
      %and3A_997 = vector.broadcast %and3A_996 : i32 to vector<16xi32>
      %and3A_998 = arith.andi %get3A_987, %and3A_997 : vector<16xi32>
      %add3A_999 = arith.addi %and3A_998, %get3A_989 : vector<16xi32>
      %add3A_1000 = arith.addi %shift_left3A_995, %add3A_999 : vector<16xi32>
      tpu.vector_store_idx %arg9[%add3A_1000], %broadcast_in_dim3A_3 {add = true} : memref<49152xf32, #tpu.memory_space<vmem>>[vector<16xi32>], vector<16xf32>,
    }
    %scan3A_224 = arith.constant 50 : i32
    %add3A_225 = arith.constant 128 : i32
    %add3A_226 = arith.addi %mul3A_2, %add3A_225 : i32
    %mul3A_227 = arith.constant 128 : i32
    %mul3A_228 = arith.muli %add3A_226, %mul3A_227 : i32
    %add3A_229 = arith.constant 0 : i32
    %add3A_230 = arith.addi %add3A_229, %mul3A_228 : i32
    %dma_start3A_231 = arith.constant 0 : i32
    %dma_start3A_232 = tpu.memref_slice %arg9[%dma_start3A_231] : memref<49152xf32, #tpu.memory_space<vmem>> -> memref<8192xf32, #tpu.memory_space<vmem>>
    %dma_start3A_233 = tpu.memref_slice %arg4[%add3A_230] : memref<12582912xf32, #tpu.memory_space<hbm>> -> memref<8192xf32, #tpu.memory_space<hbm>>
    %dma_start3A_234 = tpu.memref_slice %arg4[%add3A_230] : memref<12582912xf32, #tpu.memory_space<hbm>> -> memref<8192xf32, #tpu.memory_space<hbm>>
    %dma_start3A_235 = arith.constant 0 : i32
    %dma_start3A_236 = tpu.memref_slice %arg9[%dma_start3A_235] : memref<49152xf32, #tpu.memory_space<vmem>> -> memref<8192xf32, #tpu.memory_space<vmem>>
    tpu.enqueue_dma source(%dma_start3A_236 : memref<8192xf32, #tpu.memory_space<vmem>>) target(%dma_start3A_234 : memref<8192xf32, #tpu.memory_space<hbm>>) target_semaphore(%arg16 : memref<!tpu.dma_semaphore, #tpu.memory_space<semaphore_mem>>)
    %mul3A_237 = arith.constant 128 : i32
    %mul3A_238 = arith.muli %add3A_226, %mul3A_237 : i32
    %add3A_239 = arith.constant 2097152 : i32
    %add3A_240 = arith.addi %add3A_239, %mul3A_238 : i32
    %dma_start3A_241 = arith.constant 8192 : i32
    %dma_start3A_242 = tpu.memref_slice %arg9[%dma_start3A_241] : memref<49152xf32, #tpu.memory_space<vmem>> -> memref<8192xf32, #tpu.memory_space<vmem>>
    %dma_start3A_243 = tpu.memref_slice %arg4[%add3A_240] : memref<12582912xf32, #tpu.memory_space<hbm>> -> memref<8192xf32, #tpu.memory_space<hbm>>
    %dma_start3A_244 = tpu.memref_slice %arg4[%add3A_240] : memref<12582912xf32, #tpu.memory_space<hbm>> -> memref<8192xf32, #tpu.memory_space<hbm>>
    %dma_start3A_245 = arith.constant 8192 : i32
    %dma_start3A_246 = tpu.memref_slice %arg9[%dma_start3A_245] : memref<49152xf32, #tpu.memory_space<vmem>> -> memref<8192xf32, #tpu.memory_space<vmem>>
    tpu.enqueue_dma source(%dma_start3A_246 : memref<8192xf32, #tpu.memory_space<vmem>>) target(%dma_start3A_244 : memref<8192xf32, #tpu.memory_space<hbm>>) target_semaphore(%arg16 : memref<!tpu.dma_semaphore, #tpu.memory_space<semaphore_mem>>)
    %mul3A_247 = arith.constant 128 : i32
    %mul3A_248 = arith.muli %add3A_226, %mul3A_247 : i32
    %add3A_249 = arith.constant 4194304 : i32
    %add3A_250 = arith.addi %add3A_249, %mul3A_248 : i32
    %dma_start3A_251 = arith.constant 16384 : i32
    %dma_start3A_252 = tpu.memref_slice %arg9[%dma_start3A_251] : memref<49152xf32, #tpu.memory_space<vmem>> -> memref<8192xf32, #tpu.memory_space<vmem>>
    %dma_start3A_253 = tpu.memref_slice %arg4[%add3A_250] : memref<12582912xf32, #tpu.memory_space<hbm>> -> memref<8192xf32, #tpu.memory_space<hbm>>
    %dma_start3A_254 = tpu.memref_slice %arg4[%add3A_250] : memref<12582912xf32, #tpu.memory_space<hbm>> -> memref<8192xf32, #tpu.memory_space<hbm>>
    %dma_start3A_255 = arith.constant 16384 : i32
    %dma_start3A_256 = tpu.memref_slice %arg9[%dma_start3A_255] : memref<49152xf32, #tpu.memory_space<vmem>> -> memref<8192xf32, #tpu.memory_space<vmem>>
    tpu.enqueue_dma source(%dma_start3A_256 : memref<8192xf32, #tpu.memory_space<vmem>>) target(%dma_start3A_254 : memref<8192xf32, #tpu.memory_space<hbm>>) target_semaphore(%arg16 : memref<!tpu.dma_semaphore, #tpu.memory_space<semaphore_mem>>)
    %mul3A_257 = arith.constant 128 : i32
    %mul3A_258 = arith.muli %add3A_226, %mul3A_257 : i32
    %add3A_259 = arith.constant 6291456 : i32
    %add3A_260 = arith.addi %add3A_259, %mul3A_258 : i32
    %dma_start3A_261 = arith.constant 24576 : i32
    %dma_start3A_262 = tpu.memref_slice %arg9[%dma_start3A_261] : memref<49152xf32, #tpu.memory_space<vmem>> -> memref<8192xf32, #tpu.memory_space<vmem>>
    %dma_start3A_263 = tpu.memref_slice %arg4[%add3A_260] : memref<12582912xf32, #tpu.memory_space<hbm>> -> memref<8192xf32, #tpu.memory_space<hbm>>
    %dma_start3A_264 = tpu.memref_slice %arg4[%add3A_260] : memref<12582912xf32, #tpu.memory_space<hbm>> -> memref<8192xf32, #tpu.memory_space<hbm>>
    %dma_start3A_265 = arith.constant 24576 : i32
    %dma_start3A_266 = tpu.memref_slice %arg9[%dma_start3A_265] : memref<49152xf32, #tpu.memory_space<vmem>> -> memref<8192xf32, #tpu.memory_space<vmem>>
    tpu.enqueue_dma source(%dma_start3A_266 : memref<8192xf32, #tpu.memory_space<vmem>>) target(%dma_start3A_264 : memref<8192xf32, #tpu.memory_space<hbm>>) target_semaphore(%arg16 : memref<!tpu.dma_semaphore, #tpu.memory_space<semaphore_mem>>)
    %mul3A_267 = arith.constant 128 : i32
    %mul3A_268 = arith.muli %add3A_226, %mul3A_267 : i32
    %add3A_269 = arith.constant 8388608 : i32
    %add3A_270 = arith.addi %add3A_269, %mul3A_268 : i32
    %dma_start3A_271 = arith.constant 32768 : i32
    %dma_start3A_272 = tpu.memref_slice %arg9[%dma_start3A_271] : memref<49152xf32, #tpu.memory_space<vmem>> -> memref<8192xf32, #tpu.memory_space<vmem>>
    %dma_start3A_273 = tpu.memref_slice %arg4[%add3A_270] : memref<12582912xf32, #tpu.memory_space<hbm>> -> memref<8192xf32, #tpu.memory_space<hbm>>
    %dma_start3A_274 = tpu.memref_slice %arg4[%add3A_270] : memref<12582912xf32, #tpu.memory_space<hbm>> -> memref<8192xf32, #tpu.memory_space<hbm>>
    %dma_start3A_275 = arith.constant 32768 : i32
    %dma_start3A_276 = tpu.memref_slice %arg9[%dma_start3A_275] : memref<49152xf32, #tpu.memory_space<vmem>> -> memref<8192xf32, #tpu.memory_space<vmem>>
    tpu.enqueue_dma source(%dma_start3A_276 : memref<8192xf32, #tpu.memory_space<vmem>>) target(%dma_start3A_274 : memref<8192xf32, #tpu.memory_space<hbm>>) target_semaphore(%arg16 : memref<!tpu.dma_semaphore, #tpu.memory_space<semaphore_mem>>)
    %mul3A_277 = arith.constant 128 : i32
    %mul3A_278 = arith.muli %add3A_226, %mul3A_277 : i32
    %add3A_279 = arith.constant 10485760 : i32
    %add3A_280 = arith.addi %add3A_279, %mul3A_278 : i32
    %dma_start3A_281 = arith.constant 40960 : i32
    %dma_start3A_282 = tpu.memref_slice %arg9[%dma_start3A_281] : memref<49152xf32, #tpu.memory_space<vmem>> -> memref<8192xf32, #tpu.memory_space<vmem>>
    %dma_start3A_283 = tpu.memref_slice %arg4[%add3A_280] : memref<12582912xf32, #tpu.memory_space<hbm>> -> memref<8192xf32, #tpu.memory_space<hbm>>
    %dma_start3A_284 = tpu.memref_slice %arg4[%add3A_280] : memref<12582912xf32, #tpu.memory_space<hbm>> -> memref<8192xf32, #tpu.memory_space<hbm>>
    %dma_start3A_285 = arith.constant 40960 : i32
    %dma_start3A_286 = tpu.memref_slice %arg9[%dma_start3A_285] : memref<49152xf32, #tpu.memory_space<vmem>> -> memref<8192xf32, #tpu.memory_space<vmem>>
    tpu.enqueue_dma source(%dma_start3A_286 : memref<8192xf32, #tpu.memory_space<vmem>>) target(%dma_start3A_284 : memref<8192xf32, #tpu.memory_space<hbm>>) target_semaphore(%arg16 : memref<!tpu.dma_semaphore, #tpu.memory_space<semaphore_mem>>)
    %add3A_287 = arith.constant 256 : i32
    %add3A_288 = arith.addi %mul3A_2, %add3A_287 : i32
    %mul3A_289 = arith.constant 50 : i32
    %mul3A_290 = arith.muli %add3A_288, %mul3A_289 : i32
    %dma_start3A_291 = tpu.memref_slice %arg2[%mul3A_290] : memref<819200xi32, #tpu.memory_space<hbm>> -> memref<3200xi32, #tpu.memory_space<hbm>>
    %dma_start3A_292 = tpu.memref_slice %arg2[%mul3A_290] : memref<819200xi32, #tpu.memory_space<hbm>> -> memref<3200xi32, #tpu.memory_space<hbm>>
    tpu.enqueue_dma source(%dma_start3A_292 : memref<3200xi32, #tpu.memory_space<hbm>>) target(%arg5 : memref<3200xi32, #tpu.memory_space<vmem>>) target_semaphore(%arg12 : memref<!tpu.dma_semaphore, #tpu.memory_space<semaphore_mem>>)
    %dma_wait3A_293 = arith.constant 0 : i32
    %dma_wait3A_294 = tpu.memref_slice %arg10[%dma_wait3A_293] : memref<49152xf32, #tpu.memory_space<vmem>> -> memref<8192xf32, #tpu.memory_space<vmem>>
    %dma_wait3A_295 = tpu.memref_slice %arg4[%add3A_116] : memref<12582912xf32, #tpu.memory_space<hbm>> -> memref<8192xf32, #tpu.memory_space<hbm>>
    %dma_wait3A_296 = tpu.memref_slice %arg4[%add3A_116] : memref<12582912xf32, #tpu.memory_space<hbm>> -> memref<8192xf32, #tpu.memory_space<hbm>>
    %dma_wait3A_297 = arith.constant 0 : i32
    %dma_wait3A_298 = tpu.memref_slice %arg10[%dma_wait3A_297] : memref<49152xf32, #tpu.memory_space<vmem>> -> memref<8192xf32, #tpu.memory_space<vmem>>
    tpu.wait_dma2 semaphore(%arg17 : memref<!tpu.dma_semaphore, #tpu.memory_space<semaphore_mem>>) src(%dma_wait3A_298 : memref<8192xf32, #tpu.memory_space<vmem>>) dst(%dma_wait3A_296 : memref<8192xf32, #tpu.memory_space<hbm>>)
    %dma_wait3A_299 = arith.constant 8192 : i32
    %dma_wait3A_300 = tpu.memref_slice %arg10[%dma_wait3A_299] : memref<49152xf32, #tpu.memory_space<vmem>> -> memref<8192xf32, #tpu.memory_space<vmem>>
    %dma_wait3A_301 = tpu.memref_slice %arg4[%add3A_126] : memref<12582912xf32, #tpu.memory_space<hbm>> -> memref<8192xf32, #tpu.memory_space<hbm>>
    %dma_wait3A_302 = tpu.memref_slice %arg4[%add3A_126] : memref<12582912xf32, #tpu.memory_space<hbm>> -> memref<8192xf32, #tpu.memory_space<hbm>>
    %dma_wait3A_303 = arith.constant 8192 : i32
    %dma_wait3A_304 = tpu.memref_slice %arg10[%dma_wait3A_303] : memref<49152xf32, #tpu.memory_space<vmem>> -> memref<8192xf32, #tpu.memory_space<vmem>>
    tpu.wait_dma2 semaphore(%arg17 : memref<!tpu.dma_semaphore, #tpu.memory_space<semaphore_mem>>) src(%dma_wait3A_304 : memref<8192xf32, #tpu.memory_space<vmem>>) dst(%dma_wait3A_302 : memref<8192xf32, #tpu.memory_space<hbm>>)
    %dma_wait3A_305 = arith.constant 16384 : i32
    %dma_wait3A_306 = tpu.memref_slice %arg10[%dma_wait3A_305] : memref<49152xf32, #tpu.memory_space<vmem>> -> memref<8192xf32, #tpu.memory_space<vmem>>
    %dma_wait3A_307 = tpu.memref_slice %arg4[%add3A_136] : memref<12582912xf32, #tpu.memory_space<hbm>> -> memref<8192xf32, #tpu.memory_space<hbm>>
    %dma_wait3A_308 = tpu.memref_slice %arg4[%add3A_136] : memref<12582912xf32, #tpu.memory_space<hbm>> -> memref<8192xf32, #tpu.memory_space<hbm>>
    %dma_wait3A_309 = arith.constant 16384 : i32
    %dma_wait3A_310 = tpu.memref_slice %arg10[%dma_wait3A_309] : memref<49152xf32, #tpu.memory_space<vmem>> -> memref<8192xf32, #tpu.memory_space<vmem>>
    tpu.wait_dma2 semaphore(%arg17 : memref<!tpu.dma_semaphore, #tpu.memory_space<semaphore_mem>>) src(%dma_wait3A_310 : memref<8192xf32, #tpu.memory_space<vmem>>) dst(%dma_wait3A_308 : memref<8192xf32, #tpu.memory_space<hbm>>)
    %dma_wait3A_311 = arith.constant 24576 : i32
    %dma_wait3A_312 = tpu.memref_slice %arg10[%dma_wait3A_311] : memref<49152xf32, #tpu.memory_space<vmem>> -> memref<8192xf32, #tpu.memory_space<vmem>>
    %dma_wait3A_313 = tpu.memref_slice %arg4[%add3A_146] : memref<12582912xf32, #tpu.memory_space<hbm>> -> memref<8192xf32, #tpu.memory_space<hbm>>
    %dma_wait3A_314 = tpu.memref_slice %arg4[%add3A_146] : memref<12582912xf32, #tpu.memory_space<hbm>> -> memref<8192xf32, #tpu.memory_space<hbm>>
    %dma_wait3A_315 = arith.constant 24576 : i32
    %dma_wait3A_316 = tpu.memref_slice %arg10[%dma_wait3A_315] : memref<49152xf32, #tpu.memory_space<vmem>> -> memref<8192xf32, #tpu.memory_space<vmem>>
    tpu.wait_dma2 semaphore(%arg17 : memref<!tpu.dma_semaphore, #tpu.memory_space<semaphore_mem>>) src(%dma_wait3A_316 : memref<8192xf32, #tpu.memory_space<vmem>>) dst(%dma_wait3A_314 : memref<8192xf32, #tpu.memory_space<hbm>>)
    %dma_wait3A_317 = arith.constant 32768 : i32
    %dma_wait3A_318 = tpu.memref_slice %arg10[%dma_wait3A_317] : memref<49152xf32, #tpu.memory_space<vmem>> -> memref<8192xf32, #tpu.memory_space<vmem>>
    %dma_wait3A_319 = tpu.memref_slice %arg4[%add3A_156] : memref<12582912xf32, #tpu.memory_space<hbm>> -> memref<8192xf32, #tpu.memory_space<hbm>>
    %dma_wait3A_320 = tpu.memref_slice %arg4[%add3A_156] : memref<12582912xf32, #tpu.memory_space<hbm>> -> memref<8192xf32, #tpu.memory_space<hbm>>
    %dma_wait3A_321 = arith.constant 32768 : i32
    %dma_wait3A_322 = tpu.memref_slice %arg10[%dma_wait3A_321] : memref<49152xf32, #tpu.memory_space<vmem>> -> memref<8192xf32, #tpu.memory_space<vmem>>
    tpu.wait_dma2 semaphore(%arg17 : memref<!tpu.dma_semaphore, #tpu.memory_space<semaphore_mem>>) src(%dma_wait3A_322 : memref<8192xf32, #tpu.memory_space<vmem>>) dst(%dma_wait3A_320 : memref<8192xf32, #tpu.memory_space<hbm>>)
    %dma_wait3A_323 = arith.constant 40960 : i32
    %dma_wait3A_324 = tpu.memref_slice %arg10[%dma_wait3A_323] : memref<49152xf32, #tpu.memory_space<vmem>> -> memref<8192xf32, #tpu.memory_space<vmem>>
    %dma_wait3A_325 = tpu.memref_slice %arg4[%add3A_166] : memref<12582912xf32, #tpu.memory_space<hbm>> -> memref<8192xf32, #tpu.memory_space<hbm>>
    %dma_wait3A_326 = tpu.memref_slice %arg4[%add3A_166] : memref<12582912xf32, #tpu.memory_space<hbm>> -> memref<8192xf32, #tpu.memory_space<hbm>>
    %dma_wait3A_327 = arith.constant 40960 : i32
    %dma_wait3A_328 = tpu.memref_slice %arg10[%dma_wait3A_327] : memref<49152xf32, #tpu.memory_space<vmem>> -> memref<8192xf32, #tpu.memory_space<vmem>>
    tpu.wait_dma2 semaphore(%arg17 : memref<!tpu.dma_semaphore, #tpu.memory_space<semaphore_mem>>) src(%dma_wait3A_328 : memref<8192xf32, #tpu.memory_space<vmem>>) dst(%dma_wait3A_326 : memref<8192xf32, #tpu.memory_space<hbm>>)
    %parallel_loop3A_329 = arith.constant 0 : i32
    %parallel_loop3A_330 = arith.constant 200 : i32
    %parallel_loop3A_331 = arith.constant 1 : i32
    scf.for %parallel_loop3A_928 = %parallel_loop3A_329 to %parallel_loop3A_330 step %parallel_loop3A_331  : i32 {
      %parallel_loop3A_929 = arith.constant 16 : i32
      %parallel_loop3A_930 = arith.muli %parallel_loop3A_928, %parallel_loop3A_929 : i32
      %parallel_loop3A_931 = arith.index_cast %parallel_loop3A_930 : i32 to index
      %parallel_loop3A_932 = tpu.vector_load %arg6[%parallel_loop3A_931] {strides = array<i32>} : memref<3200xi32, #tpu.memory_space<vmem>>, vector<16xi32>,
      %parallel_loop3A_933 = arith.index_cast %parallel_loop3A_930 : i32 to index
      %parallel_loop3A_934 = tpu.vector_load %arg11[%parallel_loop3A_933] {strides = array<i32>} : memref<3200xi32, #tpu.memory_space<vmem>>, vector<16xi32>,
      %parallel_loop3A_935 = arith.constant 7 : i32
      %parallel_loop3A_936 = vector.broadcast %parallel_loop3A_935 : i32 to vector<16xi32>
      %parallel_loop3A_937 = arith.shrsi %parallel_loop3A_932, %parallel_loop3A_936 : vector<16xi32>
      %parallel_loop3A_938 = arith.constant 13 : i32
      %parallel_loop3A_939 = vector.broadcast %parallel_loop3A_938 : i32 to vector<16xi32>
      %parallel_loop3A_940 = arith.shli %parallel_loop3A_937, %parallel_loop3A_939 : vector<16xi32>
      %parallel_loop3A_941 = arith.constant 127 : i32
      %parallel_loop3A_942 = vector.broadcast %parallel_loop3A_941 : i32 to vector<16xi32>
      %parallel_loop3A_943 = arith.andi %parallel_loop3A_932, %parallel_loop3A_942 : vector<16xi32>
      %parallel_loop3A_944 = arith.addi %parallel_loop3A_943, %parallel_loop3A_934 : vector<16xi32>
      %parallel_loop3A_945 = arith.addi %parallel_loop3A_940, %parallel_loop3A_944 : vector<16xi32>
      tpu.vector_store_idx %arg10[%parallel_loop3A_945], %broadcast_in_dim3A_5 : memref<49152xf32, #tpu.memory_space<vmem>>[vector<16xi32>], vector<16xf32>,
    } {sc.loop_unroll_factor = 8 : i64, sc.parallel_access}
    %dma_wait3A_332 = tpu.memref_slice %arg2[%mul3A_176] : memref<819200xi32, #tpu.memory_space<hbm>> -> memref<3200xi32, #tpu.memory_space<hbm>>
    %dma_wait3A_333 = tpu.memref_slice %arg2[%mul3A_176] : memref<819200xi32, #tpu.memory_space<hbm>> -> memref<3200xi32, #tpu.memory_space<hbm>>
    tpu.wait_dma2 semaphore(%arg15 : memref<!tpu.dma_semaphore, #tpu.memory_space<semaphore_mem>>) src(%dma_wait3A_333 : memref<3200xi32, #tpu.memory_space<hbm>>) dst(%arg8 : memref<3200xi32, #tpu.memory_space<vmem>>)
    %scan3A_334 = arith.constant 0 : i32
    %scan3A_335 = arith.constant 0 : i32
    %scan3A_336 = arith.constant 50 : i32
    %scan3A_337 = arith.addi %scan3A_335, %scan3A_336 : i32
    %scan3A_338 = arith.constant 1 : i32
    scf.for %scan3A_928 = %scan3A_335 to %scan3A_337 step %scan3A_338  : i32 {
      %mul3A_929 = arith.constant 64 : i32
      %mul3A_930 = arith.muli %scan3A_928, %mul3A_929 : i32
      %add3A_931 = arith.constant 0 : i32
      %add3A_932 = arith.addi %mul3A_930, %add3A_931 : i32
      %get3A = arith.index_cast %add3A_932 : i32 to index
      %get3A_933 = tpu.vector_load %arg8[%get3A] {strides = array<i32>} : memref<3200xi32, #tpu.memory_space<vmem>>, vector<16xi32>,
      %get3A_934 = arith.index_cast %add3A_932 : i32 to index
      %get3A_935 = tpu.vector_load %arg11[%get3A_934] {strides = array<i32>} : memref<3200xi32, #tpu.memory_space<vmem>>, vector<16xi32>,
      %shift_right_arithmetic3A = arith.constant 7 : i32
      %shift_right_arithmetic3A_936 = vector.broadcast %shift_right_arithmetic3A : i32 to vector<16xi32>
      %shift_right_arithmetic3A_937 = arith.shrsi %get3A_933, %shift_right_arithmetic3A_936 : vector<16xi32>
      %shift_left3A = arith.constant 13 : i32
      %shift_left3A_938 = vector.broadcast %shift_left3A : i32 to vector<16xi32>
      %shift_left3A_939 = arith.shli %shift_right_arithmetic3A_937, %shift_left3A_938 : vector<16xi32>
      %and3A = arith.constant 127 : i32
      %and3A_940 = vector.broadcast %and3A : i32 to vector<16xi32>
      %and3A_941 = arith.andi %get3A_933, %and3A_940 : vector<16xi32>
      %add3A_942 = arith.addi %and3A_941, %get3A_935 : vector<16xi32>
      %add3A_943 = arith.addi %shift_left3A_939, %add3A_942 : vector<16xi32>
      tpu.vector_store_idx %arg10[%add3A_943], %broadcast_in_dim3A_3 {add = true} : memref<49152xf32, #tpu.memory_space<vmem>>[vector<16xi32>], vector<16xf32>,
      %mul3A_944 = arith.constant 64 : i32
      %mul3A_945 = arith.muli %scan3A_928, %mul3A_944 : i32
      %add3A_946 = arith.constant 16 : i32
      %add3A_947 = arith.addi %mul3A_945, %add3A_946 : i32
      %get3A_948 = arith.index_cast %add3A_947 : i32 to index
      %get3A_949 = tpu.vector_load %arg8[%get3A_948] {strides = array<i32>} : memref<3200xi32, #tpu.memory_space<vmem>>, vector<16xi32>,
      %get3A_950 = arith.index_cast %add3A_947 : i32 to index
      %get3A_951 = tpu.vector_load %arg11[%get3A_950] {strides = array<i32>} : memref<3200xi32, #tpu.memory_space<vmem>>, vector<16xi32>,
      %shift_right_arithmetic3A_952 = arith.constant 7 : i32
      %shift_right_arithmetic3A_953 = vector.broadcast %shift_right_arithmetic3A_952 : i32 to vector<16xi32>
      %shift_right_arithmetic3A_954 = arith.shrsi %get3A_949, %shift_right_arithmetic3A_953 : vector<16xi32>
      %shift_left3A_955 = arith.constant 13 : i32
      %shift_left3A_956 = vector.broadcast %shift_left3A_955 : i32 to vector<16xi32>
      %shift_left3A_957 = arith.shli %shift_right_arithmetic3A_954, %shift_left3A_956 : vector<16xi32>
      %and3A_958 = arith.constant 127 : i32
      %and3A_959 = vector.broadcast %and3A_958 : i32 to vector<16xi32>
      %and3A_960 = arith.andi %get3A_949, %and3A_959 : vector<16xi32>
      %add3A_961 = arith.addi %and3A_960, %get3A_951 : vector<16xi32>
      %add3A_962 = arith.addi %shift_left3A_957, %add3A_961 : vector<16xi32>
      tpu.vector_store_idx %arg10[%add3A_962], %broadcast_in_dim3A_3 {add = true} : memref<49152xf32, #tpu.memory_space<vmem>>[vector<16xi32>], vector<16xf32>,
      %mul3A_963 = arith.constant 64 : i32
      %mul3A_964 = arith.muli %scan3A_928, %mul3A_963 : i32
      %add3A_965 = arith.constant 32 : i32
      %add3A_966 = arith.addi %mul3A_964, %add3A_965 : i32
      %get3A_967 = arith.index_cast %add3A_966 : i32 to index
      %get3A_968 = tpu.vector_load %arg8[%get3A_967] {strides = array<i32>} : memref<3200xi32, #tpu.memory_space<vmem>>, vector<16xi32>,
      %get3A_969 = arith.index_cast %add3A_966 : i32 to index
      %get3A_970 = tpu.vector_load %arg11[%get3A_969] {strides = array<i32>} : memref<3200xi32, #tpu.memory_space<vmem>>, vector<16xi32>,
      %shift_right_arithmetic3A_971 = arith.constant 7 : i32
      %shift_right_arithmetic3A_972 = vector.broadcast %shift_right_arithmetic3A_971 : i32 to vector<16xi32>
      %shift_right_arithmetic3A_973 = arith.shrsi %get3A_968, %shift_right_arithmetic3A_972 : vector<16xi32>
      %shift_left3A_974 = arith.constant 13 : i32
      %shift_left3A_975 = vector.broadcast %shift_left3A_974 : i32 to vector<16xi32>
      %shift_left3A_976 = arith.shli %shift_right_arithmetic3A_973, %shift_left3A_975 : vector<16xi32>
      %and3A_977 = arith.constant 127 : i32
      %and3A_978 = vector.broadcast %and3A_977 : i32 to vector<16xi32>
      %and3A_979 = arith.andi %get3A_968, %and3A_978 : vector<16xi32>
      %add3A_980 = arith.addi %and3A_979, %get3A_970 : vector<16xi32>
      %add3A_981 = arith.addi %shift_left3A_976, %add3A_980 : vector<16xi32>
      tpu.vector_store_idx %arg10[%add3A_981], %broadcast_in_dim3A_3 {add = true} : memref<49152xf32, #tpu.memory_space<vmem>>[vector<16xi32>], vector<16xf32>,
      %mul3A_982 = arith.constant 64 : i32
      %mul3A_983 = arith.muli %scan3A_928, %mul3A_982 : i32
      %add3A_984 = arith.constant 48 : i32
      %add3A_985 = arith.addi %mul3A_983, %add3A_984 : i32
      %get3A_986 = arith.index_cast %add3A_985 : i32 to index
      %get3A_987 = tpu.vector_load %arg8[%get3A_986] {strides = array<i32>} : memref<3200xi32, #tpu.memory_space<vmem>>, vector<16xi32>,
      %get3A_988 = arith.index_cast %add3A_985 : i32 to index
      %get3A_989 = tpu.vector_load %arg11[%get3A_988] {strides = array<i32>} : memref<3200xi32, #tpu.memory_space<vmem>>, vector<16xi32>,
      %shift_right_arithmetic3A_990 = arith.constant 7 : i32
      %shift_right_arithmetic3A_991 = vector.broadcast %shift_right_arithmetic3A_990 : i32 to vector<16xi32>
      %shift_right_arithmetic3A_992 = arith.shrsi %get3A_987, %shift_right_arithmetic3A_991 : vector<16xi32>
      %shift_left3A_993 = arith.constant 13 : i32
      %shift_left3A_994 = vector.broadcast %shift_left3A_993 : i32 to vector<16xi32>
      %shift_left3A_995 = arith.shli %shift_right_arithmetic3A_992, %shift_left3A_994 : vector<16xi32>
      %and3A_996 = arith.constant 127 : i32
      %and3A_997 = vector.broadcast %and3A_996 : i32 to vector<16xi32>
      %and3A_998 = arith.andi %get3A_987, %and3A_997 : vector<16xi32>
      %add3A_999 = arith.addi %and3A_998, %get3A_989 : vector<16xi32>
      %add3A_1000 = arith.addi %shift_left3A_995, %add3A_999 : vector<16xi32>
      tpu.vector_store_idx %arg10[%add3A_1000], %broadcast_in_dim3A_3 {add = true} : memref<49152xf32, #tpu.memory_space<vmem>>[vector<16xi32>], vector<16xf32>,
    }
    %scan3A_339 = arith.constant 50 : i32
    %add3A_340 = arith.constant 192 : i32
    %add3A_341 = arith.addi %mul3A_2, %add3A_340 : i32
    %mul3A_342 = arith.constant 128 : i32
    %mul3A_343 = arith.muli %add3A_341, %mul3A_342 : i32
    %add3A_344 = arith.constant 0 : i32
    %add3A_345 = arith.addi %add3A_344, %mul3A_343 : i32
    %dma_start3A_346 = arith.constant 0 : i32
    %dma_start3A_347 = tpu.memref_slice %arg10[%dma_start3A_346] : memref<49152xf32, #tpu.memory_space<vmem>> -> memref<8192xf32, #tpu.memory_space<vmem>>
    %dma_start3A_348 = tpu.memref_slice %arg4[%add3A_345] : memref<12582912xf32, #tpu.memory_space<hbm>> -> memref<8192xf32, #tpu.memory_space<hbm>>
    %dma_start3A_349 = tpu.memref_slice %arg4[%add3A_345] : memref<12582912xf32, #tpu.memory_space<hbm>> -> memref<8192xf32, #tpu.memory_space<hbm>>
    %dma_start3A_350 = arith.constant 0 : i32
    %dma_start3A_351 = tpu.memref_slice %arg10[%dma_start3A_350] : memref<49152xf32, #tpu.memory_space<vmem>> -> memref<8192xf32, #tpu.memory_space<vmem>>
    tpu.enqueue_dma source(%dma_start3A_351 : memref<8192xf32, #tpu.memory_space<vmem>>) target(%dma_start3A_349 : memref<8192xf32, #tpu.memory_space<hbm>>) target_semaphore(%arg17 : memref<!tpu.dma_semaphore, #tpu.memory_space<semaphore_mem>>)
    %mul3A_352 = arith.constant 128 : i32
    %mul3A_353 = arith.muli %add3A_341, %mul3A_352 : i32
    %add3A_354 = arith.constant 2097152 : i32
    %add3A_355 = arith.addi %add3A_354, %mul3A_353 : i32
    %dma_start3A_356 = arith.constant 8192 : i32
    %dma_start3A_357 = tpu.memref_slice %arg10[%dma_start3A_356] : memref<49152xf32, #tpu.memory_space<vmem>> -> memref<8192xf32, #tpu.memory_space<vmem>>
    %dma_start3A_358 = tpu.memref_slice %arg4[%add3A_355] : memref<12582912xf32, #tpu.memory_space<hbm>> -> memref<8192xf32, #tpu.memory_space<hbm>>
    %dma_start3A_359 = tpu.memref_slice %arg4[%add3A_355] : memref<12582912xf32, #tpu.memory_space<hbm>> -> memref<8192xf32, #tpu.memory_space<hbm>>
    %dma_start3A_360 = arith.constant 8192 : i32
    %dma_start3A_361 = tpu.memref_slice %arg10[%dma_start3A_360] : memref<49152xf32, #tpu.memory_space<vmem>> -> memref<8192xf32, #tpu.memory_space<vmem>>
    tpu.enqueue_dma source(%dma_start3A_361 : memref<8192xf32, #tpu.memory_space<vmem>>) target(%dma_start3A_359 : memref<8192xf32, #tpu.memory_space<hbm>>) target_semaphore(%arg17 : memref<!tpu.dma_semaphore, #tpu.memory_space<semaphore_mem>>)
    %mul3A_362 = arith.constant 128 : i32
    %mul3A_363 = arith.muli %add3A_341, %mul3A_362 : i32
    %add3A_364 = arith.constant 4194304 : i32
    %add3A_365 = arith.addi %add3A_364, %mul3A_363 : i32
    %dma_start3A_366 = arith.constant 16384 : i32
    %dma_start3A_367 = tpu.memref_slice %arg10[%dma_start3A_366] : memref<49152xf32, #tpu.memory_space<vmem>> -> memref<8192xf32, #tpu.memory_space<vmem>>
    %dma_start3A_368 = tpu.memref_slice %arg4[%add3A_365] : memref<12582912xf32, #tpu.memory_space<hbm>> -> memref<8192xf32, #tpu.memory_space<hbm>>
    %dma_start3A_369 = tpu.memref_slice %arg4[%add3A_365] : memref<12582912xf32, #tpu.memory_space<hbm>> -> memref<8192xf32, #tpu.memory_space<hbm>>
    %dma_start3A_370 = arith.constant 16384 : i32
    %dma_start3A_371 = tpu.memref_slice %arg10[%dma_start3A_370] : memref<49152xf32, #tpu.memory_space<vmem>> -> memref<8192xf32, #tpu.memory_space<vmem>>
    tpu.enqueue_dma source(%dma_start3A_371 : memref<8192xf32, #tpu.memory_space<vmem>>) target(%dma_start3A_369 : memref<8192xf32, #tpu.memory_space<hbm>>) target_semaphore(%arg17 : memref<!tpu.dma_semaphore, #tpu.memory_space<semaphore_mem>>)
    %mul3A_372 = arith.constant 128 : i32
    %mul3A_373 = arith.muli %add3A_341, %mul3A_372 : i32
    %add3A_374 = arith.constant 6291456 : i32
    %add3A_375 = arith.addi %add3A_374, %mul3A_373 : i32
    %dma_start3A_376 = arith.constant 24576 : i32
    %dma_start3A_377 = tpu.memref_slice %arg10[%dma_start3A_376] : memref<49152xf32, #tpu.memory_space<vmem>> -> memref<8192xf32, #tpu.memory_space<vmem>>
    %dma_start3A_378 = tpu.memref_slice %arg4[%add3A_375] : memref<12582912xf32, #tpu.memory_space<hbm>> -> memref<8192xf32, #tpu.memory_space<hbm>>
    %dma_start3A_379 = tpu.memref_slice %arg4[%add3A_375] : memref<12582912xf32, #tpu.memory_space<hbm>> -> memref<8192xf32, #tpu.memory_space<hbm>>
    %dma_start3A_380 = arith.constant 24576 : i32
    %dma_start3A_381 = tpu.memref_slice %arg10[%dma_start3A_380] : memref<49152xf32, #tpu.memory_space<vmem>> -> memref<8192xf32, #tpu.memory_space<vmem>>
    tpu.enqueue_dma source(%dma_start3A_381 : memref<8192xf32, #tpu.memory_space<vmem>>) target(%dma_start3A_379 : memref<8192xf32, #tpu.memory_space<hbm>>) target_semaphore(%arg17 : memref<!tpu.dma_semaphore, #tpu.memory_space<semaphore_mem>>)
    %mul3A_382 = arith.constant 128 : i32
    %mul3A_383 = arith.muli %add3A_341, %mul3A_382 : i32
    %add3A_384 = arith.constant 8388608 : i32
    %add3A_385 = arith.addi %add3A_384, %mul3A_383 : i32
    %dma_start3A_386 = arith.constant 32768 : i32
    %dma_start3A_387 = tpu.memref_slice %arg10[%dma_start3A_386] : memref<49152xf32, #tpu.memory_space<vmem>> -> memref<8192xf32, #tpu.memory_space<vmem>>
    %dma_start3A_388 = tpu.memref_slice %arg4[%add3A_385] : memref<12582912xf32, #tpu.memory_space<hbm>> -> memref<8192xf32, #tpu.memory_space<hbm>>
    %dma_start3A_389 = tpu.memref_slice %arg4[%add3A_385] : memref<12582912xf32, #tpu.memory_space<hbm>> -> memref<8192xf32, #tpu.memory_space<hbm>>
    %dma_start3A_390 = arith.constant 32768 : i32
    %dma_start3A_391 = tpu.memref_slice %arg10[%dma_start3A_390] : memref<49152xf32, #tpu.memory_space<vmem>> -> memref<8192xf32, #tpu.memory_space<vmem>>
    tpu.enqueue_dma source(%dma_start3A_391 : memref<8192xf32, #tpu.memory_space<vmem>>) target(%dma_start3A_389 : memref<8192xf32, #tpu.memory_space<hbm>>) target_semaphore(%arg17 : memref<!tpu.dma_semaphore, #tpu.memory_space<semaphore_mem>>)
    %mul3A_392 = arith.constant 128 : i32
    %mul3A_393 = arith.muli %add3A_341, %mul3A_392 : i32
    %add3A_394 = arith.constant 10485760 : i32
    %add3A_395 = arith.addi %add3A_394, %mul3A_393 : i32
    %dma_start3A_396 = arith.constant 40960 : i32
    %dma_start3A_397 = tpu.memref_slice %arg10[%dma_start3A_396] : memref<49152xf32, #tpu.memory_space<vmem>> -> memref<8192xf32, #tpu.memory_space<vmem>>
    %dma_start3A_398 = tpu.memref_slice %arg4[%add3A_395] : memref<12582912xf32, #tpu.memory_space<hbm>> -> memref<8192xf32, #tpu.memory_space<hbm>>
    %dma_start3A_399 = tpu.memref_slice %arg4[%add3A_395] : memref<12582912xf32, #tpu.memory_space<hbm>> -> memref<8192xf32, #tpu.memory_space<hbm>>
    %dma_start3A_400 = arith.constant 40960 : i32
    %dma_start3A_401 = tpu.memref_slice %arg10[%dma_start3A_400] : memref<49152xf32, #tpu.memory_space<vmem>> -> memref<8192xf32, #tpu.memory_space<vmem>>
    tpu.enqueue_dma source(%dma_start3A_401 : memref<8192xf32, #tpu.memory_space<vmem>>) target(%dma_start3A_399 : memref<8192xf32, #tpu.memory_space<hbm>>) target_semaphore(%arg17 : memref<!tpu.dma_semaphore, #tpu.memory_space<semaphore_mem>>)
    %add3A_402 = arith.constant 320 : i32
    %add3A_403 = arith.addi %mul3A_2, %add3A_402 : i32
    %mul3A_404 = arith.constant 50 : i32
    %mul3A_405 = arith.muli %add3A_403, %mul3A_404 : i32
    %dma_start3A_406 = tpu.memref_slice %arg2[%mul3A_405] : memref<819200xi32, #tpu.memory_space<hbm>> -> memref<3200xi32, #tpu.memory_space<hbm>>
    %dma_start3A_407 = tpu.memref_slice %arg2[%mul3A_405] : memref<819200xi32, #tpu.memory_space<hbm>> -> memref<3200xi32, #tpu.memory_space<hbm>>
    tpu.enqueue_dma source(%dma_start3A_407 : memref<3200xi32, #tpu.memory_space<hbm>>) target(%arg6 : memref<3200xi32, #tpu.memory_space<vmem>>) target_semaphore(%arg13 : memref<!tpu.dma_semaphore, #tpu.memory_space<semaphore_mem>>)
    %dma_wait3A_408 = arith.constant 0 : i32
    %dma_wait3A_409 = tpu.memref_slice %arg9[%dma_wait3A_408] : memref<49152xf32, #tpu.memory_space<vmem>> -> memref<8192xf32, #tpu.memory_space<vmem>>
    %dma_wait3A_410 = tpu.memref_slice %arg4[%add3A_230] : memref<12582912xf32, #tpu.memory_space<hbm>> -> memref<8192xf32, #tpu.memory_space<hbm>>
    %dma_wait3A_411 = tpu.memref_slice %arg4[%add3A_230] : memref<12582912xf32, #tpu.memory_space<hbm>> -> memref<8192xf32, #tpu.memory_space<hbm>>
    %dma_wait3A_412 = arith.constant 0 : i32
    %dma_wait3A_413 = tpu.memref_slice %arg9[%dma_wait3A_412] : memref<49152xf32, #tpu.memory_space<vmem>> -> memref<8192xf32, #tpu.memory_space<vmem>>
    tpu.wait_dma2 semaphore(%arg16 : memref<!tpu.dma_semaphore, #tpu.memory_space<semaphore_mem>>) src(%dma_wait3A_413 : memref<8192xf32, #tpu.memory_space<vmem>>) dst(%dma_wait3A_411 : memref<8192xf32, #tpu.memory_space<hbm>>)
    %dma_wait3A_414 = arith.constant 8192 : i32
    %dma_wait3A_415 = tpu.memref_slice %arg9[%dma_wait3A_414] : memref<49152xf32, #tpu.memory_space<vmem>> -> memref<8192xf32, #tpu.memory_space<vmem>>
    %dma_wait3A_416 = tpu.memref_slice %arg4[%add3A_240] : memref<12582912xf32, #tpu.memory_space<hbm>> -> memref<8192xf32, #tpu.memory_space<hbm>>
    %dma_wait3A_417 = tpu.memref_slice %arg4[%add3A_240] : memref<12582912xf32, #tpu.memory_space<hbm>> -> memref<8192xf32, #tpu.memory_space<hbm>>
    %dma_wait3A_418 = arith.constant 8192 : i32
    %dma_wait3A_419 = tpu.memref_slice %arg9[%dma_wait3A_418] : memref<49152xf32, #tpu.memory_space<vmem>> -> memref<8192xf32, #tpu.memory_space<vmem>>
    tpu.wait_dma2 semaphore(%arg16 : memref<!tpu.dma_semaphore, #tpu.memory_space<semaphore_mem>>) src(%dma_wait3A_419 : memref<8192xf32, #tpu.memory_space<vmem>>) dst(%dma_wait3A_417 : memref<8192xf32, #tpu.memory_space<hbm>>)
    %dma_wait3A_420 = arith.constant 16384 : i32
    %dma_wait3A_421 = tpu.memref_slice %arg9[%dma_wait3A_420] : memref<49152xf32, #tpu.memory_space<vmem>> -> memref<8192xf32, #tpu.memory_space<vmem>>
    %dma_wait3A_422 = tpu.memref_slice %arg4[%add3A_250] : memref<12582912xf32, #tpu.memory_space<hbm>> -> memref<8192xf32, #tpu.memory_space<hbm>>
    %dma_wait3A_423 = tpu.memref_slice %arg4[%add3A_250] : memref<12582912xf32, #tpu.memory_space<hbm>> -> memref<8192xf32, #tpu.memory_space<hbm>>
    %dma_wait3A_424 = arith.constant 16384 : i32
    %dma_wait3A_425 = tpu.memref_slice %arg9[%dma_wait3A_424] : memref<49152xf32, #tpu.memory_space<vmem>> -> memref<8192xf32, #tpu.memory_space<vmem>>
    tpu.wait_dma2 semaphore(%arg16 : memref<!tpu.dma_semaphore, #tpu.memory_space<semaphore_mem>>) src(%dma_wait3A_425 : memref<8192xf32, #tpu.memory_space<vmem>>) dst(%dma_wait3A_423 : memref<8192xf32, #tpu.memory_space<hbm>>)
    %dma_wait3A_426 = arith.constant 24576 : i32
    %dma_wait3A_427 = tpu.memref_slice %arg9[%dma_wait3A_426] : memref<49152xf32, #tpu.memory_space<vmem>> -> memref<8192xf32, #tpu.memory_space<vmem>>
    %dma_wait3A_428 = tpu.memref_slice %arg4[%add3A_260] : memref<12582912xf32, #tpu.memory_space<hbm>> -> memref<8192xf32, #tpu.memory_space<hbm>>
    %dma_wait3A_429 = tpu.memref_slice %arg4[%add3A_260] : memref<12582912xf32, #tpu.memory_space<hbm>> -> memref<8192xf32, #tpu.memory_space<hbm>>
    %dma_wait3A_430 = arith.constant 24576 : i32
    %dma_wait3A_431 = tpu.memref_slice %arg9[%dma_wait3A_430] : memref<49152xf32, #tpu.memory_space<vmem>> -> memref<8192xf32, #tpu.memory_space<vmem>>
    tpu.wait_dma2 semaphore(%arg16 : memref<!tpu.dma_semaphore, #tpu.memory_space<semaphore_mem>>) src(%dma_wait3A_431 : memref<8192xf32, #tpu.memory_space<vmem>>) dst(%dma_wait3A_429 : memref<8192xf32, #tpu.memory_space<hbm>>)
    %dma_wait3A_432 = arith.constant 32768 : i32
    %dma_wait3A_433 = tpu.memref_slice %arg9[%dma_wait3A_432] : memref<49152xf32, #tpu.memory_space<vmem>> -> memref<8192xf32, #tpu.memory_space<vmem>>
    %dma_wait3A_434 = tpu.memref_slice %arg4[%add3A_270] : memref<12582912xf32, #tpu.memory_space<hbm>> -> memref<8192xf32, #tpu.memory_space<hbm>>
    %dma_wait3A_435 = tpu.memref_slice %arg4[%add3A_270] : memref<12582912xf32, #tpu.memory_space<hbm>> -> memref<8192xf32, #tpu.memory_space<hbm>>
    %dma_wait3A_436 = arith.constant 32768 : i32
    %dma_wait3A_437 = tpu.memref_slice %arg9[%dma_wait3A_436] : memref<49152xf32, #tpu.memory_space<vmem>> -> memref<8192xf32, #tpu.memory_space<vmem>>
    tpu.wait_dma2 semaphore(%arg16 : memref<!tpu.dma_semaphore, #tpu.memory_space<semaphore_mem>>) src(%dma_wait3A_437 : memref<8192xf32, #tpu.memory_space<vmem>>) dst(%dma_wait3A_435 : memref<8192xf32, #tpu.memory_space<hbm>>)
    %dma_wait3A_438 = arith.constant 40960 : i32
    %dma_wait3A_439 = tpu.memref_slice %arg9[%dma_wait3A_438] : memref<49152xf32, #tpu.memory_space<vmem>> -> memref<8192xf32, #tpu.memory_space<vmem>>
    %dma_wait3A_440 = tpu.memref_slice %arg4[%add3A_280] : memref<12582912xf32, #tpu.memory_space<hbm>> -> memref<8192xf32, #tpu.memory_space<hbm>>
    %dma_wait3A_441 = tpu.memref_slice %arg4[%add3A_280] : memref<12582912xf32, #tpu.memory_space<hbm>> -> memref<8192xf32, #tpu.memory_space<hbm>>
    %dma_wait3A_442 = arith.constant 40960 : i32
    %dma_wait3A_443 = tpu.memref_slice %arg9[%dma_wait3A_442] : memref<49152xf32, #tpu.memory_space<vmem>> -> memref<8192xf32, #tpu.memory_space<vmem>>
    tpu.wait_dma2 semaphore(%arg16 : memref<!tpu.dma_semaphore, #tpu.memory_space<semaphore_mem>>) src(%dma_wait3A_443 : memref<8192xf32, #tpu.memory_space<vmem>>) dst(%dma_wait3A_441 : memref<8192xf32, #tpu.memory_space<hbm>>)
    %parallel_loop3A_444 = arith.constant 0 : i32
    %parallel_loop3A_445 = arith.constant 200 : i32
    %parallel_loop3A_446 = arith.constant 1 : i32
    scf.for %parallel_loop3A_928 = %parallel_loop3A_444 to %parallel_loop3A_445 step %parallel_loop3A_446  : i32 {
      %parallel_loop3A_929 = arith.constant 16 : i32
      %parallel_loop3A_930 = arith.muli %parallel_loop3A_928, %parallel_loop3A_929 : i32
      %parallel_loop3A_931 = arith.index_cast %parallel_loop3A_930 : i32 to index
      %parallel_loop3A_932 = tpu.vector_load %arg7[%parallel_loop3A_931] {strides = array<i32>} : memref<3200xi32, #tpu.memory_space<vmem>>, vector<16xi32>,
      %parallel_loop3A_933 = arith.index_cast %parallel_loop3A_930 : i32 to index
      %parallel_loop3A_934 = tpu.vector_load %arg11[%parallel_loop3A_933] {strides = array<i32>} : memref<3200xi32, #tpu.memory_space<vmem>>, vector<16xi32>,
      %parallel_loop3A_935 = arith.constant 7 : i32
      %parallel_loop3A_936 = vector.broadcast %parallel_loop3A_935 : i32 to vector<16xi32>
      %parallel_loop3A_937 = arith.shrsi %parallel_loop3A_932, %parallel_loop3A_936 : vector<16xi32>
      %parallel_loop3A_938 = arith.constant 13 : i32
      %parallel_loop3A_939 = vector.broadcast %parallel_loop3A_938 : i32 to vector<16xi32>
      %parallel_loop3A_940 = arith.shli %parallel_loop3A_937, %parallel_loop3A_939 : vector<16xi32>
      %parallel_loop3A_941 = arith.constant 127 : i32
      %parallel_loop3A_942 = vector.broadcast %parallel_loop3A_941 : i32 to vector<16xi32>
      %parallel_loop3A_943 = arith.andi %parallel_loop3A_932, %parallel_loop3A_942 : vector<16xi32>
      %parallel_loop3A_944 = arith.addi %parallel_loop3A_943, %parallel_loop3A_934 : vector<16xi32>
      %parallel_loop3A_945 = arith.addi %parallel_loop3A_940, %parallel_loop3A_944 : vector<16xi32>
      tpu.vector_store_idx %arg9[%parallel_loop3A_945], %broadcast_in_dim3A_5 : memref<49152xf32, #tpu.memory_space<vmem>>[vector<16xi32>], vector<16xf32>,
    } {sc.loop_unroll_factor = 8 : i64, sc.parallel_access}
    %dma_wait3A_447 = tpu.memref_slice %arg2[%mul3A_290] : memref<819200xi32, #tpu.memory_space<hbm>> -> memref<3200xi32, #tpu.memory_space<hbm>>
    %dma_wait3A_448 = tpu.memref_slice %arg2[%mul3A_290] : memref<819200xi32, #tpu.memory_space<hbm>> -> memref<3200xi32, #tpu.memory_space<hbm>>
    tpu.wait_dma2 semaphore(%arg12 : memref<!tpu.dma_semaphore, #tpu.memory_space<semaphore_mem>>) src(%dma_wait3A_448 : memref<3200xi32, #tpu.memory_space<hbm>>) dst(%arg5 : memref<3200xi32, #tpu.memory_space<vmem>>)
    %scan3A_449 = arith.constant 0 : i32
    %scan3A_450 = arith.constant 0 : i32
    %scan3A_451 = arith.constant 50 : i32
    %scan3A_452 = arith.addi %scan3A_450, %scan3A_451 : i32
    %scan3A_453 = arith.constant 1 : i32
    scf.for %scan3A_928 = %scan3A_450 to %scan3A_452 step %scan3A_453  : i32 {
      %mul3A_929 = arith.constant 64 : i32
      %mul3A_930 = arith.muli %scan3A_928, %mul3A_929 : i32
      %add3A_931 = arith.constant 0 : i32
      %add3A_932 = arith.addi %mul3A_930, %add3A_931 : i32
      %get3A = arith.index_cast %add3A_932 : i32 to index
      %get3A_933 = tpu.vector_load %arg5[%get3A] {strides = array<i32>} : memref<3200xi32, #tpu.memory_space<vmem>>, vector<16xi32>,
      %get3A_934 = arith.index_cast %add3A_932 : i32 to index
      %get3A_935 = tpu.vector_load %arg11[%get3A_934] {strides = array<i32>} : memref<3200xi32, #tpu.memory_space<vmem>>, vector<16xi32>,
      %shift_right_arithmetic3A = arith.constant 7 : i32
      %shift_right_arithmetic3A_936 = vector.broadcast %shift_right_arithmetic3A : i32 to vector<16xi32>
      %shift_right_arithmetic3A_937 = arith.shrsi %get3A_933, %shift_right_arithmetic3A_936 : vector<16xi32>
      %shift_left3A = arith.constant 13 : i32
      %shift_left3A_938 = vector.broadcast %shift_left3A : i32 to vector<16xi32>
      %shift_left3A_939 = arith.shli %shift_right_arithmetic3A_937, %shift_left3A_938 : vector<16xi32>
      %and3A = arith.constant 127 : i32
      %and3A_940 = vector.broadcast %and3A : i32 to vector<16xi32>
      %and3A_941 = arith.andi %get3A_933, %and3A_940 : vector<16xi32>
      %add3A_942 = arith.addi %and3A_941, %get3A_935 : vector<16xi32>
      %add3A_943 = arith.addi %shift_left3A_939, %add3A_942 : vector<16xi32>
      tpu.vector_store_idx %arg9[%add3A_943], %broadcast_in_dim3A_3 {add = true} : memref<49152xf32, #tpu.memory_space<vmem>>[vector<16xi32>], vector<16xf32>,
      %mul3A_944 = arith.constant 64 : i32
      %mul3A_945 = arith.muli %scan3A_928, %mul3A_944 : i32
      %add3A_946 = arith.constant 16 : i32
      %add3A_947 = arith.addi %mul3A_945, %add3A_946 : i32
      %get3A_948 = arith.index_cast %add3A_947 : i32 to index
      %get3A_949 = tpu.vector_load %arg5[%get3A_948] {strides = array<i32>} : memref<3200xi32, #tpu.memory_space<vmem>>, vector<16xi32>,
      %get3A_950 = arith.index_cast %add3A_947 : i32 to index
      %get3A_951 = tpu.vector_load %arg11[%get3A_950] {strides = array<i32>} : memref<3200xi32, #tpu.memory_space<vmem>>, vector<16xi32>,
      %shift_right_arithmetic3A_952 = arith.constant 7 : i32
      %shift_right_arithmetic3A_953 = vector.broadcast %shift_right_arithmetic3A_952 : i32 to vector<16xi32>
      %shift_right_arithmetic3A_954 = arith.shrsi %get3A_949, %shift_right_arithmetic3A_953 : vector<16xi32>
      %shift_left3A_955 = arith.constant 13 : i32
      %shift_left3A_956 = vector.broadcast %shift_left3A_955 : i32 to vector<16xi32>
      %shift_left3A_957 = arith.shli %shift_right_arithmetic3A_954, %shift_left3A_956 : vector<16xi32>
      %and3A_958 = arith.constant 127 : i32
      %and3A_959 = vector.broadcast %and3A_958 : i32 to vector<16xi32>
      %and3A_960 = arith.andi %get3A_949, %and3A_959 : vector<16xi32>
      %add3A_961 = arith.addi %and3A_960, %get3A_951 : vector<16xi32>
      %add3A_962 = arith.addi %shift_left3A_957, %add3A_961 : vector<16xi32>
      tpu.vector_store_idx %arg9[%add3A_962], %broadcast_in_dim3A_3 {add = true} : memref<49152xf32, #tpu.memory_space<vmem>>[vector<16xi32>], vector<16xf32>,
      %mul3A_963 = arith.constant 64 : i32
      %mul3A_964 = arith.muli %scan3A_928, %mul3A_963 : i32
      %add3A_965 = arith.constant 32 : i32
      %add3A_966 = arith.addi %mul3A_964, %add3A_965 : i32
      %get3A_967 = arith.index_cast %add3A_966 : i32 to index
      %get3A_968 = tpu.vector_load %arg5[%get3A_967] {strides = array<i32>} : memref<3200xi32, #tpu.memory_space<vmem>>, vector<16xi32>,
      %get3A_969 = arith.index_cast %add3A_966 : i32 to index
      %get3A_970 = tpu.vector_load %arg11[%get3A_969] {strides = array<i32>} : memref<3200xi32, #tpu.memory_space<vmem>>, vector<16xi32>,
      %shift_right_arithmetic3A_971 = arith.constant 7 : i32
      %shift_right_arithmetic3A_972 = vector.broadcast %shift_right_arithmetic3A_971 : i32 to vector<16xi32>
      %shift_right_arithmetic3A_973 = arith.shrsi %get3A_968, %shift_right_arithmetic3A_972 : vector<16xi32>
      %shift_left3A_974 = arith.constant 13 : i32
      %shift_left3A_975 = vector.broadcast %shift_left3A_974 : i32 to vector<16xi32>
      %shift_left3A_976 = arith.shli %shift_right_arithmetic3A_973, %shift_left3A_975 : vector<16xi32>
      %and3A_977 = arith.constant 127 : i32
      %and3A_978 = vector.broadcast %and3A_977 : i32 to vector<16xi32>
      %and3A_979 = arith.andi %get3A_968, %and3A_978 : vector<16xi32>
      %add3A_980 = arith.addi %and3A_979, %get3A_970 : vector<16xi32>
      %add3A_981 = arith.addi %shift_left3A_976, %add3A_980 : vector<16xi32>
      tpu.vector_store_idx %arg9[%add3A_981], %broadcast_in_dim3A_3 {add = true} : memref<49152xf32, #tpu.memory_space<vmem>>[vector<16xi32>], vector<16xf32>,
      %mul3A_982 = arith.constant 64 : i32
      %mul3A_983 = arith.muli %scan3A_928, %mul3A_982 : i32
      %add3A_984 = arith.constant 48 : i32
      %add3A_985 = arith.addi %mul3A_983, %add3A_984 : i32
      %get3A_986 = arith.index_cast %add3A_985 : i32 to index
      %get3A_987 = tpu.vector_load %arg5[%get3A_986] {strides = array<i32>} : memref<3200xi32, #tpu.memory_space<vmem>>, vector<16xi32>,
      %get3A_988 = arith.index_cast %add3A_985 : i32 to index
      %get3A_989 = tpu.vector_load %arg11[%get3A_988] {strides = array<i32>} : memref<3200xi32, #tpu.memory_space<vmem>>, vector<16xi32>,
      %shift_right_arithmetic3A_990 = arith.constant 7 : i32
      %shift_right_arithmetic3A_991 = vector.broadcast %shift_right_arithmetic3A_990 : i32 to vector<16xi32>
      %shift_right_arithmetic3A_992 = arith.shrsi %get3A_987, %shift_right_arithmetic3A_991 : vector<16xi32>
      %shift_left3A_993 = arith.constant 13 : i32
      %shift_left3A_994 = vector.broadcast %shift_left3A_993 : i32 to vector<16xi32>
      %shift_left3A_995 = arith.shli %shift_right_arithmetic3A_992, %shift_left3A_994 : vector<16xi32>
      %and3A_996 = arith.constant 127 : i32
      %and3A_997 = vector.broadcast %and3A_996 : i32 to vector<16xi32>
      %and3A_998 = arith.andi %get3A_987, %and3A_997 : vector<16xi32>
      %add3A_999 = arith.addi %and3A_998, %get3A_989 : vector<16xi32>
      %add3A_1000 = arith.addi %shift_left3A_995, %add3A_999 : vector<16xi32>
      tpu.vector_store_idx %arg9[%add3A_1000], %broadcast_in_dim3A_3 {add = true} : memref<49152xf32, #tpu.memory_space<vmem>>[vector<16xi32>], vector<16xf32>,
    }
    %scan3A_454 = arith.constant 50 : i32
    %add3A_455 = arith.constant 256 : i32
    %add3A_456 = arith.addi %mul3A_2, %add3A_455 : i32
    %mul3A_457 = arith.constant 128 : i32
    %mul3A_458 = arith.muli %add3A_456, %mul3A_457 : i32
    %add3A_459 = arith.constant 0 : i32
    %add3A_460 = arith.addi %add3A_459, %mul3A_458 : i32
    %dma_start3A_461 = arith.constant 0 : i32
    %dma_start3A_462 = tpu.memref_slice %arg9[%dma_start3A_461] : memref<49152xf32, #tpu.memory_space<vmem>> -> memref<8192xf32, #tpu.memory_space<vmem>>
    %dma_start3A_463 = tpu.memref_slice %arg4[%add3A_460] : memref<12582912xf32, #tpu.memory_space<hbm>> -> memref<8192xf32, #tpu.memory_space<hbm>>
    %dma_start3A_464 = tpu.memref_slice %arg4[%add3A_460] : memref<12582912xf32, #tpu.memory_space<hbm>> -> memref<8192xf32, #tpu.memory_space<hbm>>
    %dma_start3A_465 = arith.constant 0 : i32
    %dma_start3A_466 = tpu.memref_slice %arg9[%dma_start3A_465] : memref<49152xf32, #tpu.memory_space<vmem>> -> memref<8192xf32, #tpu.memory_space<vmem>>
    tpu.enqueue_dma source(%dma_start3A_466 : memref<8192xf32, #tpu.memory_space<vmem>>) target(%dma_start3A_464 : memref<8192xf32, #tpu.memory_space<hbm>>) target_semaphore(%arg16 : memref<!tpu.dma_semaphore, #tpu.memory_space<semaphore_mem>>)
    %mul3A_467 = arith.constant 128 : i32
    %mul3A_468 = arith.muli %add3A_456, %mul3A_467 : i32
    %add3A_469 = arith.constant 2097152 : i32
    %add3A_470 = arith.addi %add3A_469, %mul3A_468 : i32
    %dma_start3A_471 = arith.constant 8192 : i32
    %dma_start3A_472 = tpu.memref_slice %arg9[%dma_start3A_471] : memref<49152xf32, #tpu.memory_space<vmem>> -> memref<8192xf32, #tpu.memory_space<vmem>>
    %dma_start3A_473 = tpu.memref_slice %arg4[%add3A_470] : memref<12582912xf32, #tpu.memory_space<hbm>> -> memref<8192xf32, #tpu.memory_space<hbm>>
    %dma_start3A_474 = tpu.memref_slice %arg4[%add3A_470] : memref<12582912xf32, #tpu.memory_space<hbm>> -> memref<8192xf32, #tpu.memory_space<hbm>>
    %dma_start3A_475 = arith.constant 8192 : i32
    %dma_start3A_476 = tpu.memref_slice %arg9[%dma_start3A_475] : memref<49152xf32, #tpu.memory_space<vmem>> -> memref<8192xf32, #tpu.memory_space<vmem>>
    tpu.enqueue_dma source(%dma_start3A_476 : memref<8192xf32, #tpu.memory_space<vmem>>) target(%dma_start3A_474 : memref<8192xf32, #tpu.memory_space<hbm>>) target_semaphore(%arg16 : memref<!tpu.dma_semaphore, #tpu.memory_space<semaphore_mem>>)
    %mul3A_477 = arith.constant 128 : i32
    %mul3A_478 = arith.muli %add3A_456, %mul3A_477 : i32
    %add3A_479 = arith.constant 4194304 : i32
    %add3A_480 = arith.addi %add3A_479, %mul3A_478 : i32
    %dma_start3A_481 = arith.constant 16384 : i32
    %dma_start3A_482 = tpu.memref_slice %arg9[%dma_start3A_481] : memref<49152xf32, #tpu.memory_space<vmem>> -> memref<8192xf32, #tpu.memory_space<vmem>>
    %dma_start3A_483 = tpu.memref_slice %arg4[%add3A_480] : memref<12582912xf32, #tpu.memory_space<hbm>> -> memref<8192xf32, #tpu.memory_space<hbm>>
    %dma_start3A_484 = tpu.memref_slice %arg4[%add3A_480] : memref<12582912xf32, #tpu.memory_space<hbm>> -> memref<8192xf32, #tpu.memory_space<hbm>>
    %dma_start3A_485 = arith.constant 16384 : i32
    %dma_start3A_486 = tpu.memref_slice %arg9[%dma_start3A_485] : memref<49152xf32, #tpu.memory_space<vmem>> -> memref<8192xf32, #tpu.memory_space<vmem>>
    tpu.enqueue_dma source(%dma_start3A_486 : memref<8192xf32, #tpu.memory_space<vmem>>) target(%dma_start3A_484 : memref<8192xf32, #tpu.memory_space<hbm>>) target_semaphore(%arg16 : memref<!tpu.dma_semaphore, #tpu.memory_space<semaphore_mem>>)
    %mul3A_487 = arith.constant 128 : i32
    %mul3A_488 = arith.muli %add3A_456, %mul3A_487 : i32
    %add3A_489 = arith.constant 6291456 : i32
    %add3A_490 = arith.addi %add3A_489, %mul3A_488 : i32
    %dma_start3A_491 = arith.constant 24576 : i32
    %dma_start3A_492 = tpu.memref_slice %arg9[%dma_start3A_491] : memref<49152xf32, #tpu.memory_space<vmem>> -> memref<8192xf32, #tpu.memory_space<vmem>>
    %dma_start3A_493 = tpu.memref_slice %arg4[%add3A_490] : memref<12582912xf32, #tpu.memory_space<hbm>> -> memref<8192xf32, #tpu.memory_space<hbm>>
    %dma_start3A_494 = tpu.memref_slice %arg4[%add3A_490] : memref<12582912xf32, #tpu.memory_space<hbm>> -> memref<8192xf32, #tpu.memory_space<hbm>>
    %dma_start3A_495 = arith.constant 24576 : i32
    %dma_start3A_496 = tpu.memref_slice %arg9[%dma_start3A_495] : memref<49152xf32, #tpu.memory_space<vmem>> -> memref<8192xf32, #tpu.memory_space<vmem>>
    tpu.enqueue_dma source(%dma_start3A_496 : memref<8192xf32, #tpu.memory_space<vmem>>) target(%dma_start3A_494 : memref<8192xf32, #tpu.memory_space<hbm>>) target_semaphore(%arg16 : memref<!tpu.dma_semaphore, #tpu.memory_space<semaphore_mem>>)
    %mul3A_497 = arith.constant 128 : i32
    %mul3A_498 = arith.muli %add3A_456, %mul3A_497 : i32
    %add3A_499 = arith.constant 8388608 : i32
    %add3A_500 = arith.addi %add3A_499, %mul3A_498 : i32
    %dma_start3A_501 = arith.constant 32768 : i32
    %dma_start3A_502 = tpu.memref_slice %arg9[%dma_start3A_501] : memref<49152xf32, #tpu.memory_space<vmem>> -> memref<8192xf32, #tpu.memory_space<vmem>>
    %dma_start3A_503 = tpu.memref_slice %arg4[%add3A_500] : memref<12582912xf32, #tpu.memory_space<hbm>> -> memref<8192xf32, #tpu.memory_space<hbm>>
    %dma_start3A_504 = tpu.memref_slice %arg4[%add3A_500] : memref<12582912xf32, #tpu.memory_space<hbm>> -> memref<8192xf32, #tpu.memory_space<hbm>>
    %dma_start3A_505 = arith.constant 32768 : i32
    %dma_start3A_506 = tpu.memref_slice %arg9[%dma_start3A_505] : memref<49152xf32, #tpu.memory_space<vmem>> -> memref<8192xf32, #tpu.memory_space<vmem>>
    tpu.enqueue_dma source(%dma_start3A_506 : memref<8192xf32, #tpu.memory_space<vmem>>) target(%dma_start3A_504 : memref<8192xf32, #tpu.memory_space<hbm>>) target_semaphore(%arg16 : memref<!tpu.dma_semaphore, #tpu.memory_space<semaphore_mem>>)
    %mul3A_507 = arith.constant 128 : i32
    %mul3A_508 = arith.muli %add3A_456, %mul3A_507 : i32
    %add3A_509 = arith.constant 10485760 : i32
    %add3A_510 = arith.addi %add3A_509, %mul3A_508 : i32
    %dma_start3A_511 = arith.constant 40960 : i32
    %dma_start3A_512 = tpu.memref_slice %arg9[%dma_start3A_511] : memref<49152xf32, #tpu.memory_space<vmem>> -> memref<8192xf32, #tpu.memory_space<vmem>>
    %dma_start3A_513 = tpu.memref_slice %arg4[%add3A_510] : memref<12582912xf32, #tpu.memory_space<hbm>> -> memref<8192xf32, #tpu.memory_space<hbm>>
    %dma_start3A_514 = tpu.memref_slice %arg4[%add3A_510] : memref<12582912xf32, #tpu.memory_space<hbm>> -> memref<8192xf32, #tpu.memory_space<hbm>>
    %dma_start3A_515 = arith.constant 40960 : i32
    %dma_start3A_516 = tpu.memref_slice %arg9[%dma_start3A_515] : memref<49152xf32, #tpu.memory_space<vmem>> -> memref<8192xf32, #tpu.memory_space<vmem>>
    tpu.enqueue_dma source(%dma_start3A_516 : memref<8192xf32, #tpu.memory_space<vmem>>) target(%dma_start3A_514 : memref<8192xf32, #tpu.memory_space<hbm>>) target_semaphore(%arg16 : memref<!tpu.dma_semaphore, #tpu.memory_space<semaphore_mem>>)
    %add3A_517 = arith.constant 384 : i32
    %add3A_518 = arith.addi %mul3A_2, %add3A_517 : i32
    %mul3A_519 = arith.constant 50 : i32
    %mul3A_520 = arith.muli %add3A_518, %mul3A_519 : i32
    %dma_start3A_521 = tpu.memref_slice %arg2[%mul3A_520] : memref<819200xi32, #tpu.memory_space<hbm>> -> memref<3200xi32, #tpu.memory_space<hbm>>
    %dma_start3A_522 = tpu.memref_slice %arg2[%mul3A_520] : memref<819200xi32, #tpu.memory_space<hbm>> -> memref<3200xi32, #tpu.memory_space<hbm>>
    tpu.enqueue_dma source(%dma_start3A_522 : memref<3200xi32, #tpu.memory_space<hbm>>) target(%arg7 : memref<3200xi32, #tpu.memory_space<vmem>>) target_semaphore(%arg14 : memref<!tpu.dma_semaphore, #tpu.memory_space<semaphore_mem>>)
    %dma_wait3A_523 = arith.constant 0 : i32
    %dma_wait3A_524 = tpu.memref_slice %arg10[%dma_wait3A_523] : memref<49152xf32, #tpu.memory_space<vmem>> -> memref<8192xf32, #tpu.memory_space<vmem>>
    %dma_wait3A_525 = tpu.memref_slice %arg4[%add3A_345] : memref<12582912xf32, #tpu.memory_space<hbm>> -> memref<8192xf32, #tpu.memory_space<hbm>>
    %dma_wait3A_526 = tpu.memref_slice %arg4[%add3A_345] : memref<12582912xf32, #tpu.memory_space<hbm>> -> memref<8192xf32, #tpu.memory_space<hbm>>
    %dma_wait3A_527 = arith.constant 0 : i32
    %dma_wait3A_528 = tpu.memref_slice %arg10[%dma_wait3A_527] : memref<49152xf32, #tpu.memory_space<vmem>> -> memref<8192xf32, #tpu.memory_space<vmem>>
    tpu.wait_dma2 semaphore(%arg17 : memref<!tpu.dma_semaphore, #tpu.memory_space<semaphore_mem>>) src(%dma_wait3A_528 : memref<8192xf32, #tpu.memory_space<vmem>>) dst(%dma_wait3A_526 : memref<8192xf32, #tpu.memory_space<hbm>>)
    %dma_wait3A_529 = arith.constant 8192 : i32
    %dma_wait3A_530 = tpu.memref_slice %arg10[%dma_wait3A_529] : memref<49152xf32, #tpu.memory_space<vmem>> -> memref<8192xf32, #tpu.memory_space<vmem>>
    %dma_wait3A_531 = tpu.memref_slice %arg4[%add3A_355] : memref<12582912xf32, #tpu.memory_space<hbm>> -> memref<8192xf32, #tpu.memory_space<hbm>>
    %dma_wait3A_532 = tpu.memref_slice %arg4[%add3A_355] : memref<12582912xf32, #tpu.memory_space<hbm>> -> memref<8192xf32, #tpu.memory_space<hbm>>
    %dma_wait3A_533 = arith.constant 8192 : i32
    %dma_wait3A_534 = tpu.memref_slice %arg10[%dma_wait3A_533] : memref<49152xf32, #tpu.memory_space<vmem>> -> memref<8192xf32, #tpu.memory_space<vmem>>
    tpu.wait_dma2 semaphore(%arg17 : memref<!tpu.dma_semaphore, #tpu.memory_space<semaphore_mem>>) src(%dma_wait3A_534 : memref<8192xf32, #tpu.memory_space<vmem>>) dst(%dma_wait3A_532 : memref<8192xf32, #tpu.memory_space<hbm>>)
    %dma_wait3A_535 = arith.constant 16384 : i32
    %dma_wait3A_536 = tpu.memref_slice %arg10[%dma_wait3A_535] : memref<49152xf32, #tpu.memory_space<vmem>> -> memref<8192xf32, #tpu.memory_space<vmem>>
    %dma_wait3A_537 = tpu.memref_slice %arg4[%add3A_365] : memref<12582912xf32, #tpu.memory_space<hbm>> -> memref<8192xf32, #tpu.memory_space<hbm>>
    %dma_wait3A_538 = tpu.memref_slice %arg4[%add3A_365] : memref<12582912xf32, #tpu.memory_space<hbm>> -> memref<8192xf32, #tpu.memory_space<hbm>>
    %dma_wait3A_539 = arith.constant 16384 : i32
    %dma_wait3A_540 = tpu.memref_slice %arg10[%dma_wait3A_539] : memref<49152xf32, #tpu.memory_space<vmem>> -> memref<8192xf32, #tpu.memory_space<vmem>>
    tpu.wait_dma2 semaphore(%arg17 : memref<!tpu.dma_semaphore, #tpu.memory_space<semaphore_mem>>) src(%dma_wait3A_540 : memref<8192xf32, #tpu.memory_space<vmem>>) dst(%dma_wait3A_538 : memref<8192xf32, #tpu.memory_space<hbm>>)
    %dma_wait3A_541 = arith.constant 24576 : i32
    %dma_wait3A_542 = tpu.memref_slice %arg10[%dma_wait3A_541] : memref<49152xf32, #tpu.memory_space<vmem>> -> memref<8192xf32, #tpu.memory_space<vmem>>
    %dma_wait3A_543 = tpu.memref_slice %arg4[%add3A_375] : memref<12582912xf32, #tpu.memory_space<hbm>> -> memref<8192xf32, #tpu.memory_space<hbm>>
    %dma_wait3A_544 = tpu.memref_slice %arg4[%add3A_375] : memref<12582912xf32, #tpu.memory_space<hbm>> -> memref<8192xf32, #tpu.memory_space<hbm>>
    %dma_wait3A_545 = arith.constant 24576 : i32
    %dma_wait3A_546 = tpu.memref_slice %arg10[%dma_wait3A_545] : memref<49152xf32, #tpu.memory_space<vmem>> -> memref<8192xf32, #tpu.memory_space<vmem>>
    tpu.wait_dma2 semaphore(%arg17 : memref<!tpu.dma_semaphore, #tpu.memory_space<semaphore_mem>>) src(%dma_wait3A_546 : memref<8192xf32, #tpu.memory_space<vmem>>) dst(%dma_wait3A_544 : memref<8192xf32, #tpu.memory_space<hbm>>)
    %dma_wait3A_547 = arith.constant 32768 : i32
    %dma_wait3A_548 = tpu.memref_slice %arg10[%dma_wait3A_547] : memref<49152xf32, #tpu.memory_space<vmem>> -> memref<8192xf32, #tpu.memory_space<vmem>>
    %dma_wait3A_549 = tpu.memref_slice %arg4[%add3A_385] : memref<12582912xf32, #tpu.memory_space<hbm>> -> memref<8192xf32, #tpu.memory_space<hbm>>
    %dma_wait3A_550 = tpu.memref_slice %arg4[%add3A_385] : memref<12582912xf32, #tpu.memory_space<hbm>> -> memref<8192xf32, #tpu.memory_space<hbm>>
    %dma_wait3A_551 = arith.constant 32768 : i32
    %dma_wait3A_552 = tpu.memref_slice %arg10[%dma_wait3A_551] : memref<49152xf32, #tpu.memory_space<vmem>> -> memref<8192xf32, #tpu.memory_space<vmem>>
    tpu.wait_dma2 semaphore(%arg17 : memref<!tpu.dma_semaphore, #tpu.memory_space<semaphore_mem>>) src(%dma_wait3A_552 : memref<8192xf32, #tpu.memory_space<vmem>>) dst(%dma_wait3A_550 : memref<8192xf32, #tpu.memory_space<hbm>>)
    %dma_wait3A_553 = arith.constant 40960 : i32
    %dma_wait3A_554 = tpu.memref_slice %arg10[%dma_wait3A_553] : memref<49152xf32, #tpu.memory_space<vmem>> -> memref<8192xf32, #tpu.memory_space<vmem>>
    %dma_wait3A_555 = tpu.memref_slice %arg4[%add3A_395] : memref<12582912xf32, #tpu.memory_space<hbm>> -> memref<8192xf32, #tpu.memory_space<hbm>>
    %dma_wait3A_556 = tpu.memref_slice %arg4[%add3A_395] : memref<12582912xf32, #tpu.memory_space<hbm>> -> memref<8192xf32, #tpu.memory_space<hbm>>
    %dma_wait3A_557 = arith.constant 40960 : i32
    %dma_wait3A_558 = tpu.memref_slice %arg10[%dma_wait3A_557] : memref<49152xf32, #tpu.memory_space<vmem>> -> memref<8192xf32, #tpu.memory_space<vmem>>
    tpu.wait_dma2 semaphore(%arg17 : memref<!tpu.dma_semaphore, #tpu.memory_space<semaphore_mem>>) src(%dma_wait3A_558 : memref<8192xf32, #tpu.memory_space<vmem>>) dst(%dma_wait3A_556 : memref<8192xf32, #tpu.memory_space<hbm>>)
    %parallel_loop3A_559 = arith.constant 0 : i32
    %parallel_loop3A_560 = arith.constant 200 : i32
    %parallel_loop3A_561 = arith.constant 1 : i32
    scf.for %parallel_loop3A_928 = %parallel_loop3A_559 to %parallel_loop3A_560 step %parallel_loop3A_561  : i32 {
      %parallel_loop3A_929 = arith.constant 16 : i32
      %parallel_loop3A_930 = arith.muli %parallel_loop3A_928, %parallel_loop3A_929 : i32
      %parallel_loop3A_931 = arith.index_cast %parallel_loop3A_930 : i32 to index
      %parallel_loop3A_932 = tpu.vector_load %arg8[%parallel_loop3A_931] {strides = array<i32>} : memref<3200xi32, #tpu.memory_space<vmem>>, vector<16xi32>,
      %parallel_loop3A_933 = arith.index_cast %parallel_loop3A_930 : i32 to index
      %parallel_loop3A_934 = tpu.vector_load %arg11[%parallel_loop3A_933] {strides = array<i32>} : memref<3200xi32, #tpu.memory_space<vmem>>, vector<16xi32>,
      %parallel_loop3A_935 = arith.constant 7 : i32
      %parallel_loop3A_936 = vector.broadcast %parallel_loop3A_935 : i32 to vector<16xi32>
      %parallel_loop3A_937 = arith.shrsi %parallel_loop3A_932, %parallel_loop3A_936 : vector<16xi32>
      %parallel_loop3A_938 = arith.constant 13 : i32
      %parallel_loop3A_939 = vector.broadcast %parallel_loop3A_938 : i32 to vector<16xi32>
      %parallel_loop3A_940 = arith.shli %parallel_loop3A_937, %parallel_loop3A_939 : vector<16xi32>
      %parallel_loop3A_941 = arith.constant 127 : i32
      %parallel_loop3A_942 = vector.broadcast %parallel_loop3A_941 : i32 to vector<16xi32>
      %parallel_loop3A_943 = arith.andi %parallel_loop3A_932, %parallel_loop3A_942 : vector<16xi32>
      %parallel_loop3A_944 = arith.addi %parallel_loop3A_943, %parallel_loop3A_934 : vector<16xi32>
      %parallel_loop3A_945 = arith.addi %parallel_loop3A_940, %parallel_loop3A_944 : vector<16xi32>
      tpu.vector_store_idx %arg10[%parallel_loop3A_945], %broadcast_in_dim3A_5 : memref<49152xf32, #tpu.memory_space<vmem>>[vector<16xi32>], vector<16xf32>,
    } {sc.loop_unroll_factor = 8 : i64, sc.parallel_access}
    %dma_wait3A_562 = tpu.memref_slice %arg2[%mul3A_405] : memref<819200xi32, #tpu.memory_space<hbm>> -> memref<3200xi32, #tpu.memory_space<hbm>>
    %dma_wait3A_563 = tpu.memref_slice %arg2[%mul3A_405] : memref<819200xi32, #tpu.memory_space<hbm>> -> memref<3200xi32, #tpu.memory_space<hbm>>
    tpu.wait_dma2 semaphore(%arg13 : memref<!tpu.dma_semaphore, #tpu.memory_space<semaphore_mem>>) src(%dma_wait3A_563 : memref<3200xi32, #tpu.memory_space<hbm>>) dst(%arg6 : memref<3200xi32, #tpu.memory_space<vmem>>)
    %scan3A_564 = arith.constant 0 : i32
    %scan3A_565 = arith.constant 0 : i32
    %scan3A_566 = arith.constant 50 : i32
    %scan3A_567 = arith.addi %scan3A_565, %scan3A_566 : i32
    %scan3A_568 = arith.constant 1 : i32
    scf.for %scan3A_928 = %scan3A_565 to %scan3A_567 step %scan3A_568  : i32 {
      %mul3A_929 = arith.constant 64 : i32
      %mul3A_930 = arith.muli %scan3A_928, %mul3A_929 : i32
      %add3A_931 = arith.constant 0 : i32
      %add3A_932 = arith.addi %mul3A_930, %add3A_931 : i32
      %get3A = arith.index_cast %add3A_932 : i32 to index
      %get3A_933 = tpu.vector_load %arg6[%get3A] {strides = array<i32>} : memref<3200xi32, #tpu.memory_space<vmem>>, vector<16xi32>,
      %get3A_934 = arith.index_cast %add3A_932 : i32 to index
      %get3A_935 = tpu.vector_load %arg11[%get3A_934] {strides = array<i32>} : memref<3200xi32, #tpu.memory_space<vmem>>, vector<16xi32>,
      %shift_right_arithmetic3A = arith.constant 7 : i32
      %shift_right_arithmetic3A_936 = vector.broadcast %shift_right_arithmetic3A : i32 to vector<16xi32>
      %shift_right_arithmetic3A_937 = arith.shrsi %get3A_933, %shift_right_arithmetic3A_936 : vector<16xi32>
      %shift_left3A = arith.constant 13 : i32
      %shift_left3A_938 = vector.broadcast %shift_left3A : i32 to vector<16xi32>
      %shift_left3A_939 = arith.shli %shift_right_arithmetic3A_937, %shift_left3A_938 : vector<16xi32>
      %and3A = arith.constant 127 : i32
      %and3A_940 = vector.broadcast %and3A : i32 to vector<16xi32>
      %and3A_941 = arith.andi %get3A_933, %and3A_940 : vector<16xi32>
      %add3A_942 = arith.addi %and3A_941, %get3A_935 : vector<16xi32>
      %add3A_943 = arith.addi %shift_left3A_939, %add3A_942 : vector<16xi32>
      tpu.vector_store_idx %arg10[%add3A_943], %broadcast_in_dim3A_3 {add = true} : memref<49152xf32, #tpu.memory_space<vmem>>[vector<16xi32>], vector<16xf32>,
      %mul3A_944 = arith.constant 64 : i32
      %mul3A_945 = arith.muli %scan3A_928, %mul3A_944 : i32
      %add3A_946 = arith.constant 16 : i32
      %add3A_947 = arith.addi %mul3A_945, %add3A_946 : i32
      %get3A_948 = arith.index_cast %add3A_947 : i32 to index
      %get3A_949 = tpu.vector_load %arg6[%get3A_948] {strides = array<i32>} : memref<3200xi32, #tpu.memory_space<vmem>>, vector<16xi32>,
      %get3A_950 = arith.index_cast %add3A_947 : i32 to index
      %get3A_951 = tpu.vector_load %arg11[%get3A_950] {strides = array<i32>} : memref<3200xi32, #tpu.memory_space<vmem>>, vector<16xi32>,
      %shift_right_arithmetic3A_952 = arith.constant 7 : i32
      %shift_right_arithmetic3A_953 = vector.broadcast %shift_right_arithmetic3A_952 : i32 to vector<16xi32>
      %shift_right_arithmetic3A_954 = arith.shrsi %get3A_949, %shift_right_arithmetic3A_953 : vector<16xi32>
      %shift_left3A_955 = arith.constant 13 : i32
      %shift_left3A_956 = vector.broadcast %shift_left3A_955 : i32 to vector<16xi32>
      %shift_left3A_957 = arith.shli %shift_right_arithmetic3A_954, %shift_left3A_956 : vector<16xi32>
      %and3A_958 = arith.constant 127 : i32
      %and3A_959 = vector.broadcast %and3A_958 : i32 to vector<16xi32>
      %and3A_960 = arith.andi %get3A_949, %and3A_959 : vector<16xi32>
      %add3A_961 = arith.addi %and3A_960, %get3A_951 : vector<16xi32>
      %add3A_962 = arith.addi %shift_left3A_957, %add3A_961 : vector<16xi32>
      tpu.vector_store_idx %arg10[%add3A_962], %broadcast_in_dim3A_3 {add = true} : memref<49152xf32, #tpu.memory_space<vmem>>[vector<16xi32>], vector<16xf32>,
      %mul3A_963 = arith.constant 64 : i32
      %mul3A_964 = arith.muli %scan3A_928, %mul3A_963 : i32
      %add3A_965 = arith.constant 32 : i32
      %add3A_966 = arith.addi %mul3A_964, %add3A_965 : i32
      %get3A_967 = arith.index_cast %add3A_966 : i32 to index
      %get3A_968 = tpu.vector_load %arg6[%get3A_967] {strides = array<i32>} : memref<3200xi32, #tpu.memory_space<vmem>>, vector<16xi32>,
      %get3A_969 = arith.index_cast %add3A_966 : i32 to index
      %get3A_970 = tpu.vector_load %arg11[%get3A_969] {strides = array<i32>} : memref<3200xi32, #tpu.memory_space<vmem>>, vector<16xi32>,
      %shift_right_arithmetic3A_971 = arith.constant 7 : i32
      %shift_right_arithmetic3A_972 = vector.broadcast %shift_right_arithmetic3A_971 : i32 to vector<16xi32>
      %shift_right_arithmetic3A_973 = arith.shrsi %get3A_968, %shift_right_arithmetic3A_972 : vector<16xi32>
      %shift_left3A_974 = arith.constant 13 : i32
      %shift_left3A_975 = vector.broadcast %shift_left3A_974 : i32 to vector<16xi32>
      %shift_left3A_976 = arith.shli %shift_right_arithmetic3A_973, %shift_left3A_975 : vector<16xi32>
      %and3A_977 = arith.constant 127 : i32
      %and3A_978 = vector.broadcast %and3A_977 : i32 to vector<16xi32>
      %and3A_979 = arith.andi %get3A_968, %and3A_978 : vector<16xi32>
      %add3A_980 = arith.addi %and3A_979, %get3A_970 : vector<16xi32>
      %add3A_981 = arith.addi %shift_left3A_976, %add3A_980 : vector<16xi32>
      tpu.vector_store_idx %arg10[%add3A_981], %broadcast_in_dim3A_3 {add = true} : memref<49152xf32, #tpu.memory_space<vmem>>[vector<16xi32>], vector<16xf32>,
      %mul3A_982 = arith.constant 64 : i32
      %mul3A_983 = arith.muli %scan3A_928, %mul3A_982 : i32
      %add3A_984 = arith.constant 48 : i32
      %add3A_985 = arith.addi %mul3A_983, %add3A_984 : i32
      %get3A_986 = arith.index_cast %add3A_985 : i32 to index
      %get3A_987 = tpu.vector_load %arg6[%get3A_986] {strides = array<i32>} : memref<3200xi32, #tpu.memory_space<vmem>>, vector<16xi32>,
      %get3A_988 = arith.index_cast %add3A_985 : i32 to index
      %get3A_989 = tpu.vector_load %arg11[%get3A_988] {strides = array<i32>} : memref<3200xi32, #tpu.memory_space<vmem>>, vector<16xi32>,
      %shift_right_arithmetic3A_990 = arith.constant 7 : i32
      %shift_right_arithmetic3A_991 = vector.broadcast %shift_right_arithmetic3A_990 : i32 to vector<16xi32>
      %shift_right_arithmetic3A_992 = arith.shrsi %get3A_987, %shift_right_arithmetic3A_991 : vector<16xi32>
      %shift_left3A_993 = arith.constant 13 : i32
      %shift_left3A_994 = vector.broadcast %shift_left3A_993 : i32 to vector<16xi32>
      %shift_left3A_995 = arith.shli %shift_right_arithmetic3A_992, %shift_left3A_994 : vector<16xi32>
      %and3A_996 = arith.constant 127 : i32
      %and3A_997 = vector.broadcast %and3A_996 : i32 to vector<16xi32>
      %and3A_998 = arith.andi %get3A_987, %and3A_997 : vector<16xi32>
      %add3A_999 = arith.addi %and3A_998, %get3A_989 : vector<16xi32>
      %add3A_1000 = arith.addi %shift_left3A_995, %add3A_999 : vector<16xi32>
      tpu.vector_store_idx %arg10[%add3A_1000], %broadcast_in_dim3A_3 {add = true} : memref<49152xf32, #tpu.memory_space<vmem>>[vector<16xi32>], vector<16xf32>,
    }
    %scan3A_569 = arith.constant 50 : i32
    %add3A_570 = arith.constant 320 : i32
    %add3A_571 = arith.addi %mul3A_2, %add3A_570 : i32
    %mul3A_572 = arith.constant 128 : i32
    %mul3A_573 = arith.muli %add3A_571, %mul3A_572 : i32
    %add3A_574 = arith.constant 0 : i32
    %add3A_575 = arith.addi %add3A_574, %mul3A_573 : i32
    %dma_start3A_576 = arith.constant 0 : i32
    %dma_start3A_577 = tpu.memref_slice %arg10[%dma_start3A_576] : memref<49152xf32, #tpu.memory_space<vmem>> -> memref<8192xf32, #tpu.memory_space<vmem>>
    %dma_start3A_578 = tpu.memref_slice %arg4[%add3A_575] : memref<12582912xf32, #tpu.memory_space<hbm>> -> memref<8192xf32, #tpu.memory_space<hbm>>
    %dma_start3A_579 = tpu.memref_slice %arg4[%add3A_575] : memref<12582912xf32, #tpu.memory_space<hbm>> -> memref<8192xf32, #tpu.memory_space<hbm>>
    %dma_start3A_580 = arith.constant 0 : i32
    %dma_start3A_581 = tpu.memref_slice %arg10[%dma_start3A_580] : memref<49152xf32, #tpu.memory_space<vmem>> -> memref<8192xf32, #tpu.memory_space<vmem>>
    tpu.enqueue_dma source(%dma_start3A_581 : memref<8192xf32, #tpu.memory_space<vmem>>) target(%dma_start3A_579 : memref<8192xf32, #tpu.memory_space<hbm>>) target_semaphore(%arg17 : memref<!tpu.dma_semaphore, #tpu.memory_space<semaphore_mem>>)
    %mul3A_582 = arith.constant 128 : i32
    %mul3A_583 = arith.muli %add3A_571, %mul3A_582 : i32
    %add3A_584 = arith.constant 2097152 : i32
    %add3A_585 = arith.addi %add3A_584, %mul3A_583 : i32
    %dma_start3A_586 = arith.constant 8192 : i32
    %dma_start3A_587 = tpu.memref_slice %arg10[%dma_start3A_586] : memref<49152xf32, #tpu.memory_space<vmem>> -> memref<8192xf32, #tpu.memory_space<vmem>>
    %dma_start3A_588 = tpu.memref_slice %arg4[%add3A_585] : memref<12582912xf32, #tpu.memory_space<hbm>> -> memref<8192xf32, #tpu.memory_space<hbm>>
    %dma_start3A_589 = tpu.memref_slice %arg4[%add3A_585] : memref<12582912xf32, #tpu.memory_space<hbm>> -> memref<8192xf32, #tpu.memory_space<hbm>>
    %dma_start3A_590 = arith.constant 8192 : i32
    %dma_start3A_591 = tpu.memref_slice %arg10[%dma_start3A_590] : memref<49152xf32, #tpu.memory_space<vmem>> -> memref<8192xf32, #tpu.memory_space<vmem>>
    tpu.enqueue_dma source(%dma_start3A_591 : memref<8192xf32, #tpu.memory_space<vmem>>) target(%dma_start3A_589 : memref<8192xf32, #tpu.memory_space<hbm>>) target_semaphore(%arg17 : memref<!tpu.dma_semaphore, #tpu.memory_space<semaphore_mem>>)
    %mul3A_592 = arith.constant 128 : i32
    %mul3A_593 = arith.muli %add3A_571, %mul3A_592 : i32
    %add3A_594 = arith.constant 4194304 : i32
    %add3A_595 = arith.addi %add3A_594, %mul3A_593 : i32
    %dma_start3A_596 = arith.constant 16384 : i32
    %dma_start3A_597 = tpu.memref_slice %arg10[%dma_start3A_596] : memref<49152xf32, #tpu.memory_space<vmem>> -> memref<8192xf32, #tpu.memory_space<vmem>>
    %dma_start3A_598 = tpu.memref_slice %arg4[%add3A_595] : memref<12582912xf32, #tpu.memory_space<hbm>> -> memref<8192xf32, #tpu.memory_space<hbm>>
    %dma_start3A_599 = tpu.memref_slice %arg4[%add3A_595] : memref<12582912xf32, #tpu.memory_space<hbm>> -> memref<8192xf32, #tpu.memory_space<hbm>>
    %dma_start3A_600 = arith.constant 16384 : i32
    %dma_start3A_601 = tpu.memref_slice %arg10[%dma_start3A_600] : memref<49152xf32, #tpu.memory_space<vmem>> -> memref<8192xf32, #tpu.memory_space<vmem>>
    tpu.enqueue_dma source(%dma_start3A_601 : memref<8192xf32, #tpu.memory_space<vmem>>) target(%dma_start3A_599 : memref<8192xf32, #tpu.memory_space<hbm>>) target_semaphore(%arg17 : memref<!tpu.dma_semaphore, #tpu.memory_space<semaphore_mem>>)
    %mul3A_602 = arith.constant 128 : i32
    %mul3A_603 = arith.muli %add3A_571, %mul3A_602 : i32
    %add3A_604 = arith.constant 6291456 : i32
    %add3A_605 = arith.addi %add3A_604, %mul3A_603 : i32
    %dma_start3A_606 = arith.constant 24576 : i32
    %dma_start3A_607 = tpu.memref_slice %arg10[%dma_start3A_606] : memref<49152xf32, #tpu.memory_space<vmem>> -> memref<8192xf32, #tpu.memory_space<vmem>>
    %dma_start3A_608 = tpu.memref_slice %arg4[%add3A_605] : memref<12582912xf32, #tpu.memory_space<hbm>> -> memref<8192xf32, #tpu.memory_space<hbm>>
    %dma_start3A_609 = tpu.memref_slice %arg4[%add3A_605] : memref<12582912xf32, #tpu.memory_space<hbm>> -> memref<8192xf32, #tpu.memory_space<hbm>>
    %dma_start3A_610 = arith.constant 24576 : i32
    %dma_start3A_611 = tpu.memref_slice %arg10[%dma_start3A_610] : memref<49152xf32, #tpu.memory_space<vmem>> -> memref<8192xf32, #tpu.memory_space<vmem>>
    tpu.enqueue_dma source(%dma_start3A_611 : memref<8192xf32, #tpu.memory_space<vmem>>) target(%dma_start3A_609 : memref<8192xf32, #tpu.memory_space<hbm>>) target_semaphore(%arg17 : memref<!tpu.dma_semaphore, #tpu.memory_space<semaphore_mem>>)
    %mul3A_612 = arith.constant 128 : i32
    %mul3A_613 = arith.muli %add3A_571, %mul3A_612 : i32
    %add3A_614 = arith.constant 8388608 : i32
    %add3A_615 = arith.addi %add3A_614, %mul3A_613 : i32
    %dma_start3A_616 = arith.constant 32768 : i32
    %dma_start3A_617 = tpu.memref_slice %arg10[%dma_start3A_616] : memref<49152xf32, #tpu.memory_space<vmem>> -> memref<8192xf32, #tpu.memory_space<vmem>>
    %dma_start3A_618 = tpu.memref_slice %arg4[%add3A_615] : memref<12582912xf32, #tpu.memory_space<hbm>> -> memref<8192xf32, #tpu.memory_space<hbm>>
    %dma_start3A_619 = tpu.memref_slice %arg4[%add3A_615] : memref<12582912xf32, #tpu.memory_space<hbm>> -> memref<8192xf32, #tpu.memory_space<hbm>>
    %dma_start3A_620 = arith.constant 32768 : i32
    %dma_start3A_621 = tpu.memref_slice %arg10[%dma_start3A_620] : memref<49152xf32, #tpu.memory_space<vmem>> -> memref<8192xf32, #tpu.memory_space<vmem>>
    tpu.enqueue_dma source(%dma_start3A_621 : memref<8192xf32, #tpu.memory_space<vmem>>) target(%dma_start3A_619 : memref<8192xf32, #tpu.memory_space<hbm>>) target_semaphore(%arg17 : memref<!tpu.dma_semaphore, #tpu.memory_space<semaphore_mem>>)
    %mul3A_622 = arith.constant 128 : i32
    %mul3A_623 = arith.muli %add3A_571, %mul3A_622 : i32
    %add3A_624 = arith.constant 10485760 : i32
    %add3A_625 = arith.addi %add3A_624, %mul3A_623 : i32
    %dma_start3A_626 = arith.constant 40960 : i32
    %dma_start3A_627 = tpu.memref_slice %arg10[%dma_start3A_626] : memref<49152xf32, #tpu.memory_space<vmem>> -> memref<8192xf32, #tpu.memory_space<vmem>>
    %dma_start3A_628 = tpu.memref_slice %arg4[%add3A_625] : memref<12582912xf32, #tpu.memory_space<hbm>> -> memref<8192xf32, #tpu.memory_space<hbm>>
    %dma_start3A_629 = tpu.memref_slice %arg4[%add3A_625] : memref<12582912xf32, #tpu.memory_space<hbm>> -> memref<8192xf32, #tpu.memory_space<hbm>>
    %dma_start3A_630 = arith.constant 40960 : i32
    %dma_start3A_631 = tpu.memref_slice %arg10[%dma_start3A_630] : memref<49152xf32, #tpu.memory_space<vmem>> -> memref<8192xf32, #tpu.memory_space<vmem>>
    tpu.enqueue_dma source(%dma_start3A_631 : memref<8192xf32, #tpu.memory_space<vmem>>) target(%dma_start3A_629 : memref<8192xf32, #tpu.memory_space<hbm>>) target_semaphore(%arg17 : memref<!tpu.dma_semaphore, #tpu.memory_space<semaphore_mem>>)
    %add3A_632 = arith.constant 448 : i32
    %add3A_633 = arith.addi %mul3A_2, %add3A_632 : i32
    %mul3A_634 = arith.constant 50 : i32
    %mul3A_635 = arith.muli %add3A_633, %mul3A_634 : i32
    %dma_start3A_636 = tpu.memref_slice %arg2[%mul3A_635] : memref<819200xi32, #tpu.memory_space<hbm>> -> memref<3200xi32, #tpu.memory_space<hbm>>
    %dma_start3A_637 = tpu.memref_slice %arg2[%mul3A_635] : memref<819200xi32, #tpu.memory_space<hbm>> -> memref<3200xi32, #tpu.memory_space<hbm>>
    tpu.enqueue_dma source(%dma_start3A_637 : memref<3200xi32, #tpu.memory_space<hbm>>) target(%arg8 : memref<3200xi32, #tpu.memory_space<vmem>>) target_semaphore(%arg15 : memref<!tpu.dma_semaphore, #tpu.memory_space<semaphore_mem>>)
    %dma_wait3A_638 = arith.constant 0 : i32
    %dma_wait3A_639 = tpu.memref_slice %arg9[%dma_wait3A_638] : memref<49152xf32, #tpu.memory_space<vmem>> -> memref<8192xf32, #tpu.memory_space<vmem>>
    %dma_wait3A_640 = tpu.memref_slice %arg4[%add3A_460] : memref<12582912xf32, #tpu.memory_space<hbm>> -> memref<8192xf32, #tpu.memory_space<hbm>>
    %dma_wait3A_641 = tpu.memref_slice %arg4[%add3A_460] : memref<12582912xf32, #tpu.memory_space<hbm>> -> memref<8192xf32, #tpu.memory_space<hbm>>
    %dma_wait3A_642 = arith.constant 0 : i32
    %dma_wait3A_643 = tpu.memref_slice %arg9[%dma_wait3A_642] : memref<49152xf32, #tpu.memory_space<vmem>> -> memref<8192xf32, #tpu.memory_space<vmem>>
    tpu.wait_dma2 semaphore(%arg16 : memref<!tpu.dma_semaphore, #tpu.memory_space<semaphore_mem>>) src(%dma_wait3A_643 : memref<8192xf32, #tpu.memory_space<vmem>>) dst(%dma_wait3A_641 : memref<8192xf32, #tpu.memory_space<hbm>>)
    %dma_wait3A_644 = arith.constant 8192 : i32
    %dma_wait3A_645 = tpu.memref_slice %arg9[%dma_wait3A_644] : memref<49152xf32, #tpu.memory_space<vmem>> -> memref<8192xf32, #tpu.memory_space<vmem>>
    %dma_wait3A_646 = tpu.memref_slice %arg4[%add3A_470] : memref<12582912xf32, #tpu.memory_space<hbm>> -> memref<8192xf32, #tpu.memory_space<hbm>>
    %dma_wait3A_647 = tpu.memref_slice %arg4[%add3A_470] : memref<12582912xf32, #tpu.memory_space<hbm>> -> memref<8192xf32, #tpu.memory_space<hbm>>
    %dma_wait3A_648 = arith.constant 8192 : i32
    %dma_wait3A_649 = tpu.memref_slice %arg9[%dma_wait3A_648] : memref<49152xf32, #tpu.memory_space<vmem>> -> memref<8192xf32, #tpu.memory_space<vmem>>
    tpu.wait_dma2 semaphore(%arg16 : memref<!tpu.dma_semaphore, #tpu.memory_space<semaphore_mem>>) src(%dma_wait3A_649 : memref<8192xf32, #tpu.memory_space<vmem>>) dst(%dma_wait3A_647 : memref<8192xf32, #tpu.memory_space<hbm>>)
    %dma_wait3A_650 = arith.constant 16384 : i32
    %dma_wait3A_651 = tpu.memref_slice %arg9[%dma_wait3A_650] : memref<49152xf32, #tpu.memory_space<vmem>> -> memref<8192xf32, #tpu.memory_space<vmem>>
    %dma_wait3A_652 = tpu.memref_slice %arg4[%add3A_480] : memref<12582912xf32, #tpu.memory_space<hbm>> -> memref<8192xf32, #tpu.memory_space<hbm>>
    %dma_wait3A_653 = tpu.memref_slice %arg4[%add3A_480] : memref<12582912xf32, #tpu.memory_space<hbm>> -> memref<8192xf32, #tpu.memory_space<hbm>>
    %dma_wait3A_654 = arith.constant 16384 : i32
    %dma_wait3A_655 = tpu.memref_slice %arg9[%dma_wait3A_654] : memref<49152xf32, #tpu.memory_space<vmem>> -> memref<8192xf32, #tpu.memory_space<vmem>>
    tpu.wait_dma2 semaphore(%arg16 : memref<!tpu.dma_semaphore, #tpu.memory_space<semaphore_mem>>) src(%dma_wait3A_655 : memref<8192xf32, #tpu.memory_space<vmem>>) dst(%dma_wait3A_653 : memref<8192xf32, #tpu.memory_space<hbm>>)
    %dma_wait3A_656 = arith.constant 24576 : i32
    %dma_wait3A_657 = tpu.memref_slice %arg9[%dma_wait3A_656] : memref<49152xf32, #tpu.memory_space<vmem>> -> memref<8192xf32, #tpu.memory_space<vmem>>
    %dma_wait3A_658 = tpu.memref_slice %arg4[%add3A_490] : memref<12582912xf32, #tpu.memory_space<hbm>> -> memref<8192xf32, #tpu.memory_space<hbm>>
    %dma_wait3A_659 = tpu.memref_slice %arg4[%add3A_490] : memref<12582912xf32, #tpu.memory_space<hbm>> -> memref<8192xf32, #tpu.memory_space<hbm>>
    %dma_wait3A_660 = arith.constant 24576 : i32
    %dma_wait3A_661 = tpu.memref_slice %arg9[%dma_wait3A_660] : memref<49152xf32, #tpu.memory_space<vmem>> -> memref<8192xf32, #tpu.memory_space<vmem>>
    tpu.wait_dma2 semaphore(%arg16 : memref<!tpu.dma_semaphore, #tpu.memory_space<semaphore_mem>>) src(%dma_wait3A_661 : memref<8192xf32, #tpu.memory_space<vmem>>) dst(%dma_wait3A_659 : memref<8192xf32, #tpu.memory_space<hbm>>)
    %dma_wait3A_662 = arith.constant 32768 : i32
    %dma_wait3A_663 = tpu.memref_slice %arg9[%dma_wait3A_662] : memref<49152xf32, #tpu.memory_space<vmem>> -> memref<8192xf32, #tpu.memory_space<vmem>>
    %dma_wait3A_664 = tpu.memref_slice %arg4[%add3A_500] : memref<12582912xf32, #tpu.memory_space<hbm>> -> memref<8192xf32, #tpu.memory_space<hbm>>
    %dma_wait3A_665 = tpu.memref_slice %arg4[%add3A_500] : memref<12582912xf32, #tpu.memory_space<hbm>> -> memref<8192xf32, #tpu.memory_space<hbm>>
    %dma_wait3A_666 = arith.constant 32768 : i32
    %dma_wait3A_667 = tpu.memref_slice %arg9[%dma_wait3A_666] : memref<49152xf32, #tpu.memory_space<vmem>> -> memref<8192xf32, #tpu.memory_space<vmem>>
    tpu.wait_dma2 semaphore(%arg16 : memref<!tpu.dma_semaphore, #tpu.memory_space<semaphore_mem>>) src(%dma_wait3A_667 : memref<8192xf32, #tpu.memory_space<vmem>>) dst(%dma_wait3A_665 : memref<8192xf32, #tpu.memory_space<hbm>>)
    %dma_wait3A_668 = arith.constant 40960 : i32
    %dma_wait3A_669 = tpu.memref_slice %arg9[%dma_wait3A_668] : memref<49152xf32, #tpu.memory_space<vmem>> -> memref<8192xf32, #tpu.memory_space<vmem>>
    %dma_wait3A_670 = tpu.memref_slice %arg4[%add3A_510] : memref<12582912xf32, #tpu.memory_space<hbm>> -> memref<8192xf32, #tpu.memory_space<hbm>>
    %dma_wait3A_671 = tpu.memref_slice %arg4[%add3A_510] : memref<12582912xf32, #tpu.memory_space<hbm>> -> memref<8192xf32, #tpu.memory_space<hbm>>
    %dma_wait3A_672 = arith.constant 40960 : i32
    %dma_wait3A_673 = tpu.memref_slice %arg9[%dma_wait3A_672] : memref<49152xf32, #tpu.memory_space<vmem>> -> memref<8192xf32, #tpu.memory_space<vmem>>
    tpu.wait_dma2 semaphore(%arg16 : memref<!tpu.dma_semaphore, #tpu.memory_space<semaphore_mem>>) src(%dma_wait3A_673 : memref<8192xf32, #tpu.memory_space<vmem>>) dst(%dma_wait3A_671 : memref<8192xf32, #tpu.memory_space<hbm>>)
    %parallel_loop3A_674 = arith.constant 0 : i32
    %parallel_loop3A_675 = arith.constant 200 : i32
    %parallel_loop3A_676 = arith.constant 1 : i32
    scf.for %parallel_loop3A_928 = %parallel_loop3A_674 to %parallel_loop3A_675 step %parallel_loop3A_676  : i32 {
      %parallel_loop3A_929 = arith.constant 16 : i32
      %parallel_loop3A_930 = arith.muli %parallel_loop3A_928, %parallel_loop3A_929 : i32
      %parallel_loop3A_931 = arith.index_cast %parallel_loop3A_930 : i32 to index
      %parallel_loop3A_932 = tpu.vector_load %arg5[%parallel_loop3A_931] {strides = array<i32>} : memref<3200xi32, #tpu.memory_space<vmem>>, vector<16xi32>,
      %parallel_loop3A_933 = arith.index_cast %parallel_loop3A_930 : i32 to index
      %parallel_loop3A_934 = tpu.vector_load %arg11[%parallel_loop3A_933] {strides = array<i32>} : memref<3200xi32, #tpu.memory_space<vmem>>, vector<16xi32>,
      %parallel_loop3A_935 = arith.constant 7 : i32
      %parallel_loop3A_936 = vector.broadcast %parallel_loop3A_935 : i32 to vector<16xi32>
      %parallel_loop3A_937 = arith.shrsi %parallel_loop3A_932, %parallel_loop3A_936 : vector<16xi32>
      %parallel_loop3A_938 = arith.constant 13 : i32
      %parallel_loop3A_939 = vector.broadcast %parallel_loop3A_938 : i32 to vector<16xi32>
      %parallel_loop3A_940 = arith.shli %parallel_loop3A_937, %parallel_loop3A_939 : vector<16xi32>
      %parallel_loop3A_941 = arith.constant 127 : i32
      %parallel_loop3A_942 = vector.broadcast %parallel_loop3A_941 : i32 to vector<16xi32>
      %parallel_loop3A_943 = arith.andi %parallel_loop3A_932, %parallel_loop3A_942 : vector<16xi32>
      %parallel_loop3A_944 = arith.addi %parallel_loop3A_943, %parallel_loop3A_934 : vector<16xi32>
      %parallel_loop3A_945 = arith.addi %parallel_loop3A_940, %parallel_loop3A_944 : vector<16xi32>
      tpu.vector_store_idx %arg9[%parallel_loop3A_945], %broadcast_in_dim3A_5 : memref<49152xf32, #tpu.memory_space<vmem>>[vector<16xi32>], vector<16xf32>,
    } {sc.loop_unroll_factor = 8 : i64, sc.parallel_access}
    %dma_wait3A_677 = tpu.memref_slice %arg2[%mul3A_520] : memref<819200xi32, #tpu.memory_space<hbm>> -> memref<3200xi32, #tpu.memory_space<hbm>>
    %dma_wait3A_678 = tpu.memref_slice %arg2[%mul3A_520] : memref<819200xi32, #tpu.memory_space<hbm>> -> memref<3200xi32, #tpu.memory_space<hbm>>
    tpu.wait_dma2 semaphore(%arg14 : memref<!tpu.dma_semaphore, #tpu.memory_space<semaphore_mem>>) src(%dma_wait3A_678 : memref<3200xi32, #tpu.memory_space<hbm>>) dst(%arg7 : memref<3200xi32, #tpu.memory_space<vmem>>)
    %scan3A_679 = arith.constant 0 : i32
    %scan3A_680 = arith.constant 0 : i32
    %scan3A_681 = arith.constant 50 : i32
    %scan3A_682 = arith.addi %scan3A_680, %scan3A_681 : i32
    %scan3A_683 = arith.constant 1 : i32
    scf.for %scan3A_928 = %scan3A_680 to %scan3A_682 step %scan3A_683  : i32 {
      %mul3A_929 = arith.constant 64 : i32
      %mul3A_930 = arith.muli %scan3A_928, %mul3A_929 : i32
      %add3A_931 = arith.constant 0 : i32
      %add3A_932 = arith.addi %mul3A_930, %add3A_931 : i32
      %get3A = arith.index_cast %add3A_932 : i32 to index
      %get3A_933 = tpu.vector_load %arg7[%get3A] {strides = array<i32>} : memref<3200xi32, #tpu.memory_space<vmem>>, vector<16xi32>,
      %get3A_934 = arith.index_cast %add3A_932 : i32 to index
      %get3A_935 = tpu.vector_load %arg11[%get3A_934] {strides = array<i32>} : memref<3200xi32, #tpu.memory_space<vmem>>, vector<16xi32>,
      %shift_right_arithmetic3A = arith.constant 7 : i32
      %shift_right_arithmetic3A_936 = vector.broadcast %shift_right_arithmetic3A : i32 to vector<16xi32>
      %shift_right_arithmetic3A_937 = arith.shrsi %get3A_933, %shift_right_arithmetic3A_936 : vector<16xi32>
      %shift_left3A = arith.constant 13 : i32
      %shift_left3A_938 = vector.broadcast %shift_left3A : i32 to vector<16xi32>
      %shift_left3A_939 = arith.shli %shift_right_arithmetic3A_937, %shift_left3A_938 : vector<16xi32>
      %and3A = arith.constant 127 : i32
      %and3A_940 = vector.broadcast %and3A : i32 to vector<16xi32>
      %and3A_941 = arith.andi %get3A_933, %and3A_940 : vector<16xi32>
      %add3A_942 = arith.addi %and3A_941, %get3A_935 : vector<16xi32>
      %add3A_943 = arith.addi %shift_left3A_939, %add3A_942 : vector<16xi32>
      tpu.vector_store_idx %arg9[%add3A_943], %broadcast_in_dim3A_3 {add = true} : memref<49152xf32, #tpu.memory_space<vmem>>[vector<16xi32>], vector<16xf32>,
      %mul3A_944 = arith.constant 64 : i32
      %mul3A_945 = arith.muli %scan3A_928, %mul3A_944 : i32
      %add3A_946 = arith.constant 16 : i32
      %add3A_947 = arith.addi %mul3A_945, %add3A_946 : i32
      %get3A_948 = arith.index_cast %add3A_947 : i32 to index
      %get3A_949 = tpu.vector_load %arg7[%get3A_948] {strides = array<i32>} : memref<3200xi32, #tpu.memory_space<vmem>>, vector<16xi32>,
      %get3A_950 = arith.index_cast %add3A_947 : i32 to index
      %get3A_951 = tpu.vector_load %arg11[%get3A_950] {strides = array<i32>} : memref<3200xi32, #tpu.memory_space<vmem>>, vector<16xi32>,
      %shift_right_arithmetic3A_952 = arith.constant 7 : i32
      %shift_right_arithmetic3A_953 = vector.broadcast %shift_right_arithmetic3A_952 : i32 to vector<16xi32>
      %shift_right_arithmetic3A_954 = arith.shrsi %get3A_949, %shift_right_arithmetic3A_953 : vector<16xi32>
      %shift_left3A_955 = arith.constant 13 : i32
      %shift_left3A_956 = vector.broadcast %shift_left3A_955 : i32 to vector<16xi32>
      %shift_left3A_957 = arith.shli %shift_right_arithmetic3A_954, %shift_left3A_956 : vector<16xi32>
      %and3A_958 = arith.constant 127 : i32
      %and3A_959 = vector.broadcast %and3A_958 : i32 to vector<16xi32>
      %and3A_960 = arith.andi %get3A_949, %and3A_959 : vector<16xi32>
      %add3A_961 = arith.addi %and3A_960, %get3A_951 : vector<16xi32>
      %add3A_962 = arith.addi %shift_left3A_957, %add3A_961 : vector<16xi32>
      tpu.vector_store_idx %arg9[%add3A_962], %broadcast_in_dim3A_3 {add = true} : memref<49152xf32, #tpu.memory_space<vmem>>[vector<16xi32>], vector<16xf32>,
      %mul3A_963 = arith.constant 64 : i32
      %mul3A_964 = arith.muli %scan3A_928, %mul3A_963 : i32
      %add3A_965 = arith.constant 32 : i32
      %add3A_966 = arith.addi %mul3A_964, %add3A_965 : i32
      %get3A_967 = arith.index_cast %add3A_966 : i32 to index
      %get3A_968 = tpu.vector_load %arg7[%get3A_967] {strides = array<i32>} : memref<3200xi32, #tpu.memory_space<vmem>>, vector<16xi32>,
      %get3A_969 = arith.index_cast %add3A_966 : i32 to index
      %get3A_970 = tpu.vector_load %arg11[%get3A_969] {strides = array<i32>} : memref<3200xi32, #tpu.memory_space<vmem>>, vector<16xi32>,
      %shift_right_arithmetic3A_971 = arith.constant 7 : i32
      %shift_right_arithmetic3A_972 = vector.broadcast %shift_right_arithmetic3A_971 : i32 to vector<16xi32>
      %shift_right_arithmetic3A_973 = arith.shrsi %get3A_968, %shift_right_arithmetic3A_972 : vector<16xi32>
      %shift_left3A_974 = arith.constant 13 : i32
      %shift_left3A_975 = vector.broadcast %shift_left3A_974 : i32 to vector<16xi32>
      %shift_left3A_976 = arith.shli %shift_right_arithmetic3A_973, %shift_left3A_975 : vector<16xi32>
      %and3A_977 = arith.constant 127 : i32
      %and3A_978 = vector.broadcast %and3A_977 : i32 to vector<16xi32>
      %and3A_979 = arith.andi %get3A_968, %and3A_978 : vector<16xi32>
      %add3A_980 = arith.addi %and3A_979, %get3A_970 : vector<16xi32>
      %add3A_981 = arith.addi %shift_left3A_976, %add3A_980 : vector<16xi32>
      tpu.vector_store_idx %arg9[%add3A_981], %broadcast_in_dim3A_3 {add = true} : memref<49152xf32, #tpu.memory_space<vmem>>[vector<16xi32>], vector<16xf32>,
      %mul3A_982 = arith.constant 64 : i32
      %mul3A_983 = arith.muli %scan3A_928, %mul3A_982 : i32
      %add3A_984 = arith.constant 48 : i32
      %add3A_985 = arith.addi %mul3A_983, %add3A_984 : i32
      %get3A_986 = arith.index_cast %add3A_985 : i32 to index
      %get3A_987 = tpu.vector_load %arg7[%get3A_986] {strides = array<i32>} : memref<3200xi32, #tpu.memory_space<vmem>>, vector<16xi32>,
      %get3A_988 = arith.index_cast %add3A_985 : i32 to index
      %get3A_989 = tpu.vector_load %arg11[%get3A_988] {strides = array<i32>} : memref<3200xi32, #tpu.memory_space<vmem>>, vector<16xi32>,
      %shift_right_arithmetic3A_990 = arith.constant 7 : i32
      %shift_right_arithmetic3A_991 = vector.broadcast %shift_right_arithmetic3A_990 : i32 to vector<16xi32>
      %shift_right_arithmetic3A_992 = arith.shrsi %get3A_987, %shift_right_arithmetic3A_991 : vector<16xi32>
      %shift_left3A_993 = arith.constant 13 : i32
      %shift_left3A_994 = vector.broadcast %shift_left3A_993 : i32 to vector<16xi32>
      %shift_left3A_995 = arith.shli %shift_right_arithmetic3A_992, %shift_left3A_994 : vector<16xi32>
      %and3A_996 = arith.constant 127 : i32
      %and3A_997 = vector.broadcast %and3A_996 : i32 to vector<16xi32>
      %and3A_998 = arith.andi %get3A_987, %and3A_997 : vector<16xi32>
      %add3A_999 = arith.addi %and3A_998, %get3A_989 : vector<16xi32>
      %add3A_1000 = arith.addi %shift_left3A_995, %add3A_999 : vector<16xi32>
      tpu.vector_store_idx %arg9[%add3A_1000], %broadcast_in_dim3A_3 {add = true} : memref<49152xf32, #tpu.memory_space<vmem>>[vector<16xi32>], vector<16xf32>,
    }
    %scan3A_684 = arith.constant 50 : i32
    %add3A_685 = arith.constant 384 : i32
    %add3A_686 = arith.addi %mul3A_2, %add3A_685 : i32
    %mul3A_687 = arith.constant 128 : i32
    %mul3A_688 = arith.muli %add3A_686, %mul3A_687 : i32
    %add3A_689 = arith.constant 0 : i32
    %add3A_690 = arith.addi %add3A_689, %mul3A_688 : i32
    %dma_start3A_691 = arith.constant 0 : i32
    %dma_start3A_692 = tpu.memref_slice %arg9[%dma_start3A_691] : memref<49152xf32, #tpu.memory_space<vmem>> -> memref<8192xf32, #tpu.memory_space<vmem>>
    %dma_start3A_693 = tpu.memref_slice %arg4[%add3A_690] : memref<12582912xf32, #tpu.memory_space<hbm>> -> memref<8192xf32, #tpu.memory_space<hbm>>
    %dma_start3A_694 = tpu.memref_slice %arg4[%add3A_690] : memref<12582912xf32, #tpu.memory_space<hbm>> -> memref<8192xf32, #tpu.memory_space<hbm>>
    %dma_start3A_695 = arith.constant 0 : i32
    %dma_start3A_696 = tpu.memref_slice %arg9[%dma_start3A_695] : memref<49152xf32, #tpu.memory_space<vmem>> -> memref<8192xf32, #tpu.memory_space<vmem>>
    tpu.enqueue_dma source(%dma_start3A_696 : memref<8192xf32, #tpu.memory_space<vmem>>) target(%dma_start3A_694 : memref<8192xf32, #tpu.memory_space<hbm>>) target_semaphore(%arg16 : memref<!tpu.dma_semaphore, #tpu.memory_space<semaphore_mem>>)
    %mul3A_697 = arith.constant 128 : i32
    %mul3A_698 = arith.muli %add3A_686, %mul3A_697 : i32
    %add3A_699 = arith.constant 2097152 : i32
    %add3A_700 = arith.addi %add3A_699, %mul3A_698 : i32
    %dma_start3A_701 = arith.constant 8192 : i32
    %dma_start3A_702 = tpu.memref_slice %arg9[%dma_start3A_701] : memref<49152xf32, #tpu.memory_space<vmem>> -> memref<8192xf32, #tpu.memory_space<vmem>>
    %dma_start3A_703 = tpu.memref_slice %arg4[%add3A_700] : memref<12582912xf32, #tpu.memory_space<hbm>> -> memref<8192xf32, #tpu.memory_space<hbm>>
    %dma_start3A_704 = tpu.memref_slice %arg4[%add3A_700] : memref<12582912xf32, #tpu.memory_space<hbm>> -> memref<8192xf32, #tpu.memory_space<hbm>>
    %dma_start3A_705 = arith.constant 8192 : i32
    %dma_start3A_706 = tpu.memref_slice %arg9[%dma_start3A_705] : memref<49152xf32, #tpu.memory_space<vmem>> -> memref<8192xf32, #tpu.memory_space<vmem>>
    tpu.enqueue_dma source(%dma_start3A_706 : memref<8192xf32, #tpu.memory_space<vmem>>) target(%dma_start3A_704 : memref<8192xf32, #tpu.memory_space<hbm>>) target_semaphore(%arg16 : memref<!tpu.dma_semaphore, #tpu.memory_space<semaphore_mem>>)
    %mul3A_707 = arith.constant 128 : i32
    %mul3A_708 = arith.muli %add3A_686, %mul3A_707 : i32
    %add3A_709 = arith.constant 4194304 : i32
    %add3A_710 = arith.addi %add3A_709, %mul3A_708 : i32
    %dma_start3A_711 = arith.constant 16384 : i32
    %dma_start3A_712 = tpu.memref_slice %arg9[%dma_start3A_711] : memref<49152xf32, #tpu.memory_space<vmem>> -> memref<8192xf32, #tpu.memory_space<vmem>>
    %dma_start3A_713 = tpu.memref_slice %arg4[%add3A_710] : memref<12582912xf32, #tpu.memory_space<hbm>> -> memref<8192xf32, #tpu.memory_space<hbm>>
    %dma_start3A_714 = tpu.memref_slice %arg4[%add3A_710] : memref<12582912xf32, #tpu.memory_space<hbm>> -> memref<8192xf32, #tpu.memory_space<hbm>>
    %dma_start3A_715 = arith.constant 16384 : i32
    %dma_start3A_716 = tpu.memref_slice %arg9[%dma_start3A_715] : memref<49152xf32, #tpu.memory_space<vmem>> -> memref<8192xf32, #tpu.memory_space<vmem>>
    tpu.enqueue_dma source(%dma_start3A_716 : memref<8192xf32, #tpu.memory_space<vmem>>) target(%dma_start3A_714 : memref<8192xf32, #tpu.memory_space<hbm>>) target_semaphore(%arg16 : memref<!tpu.dma_semaphore, #tpu.memory_space<semaphore_mem>>)
    %mul3A_717 = arith.constant 128 : i32
    %mul3A_718 = arith.muli %add3A_686, %mul3A_717 : i32
    %add3A_719 = arith.constant 6291456 : i32
    %add3A_720 = arith.addi %add3A_719, %mul3A_718 : i32
    %dma_start3A_721 = arith.constant 24576 : i32
    %dma_start3A_722 = tpu.memref_slice %arg9[%dma_start3A_721] : memref<49152xf32, #tpu.memory_space<vmem>> -> memref<8192xf32, #tpu.memory_space<vmem>>
    %dma_start3A_723 = tpu.memref_slice %arg4[%add3A_720] : memref<12582912xf32, #tpu.memory_space<hbm>> -> memref<8192xf32, #tpu.memory_space<hbm>>
    %dma_start3A_724 = tpu.memref_slice %arg4[%add3A_720] : memref<12582912xf32, #tpu.memory_space<hbm>> -> memref<8192xf32, #tpu.memory_space<hbm>>
    %dma_start3A_725 = arith.constant 24576 : i32
    %dma_start3A_726 = tpu.memref_slice %arg9[%dma_start3A_725] : memref<49152xf32, #tpu.memory_space<vmem>> -> memref<8192xf32, #tpu.memory_space<vmem>>
    tpu.enqueue_dma source(%dma_start3A_726 : memref<8192xf32, #tpu.memory_space<vmem>>) target(%dma_start3A_724 : memref<8192xf32, #tpu.memory_space<hbm>>) target_semaphore(%arg16 : memref<!tpu.dma_semaphore, #tpu.memory_space<semaphore_mem>>)
    %mul3A_727 = arith.constant 128 : i32
    %mul3A_728 = arith.muli %add3A_686, %mul3A_727 : i32
    %add3A_729 = arith.constant 8388608 : i32
    %add3A_730 = arith.addi %add3A_729, %mul3A_728 : i32
    %dma_start3A_731 = arith.constant 32768 : i32
    %dma_start3A_732 = tpu.memref_slice %arg9[%dma_start3A_731] : memref<49152xf32, #tpu.memory_space<vmem>> -> memref<8192xf32, #tpu.memory_space<vmem>>
    %dma_start3A_733 = tpu.memref_slice %arg4[%add3A_730] : memref<12582912xf32, #tpu.memory_space<hbm>> -> memref<8192xf32, #tpu.memory_space<hbm>>
    %dma_start3A_734 = tpu.memref_slice %arg4[%add3A_730] : memref<12582912xf32, #tpu.memory_space<hbm>> -> memref<8192xf32, #tpu.memory_space<hbm>>
    %dma_start3A_735 = arith.constant 32768 : i32
    %dma_start3A_736 = tpu.memref_slice %arg9[%dma_start3A_735] : memref<49152xf32, #tpu.memory_space<vmem>> -> memref<8192xf32, #tpu.memory_space<vmem>>
    tpu.enqueue_dma source(%dma_start3A_736 : memref<8192xf32, #tpu.memory_space<vmem>>) target(%dma_start3A_734 : memref<8192xf32, #tpu.memory_space<hbm>>) target_semaphore(%arg16 : memref<!tpu.dma_semaphore, #tpu.memory_space<semaphore_mem>>)
    %mul3A_737 = arith.constant 128 : i32
    %mul3A_738 = arith.muli %add3A_686, %mul3A_737 : i32
    %add3A_739 = arith.constant 10485760 : i32
    %add3A_740 = arith.addi %add3A_739, %mul3A_738 : i32
    %dma_start3A_741 = arith.constant 40960 : i32
    %dma_start3A_742 = tpu.memref_slice %arg9[%dma_start3A_741] : memref<49152xf32, #tpu.memory_space<vmem>> -> memref<8192xf32, #tpu.memory_space<vmem>>
    %dma_start3A_743 = tpu.memref_slice %arg4[%add3A_740] : memref<12582912xf32, #tpu.memory_space<hbm>> -> memref<8192xf32, #tpu.memory_space<hbm>>
    %dma_start3A_744 = tpu.memref_slice %arg4[%add3A_740] : memref<12582912xf32, #tpu.memory_space<hbm>> -> memref<8192xf32, #tpu.memory_space<hbm>>
    %dma_start3A_745 = arith.constant 40960 : i32
    %dma_start3A_746 = tpu.memref_slice %arg9[%dma_start3A_745] : memref<49152xf32, #tpu.memory_space<vmem>> -> memref<8192xf32, #tpu.memory_space<vmem>>
    tpu.enqueue_dma source(%dma_start3A_746 : memref<8192xf32, #tpu.memory_space<vmem>>) target(%dma_start3A_744 : memref<8192xf32, #tpu.memory_space<hbm>>) target_semaphore(%arg16 : memref<!tpu.dma_semaphore, #tpu.memory_space<semaphore_mem>>)
    %dma_wait3A_747 = arith.constant 0 : i32
    %dma_wait3A_748 = tpu.memref_slice %arg10[%dma_wait3A_747] : memref<49152xf32, #tpu.memory_space<vmem>> -> memref<8192xf32, #tpu.memory_space<vmem>>
    %dma_wait3A_749 = tpu.memref_slice %arg4[%add3A_575] : memref<12582912xf32, #tpu.memory_space<hbm>> -> memref<8192xf32, #tpu.memory_space<hbm>>
    %dma_wait3A_750 = tpu.memref_slice %arg4[%add3A_575] : memref<12582912xf32, #tpu.memory_space<hbm>> -> memref<8192xf32, #tpu.memory_space<hbm>>
    %dma_wait3A_751 = arith.constant 0 : i32
    %dma_wait3A_752 = tpu.memref_slice %arg10[%dma_wait3A_751] : memref<49152xf32, #tpu.memory_space<vmem>> -> memref<8192xf32, #tpu.memory_space<vmem>>
    tpu.wait_dma2 semaphore(%arg17 : memref<!tpu.dma_semaphore, #tpu.memory_space<semaphore_mem>>) src(%dma_wait3A_752 : memref<8192xf32, #tpu.memory_space<vmem>>) dst(%dma_wait3A_750 : memref<8192xf32, #tpu.memory_space<hbm>>)
    %dma_wait3A_753 = arith.constant 8192 : i32
    %dma_wait3A_754 = tpu.memref_slice %arg10[%dma_wait3A_753] : memref<49152xf32, #tpu.memory_space<vmem>> -> memref<8192xf32, #tpu.memory_space<vmem>>
    %dma_wait3A_755 = tpu.memref_slice %arg4[%add3A_585] : memref<12582912xf32, #tpu.memory_space<hbm>> -> memref<8192xf32, #tpu.memory_space<hbm>>
    %dma_wait3A_756 = tpu.memref_slice %arg4[%add3A_585] : memref<12582912xf32, #tpu.memory_space<hbm>> -> memref<8192xf32, #tpu.memory_space<hbm>>
    %dma_wait3A_757 = arith.constant 8192 : i32
    %dma_wait3A_758 = tpu.memref_slice %arg10[%dma_wait3A_757] : memref<49152xf32, #tpu.memory_space<vmem>> -> memref<8192xf32, #tpu.memory_space<vmem>>
    tpu.wait_dma2 semaphore(%arg17 : memref<!tpu.dma_semaphore, #tpu.memory_space<semaphore_mem>>) src(%dma_wait3A_758 : memref<8192xf32, #tpu.memory_space<vmem>>) dst(%dma_wait3A_756 : memref<8192xf32, #tpu.memory_space<hbm>>)
    %dma_wait3A_759 = arith.constant 16384 : i32
    %dma_wait3A_760 = tpu.memref_slice %arg10[%dma_wait3A_759] : memref<49152xf32, #tpu.memory_space<vmem>> -> memref<8192xf32, #tpu.memory_space<vmem>>
    %dma_wait3A_761 = tpu.memref_slice %arg4[%add3A_595] : memref<12582912xf32, #tpu.memory_space<hbm>> -> memref<8192xf32, #tpu.memory_space<hbm>>
    %dma_wait3A_762 = tpu.memref_slice %arg4[%add3A_595] : memref<12582912xf32, #tpu.memory_space<hbm>> -> memref<8192xf32, #tpu.memory_space<hbm>>
    %dma_wait3A_763 = arith.constant 16384 : i32
    %dma_wait3A_764 = tpu.memref_slice %arg10[%dma_wait3A_763] : memref<49152xf32, #tpu.memory_space<vmem>> -> memref<8192xf32, #tpu.memory_space<vmem>>
    tpu.wait_dma2 semaphore(%arg17 : memref<!tpu.dma_semaphore, #tpu.memory_space<semaphore_mem>>) src(%dma_wait3A_764 : memref<8192xf32, #tpu.memory_space<vmem>>) dst(%dma_wait3A_762 : memref<8192xf32, #tpu.memory_space<hbm>>)
    %dma_wait3A_765 = arith.constant 24576 : i32
    %dma_wait3A_766 = tpu.memref_slice %arg10[%dma_wait3A_765] : memref<49152xf32, #tpu.memory_space<vmem>> -> memref<8192xf32, #tpu.memory_space<vmem>>
    %dma_wait3A_767 = tpu.memref_slice %arg4[%add3A_605] : memref<12582912xf32, #tpu.memory_space<hbm>> -> memref<8192xf32, #tpu.memory_space<hbm>>
    %dma_wait3A_768 = tpu.memref_slice %arg4[%add3A_605] : memref<12582912xf32, #tpu.memory_space<hbm>> -> memref<8192xf32, #tpu.memory_space<hbm>>
    %dma_wait3A_769 = arith.constant 24576 : i32
    %dma_wait3A_770 = tpu.memref_slice %arg10[%dma_wait3A_769] : memref<49152xf32, #tpu.memory_space<vmem>> -> memref<8192xf32, #tpu.memory_space<vmem>>
    tpu.wait_dma2 semaphore(%arg17 : memref<!tpu.dma_semaphore, #tpu.memory_space<semaphore_mem>>) src(%dma_wait3A_770 : memref<8192xf32, #tpu.memory_space<vmem>>) dst(%dma_wait3A_768 : memref<8192xf32, #tpu.memory_space<hbm>>)
    %dma_wait3A_771 = arith.constant 32768 : i32
    %dma_wait3A_772 = tpu.memref_slice %arg10[%dma_wait3A_771] : memref<49152xf32, #tpu.memory_space<vmem>> -> memref<8192xf32, #tpu.memory_space<vmem>>
    %dma_wait3A_773 = tpu.memref_slice %arg4[%add3A_615] : memref<12582912xf32, #tpu.memory_space<hbm>> -> memref<8192xf32, #tpu.memory_space<hbm>>
    %dma_wait3A_774 = tpu.memref_slice %arg4[%add3A_615] : memref<12582912xf32, #tpu.memory_space<hbm>> -> memref<8192xf32, #tpu.memory_space<hbm>>
    %dma_wait3A_775 = arith.constant 32768 : i32
    %dma_wait3A_776 = tpu.memref_slice %arg10[%dma_wait3A_775] : memref<49152xf32, #tpu.memory_space<vmem>> -> memref<8192xf32, #tpu.memory_space<vmem>>
    tpu.wait_dma2 semaphore(%arg17 : memref<!tpu.dma_semaphore, #tpu.memory_space<semaphore_mem>>) src(%dma_wait3A_776 : memref<8192xf32, #tpu.memory_space<vmem>>) dst(%dma_wait3A_774 : memref<8192xf32, #tpu.memory_space<hbm>>)
    %dma_wait3A_777 = arith.constant 40960 : i32
    %dma_wait3A_778 = tpu.memref_slice %arg10[%dma_wait3A_777] : memref<49152xf32, #tpu.memory_space<vmem>> -> memref<8192xf32, #tpu.memory_space<vmem>>
    %dma_wait3A_779 = tpu.memref_slice %arg4[%add3A_625] : memref<12582912xf32, #tpu.memory_space<hbm>> -> memref<8192xf32, #tpu.memory_space<hbm>>
    %dma_wait3A_780 = tpu.memref_slice %arg4[%add3A_625] : memref<12582912xf32, #tpu.memory_space<hbm>> -> memref<8192xf32, #tpu.memory_space<hbm>>
    %dma_wait3A_781 = arith.constant 40960 : i32
    %dma_wait3A_782 = tpu.memref_slice %arg10[%dma_wait3A_781] : memref<49152xf32, #tpu.memory_space<vmem>> -> memref<8192xf32, #tpu.memory_space<vmem>>
    tpu.wait_dma2 semaphore(%arg17 : memref<!tpu.dma_semaphore, #tpu.memory_space<semaphore_mem>>) src(%dma_wait3A_782 : memref<8192xf32, #tpu.memory_space<vmem>>) dst(%dma_wait3A_780 : memref<8192xf32, #tpu.memory_space<hbm>>)
    %parallel_loop3A_783 = arith.constant 0 : i32
    %parallel_loop3A_784 = arith.constant 200 : i32
    %parallel_loop3A_785 = arith.constant 1 : i32
    scf.for %parallel_loop3A_928 = %parallel_loop3A_783 to %parallel_loop3A_784 step %parallel_loop3A_785  : i32 {
      %parallel_loop3A_929 = arith.constant 16 : i32
      %parallel_loop3A_930 = arith.muli %parallel_loop3A_928, %parallel_loop3A_929 : i32
      %parallel_loop3A_931 = arith.index_cast %parallel_loop3A_930 : i32 to index
      %parallel_loop3A_932 = tpu.vector_load %arg6[%parallel_loop3A_931] {strides = array<i32>} : memref<3200xi32, #tpu.memory_space<vmem>>, vector<16xi32>,
      %parallel_loop3A_933 = arith.index_cast %parallel_loop3A_930 : i32 to index
      %parallel_loop3A_934 = tpu.vector_load %arg11[%parallel_loop3A_933] {strides = array<i32>} : memref<3200xi32, #tpu.memory_space<vmem>>, vector<16xi32>,
      %parallel_loop3A_935 = arith.constant 7 : i32
      %parallel_loop3A_936 = vector.broadcast %parallel_loop3A_935 : i32 to vector<16xi32>
      %parallel_loop3A_937 = arith.shrsi %parallel_loop3A_932, %parallel_loop3A_936 : vector<16xi32>
      %parallel_loop3A_938 = arith.constant 13 : i32
      %parallel_loop3A_939 = vector.broadcast %parallel_loop3A_938 : i32 to vector<16xi32>
      %parallel_loop3A_940 = arith.shli %parallel_loop3A_937, %parallel_loop3A_939 : vector<16xi32>
      %parallel_loop3A_941 = arith.constant 127 : i32
      %parallel_loop3A_942 = vector.broadcast %parallel_loop3A_941 : i32 to vector<16xi32>
      %parallel_loop3A_943 = arith.andi %parallel_loop3A_932, %parallel_loop3A_942 : vector<16xi32>
      %parallel_loop3A_944 = arith.addi %parallel_loop3A_943, %parallel_loop3A_934 : vector<16xi32>
      %parallel_loop3A_945 = arith.addi %parallel_loop3A_940, %parallel_loop3A_944 : vector<16xi32>
      tpu.vector_store_idx %arg10[%parallel_loop3A_945], %broadcast_in_dim3A_5 : memref<49152xf32, #tpu.memory_space<vmem>>[vector<16xi32>], vector<16xf32>,
    } {sc.loop_unroll_factor = 8 : i64, sc.parallel_access}
    %dma_wait3A_786 = tpu.memref_slice %arg2[%mul3A_635] : memref<819200xi32, #tpu.memory_space<hbm>> -> memref<3200xi32, #tpu.memory_space<hbm>>
    %dma_wait3A_787 = tpu.memref_slice %arg2[%mul3A_635] : memref<819200xi32, #tpu.memory_space<hbm>> -> memref<3200xi32, #tpu.memory_space<hbm>>
    tpu.wait_dma2 semaphore(%arg15 : memref<!tpu.dma_semaphore, #tpu.memory_space<semaphore_mem>>) src(%dma_wait3A_787 : memref<3200xi32, #tpu.memory_space<hbm>>) dst(%arg8 : memref<3200xi32, #tpu.memory_space<vmem>>)
    %scan3A_788 = arith.constant 0 : i32
    %scan3A_789 = arith.constant 0 : i32
    %scan3A_790 = arith.constant 50 : i32
    %scan3A_791 = arith.addi %scan3A_789, %scan3A_790 : i32
    %scan3A_792 = arith.constant 1 : i32
    scf.for %scan3A_928 = %scan3A_789 to %scan3A_791 step %scan3A_792  : i32 {
      %mul3A_929 = arith.constant 64 : i32
      %mul3A_930 = arith.muli %scan3A_928, %mul3A_929 : i32
      %add3A_931 = arith.constant 0 : i32
      %add3A_932 = arith.addi %mul3A_930, %add3A_931 : i32
      %get3A = arith.index_cast %add3A_932 : i32 to index
      %get3A_933 = tpu.vector_load %arg8[%get3A] {strides = array<i32>} : memref<3200xi32, #tpu.memory_space<vmem>>, vector<16xi32>,
      %get3A_934 = arith.index_cast %add3A_932 : i32 to index
      %get3A_935 = tpu.vector_load %arg11[%get3A_934] {strides = array<i32>} : memref<3200xi32, #tpu.memory_space<vmem>>, vector<16xi32>,
      %shift_right_arithmetic3A = arith.constant 7 : i32
      %shift_right_arithmetic3A_936 = vector.broadcast %shift_right_arithmetic3A : i32 to vector<16xi32>
      %shift_right_arithmetic3A_937 = arith.shrsi %get3A_933, %shift_right_arithmetic3A_936 : vector<16xi32>
      %shift_left3A = arith.constant 13 : i32
      %shift_left3A_938 = vector.broadcast %shift_left3A : i32 to vector<16xi32>
      %shift_left3A_939 = arith.shli %shift_right_arithmetic3A_937, %shift_left3A_938 : vector<16xi32>
      %and3A = arith.constant 127 : i32
      %and3A_940 = vector.broadcast %and3A : i32 to vector<16xi32>
      %and3A_941 = arith.andi %get3A_933, %and3A_940 : vector<16xi32>
      %add3A_942 = arith.addi %and3A_941, %get3A_935 : vector<16xi32>
      %add3A_943 = arith.addi %shift_left3A_939, %add3A_942 : vector<16xi32>
      tpu.vector_store_idx %arg10[%add3A_943], %broadcast_in_dim3A_3 {add = true} : memref<49152xf32, #tpu.memory_space<vmem>>[vector<16xi32>], vector<16xf32>,
      %mul3A_944 = arith.constant 64 : i32
      %mul3A_945 = arith.muli %scan3A_928, %mul3A_944 : i32
      %add3A_946 = arith.constant 16 : i32
      %add3A_947 = arith.addi %mul3A_945, %add3A_946 : i32
      %get3A_948 = arith.index_cast %add3A_947 : i32 to index
      %get3A_949 = tpu.vector_load %arg8[%get3A_948] {strides = array<i32>} : memref<3200xi32, #tpu.memory_space<vmem>>, vector<16xi32>,
      %get3A_950 = arith.index_cast %add3A_947 : i32 to index
      %get3A_951 = tpu.vector_load %arg11[%get3A_950] {strides = array<i32>} : memref<3200xi32, #tpu.memory_space<vmem>>, vector<16xi32>,
      %shift_right_arithmetic3A_952 = arith.constant 7 : i32
      %shift_right_arithmetic3A_953 = vector.broadcast %shift_right_arithmetic3A_952 : i32 to vector<16xi32>
      %shift_right_arithmetic3A_954 = arith.shrsi %get3A_949, %shift_right_arithmetic3A_953 : vector<16xi32>
      %shift_left3A_955 = arith.constant 13 : i32
      %shift_left3A_956 = vector.broadcast %shift_left3A_955 : i32 to vector<16xi32>
      %shift_left3A_957 = arith.shli %shift_right_arithmetic3A_954, %shift_left3A_956 : vector<16xi32>
      %and3A_958 = arith.constant 127 : i32
      %and3A_959 = vector.broadcast %and3A_958 : i32 to vector<16xi32>
      %and3A_960 = arith.andi %get3A_949, %and3A_959 : vector<16xi32>
      %add3A_961 = arith.addi %and3A_960, %get3A_951 : vector<16xi32>
      %add3A_962 = arith.addi %shift_left3A_957, %add3A_961 : vector<16xi32>
      tpu.vector_store_idx %arg10[%add3A_962], %broadcast_in_dim3A_3 {add = true} : memref<49152xf32, #tpu.memory_space<vmem>>[vector<16xi32>], vector<16xf32>,
      %mul3A_963 = arith.constant 64 : i32
      %mul3A_964 = arith.muli %scan3A_928, %mul3A_963 : i32
      %add3A_965 = arith.constant 32 : i32
      %add3A_966 = arith.addi %mul3A_964, %add3A_965 : i32
      %get3A_967 = arith.index_cast %add3A_966 : i32 to index
      %get3A_968 = tpu.vector_load %arg8[%get3A_967] {strides = array<i32>} : memref<3200xi32, #tpu.memory_space<vmem>>, vector<16xi32>,
      %get3A_969 = arith.index_cast %add3A_966 : i32 to index
      %get3A_970 = tpu.vector_load %arg11[%get3A_969] {strides = array<i32>} : memref<3200xi32, #tpu.memory_space<vmem>>, vector<16xi32>,
      %shift_right_arithmetic3A_971 = arith.constant 7 : i32
      %shift_right_arithmetic3A_972 = vector.broadcast %shift_right_arithmetic3A_971 : i32 to vector<16xi32>
      %shift_right_arithmetic3A_973 = arith.shrsi %get3A_968, %shift_right_arithmetic3A_972 : vector<16xi32>
      %shift_left3A_974 = arith.constant 13 : i32
      %shift_left3A_975 = vector.broadcast %shift_left3A_974 : i32 to vector<16xi32>
      %shift_left3A_976 = arith.shli %shift_right_arithmetic3A_973, %shift_left3A_975 : vector<16xi32>
      %and3A_977 = arith.constant 127 : i32
      %and3A_978 = vector.broadcast %and3A_977 : i32 to vector<16xi32>
      %and3A_979 = arith.andi %get3A_968, %and3A_978 : vector<16xi32>
      %add3A_980 = arith.addi %and3A_979, %get3A_970 : vector<16xi32>
      %add3A_981 = arith.addi %shift_left3A_976, %add3A_980 : vector<16xi32>
      tpu.vector_store_idx %arg10[%add3A_981], %broadcast_in_dim3A_3 {add = true} : memref<49152xf32, #tpu.memory_space<vmem>>[vector<16xi32>], vector<16xf32>,
      %mul3A_982 = arith.constant 64 : i32
      %mul3A_983 = arith.muli %scan3A_928, %mul3A_982 : i32
      %add3A_984 = arith.constant 48 : i32
      %add3A_985 = arith.addi %mul3A_983, %add3A_984 : i32
      %get3A_986 = arith.index_cast %add3A_985 : i32 to index
      %get3A_987 = tpu.vector_load %arg8[%get3A_986] {strides = array<i32>} : memref<3200xi32, #tpu.memory_space<vmem>>, vector<16xi32>,
      %get3A_988 = arith.index_cast %add3A_985 : i32 to index
      %get3A_989 = tpu.vector_load %arg11[%get3A_988] {strides = array<i32>} : memref<3200xi32, #tpu.memory_space<vmem>>, vector<16xi32>,
      %shift_right_arithmetic3A_990 = arith.constant 7 : i32
      %shift_right_arithmetic3A_991 = vector.broadcast %shift_right_arithmetic3A_990 : i32 to vector<16xi32>
      %shift_right_arithmetic3A_992 = arith.shrsi %get3A_987, %shift_right_arithmetic3A_991 : vector<16xi32>
      %shift_left3A_993 = arith.constant 13 : i32
      %shift_left3A_994 = vector.broadcast %shift_left3A_993 : i32 to vector<16xi32>
      %shift_left3A_995 = arith.shli %shift_right_arithmetic3A_992, %shift_left3A_994 : vector<16xi32>
      %and3A_996 = arith.constant 127 : i32
      %and3A_997 = vector.broadcast %and3A_996 : i32 to vector<16xi32>
      %and3A_998 = arith.andi %get3A_987, %and3A_997 : vector<16xi32>
      %add3A_999 = arith.addi %and3A_998, %get3A_989 : vector<16xi32>
      %add3A_1000 = arith.addi %shift_left3A_995, %add3A_999 : vector<16xi32>
      tpu.vector_store_idx %arg10[%add3A_1000], %broadcast_in_dim3A_3 {add = true} : memref<49152xf32, #tpu.memory_space<vmem>>[vector<16xi32>], vector<16xf32>,
    }
    %scan3A_793 = arith.constant 50 : i32
    %add3A_794 = arith.constant 448 : i32
    %add3A_795 = arith.addi %mul3A_2, %add3A_794 : i32
    %mul3A_796 = arith.constant 128 : i32
    %mul3A_797 = arith.muli %add3A_795, %mul3A_796 : i32
    %add3A_798 = arith.constant 0 : i32
    %add3A_799 = arith.addi %add3A_798, %mul3A_797 : i32
    %dma_start3A_800 = arith.constant 0 : i32
    %dma_start3A_801 = tpu.memref_slice %arg10[%dma_start3A_800] : memref<49152xf32, #tpu.memory_space<vmem>> -> memref<8192xf32, #tpu.memory_space<vmem>>
    %dma_start3A_802 = tpu.memref_slice %arg4[%add3A_799] : memref<12582912xf32, #tpu.memory_space<hbm>> -> memref<8192xf32, #tpu.memory_space<hbm>>
    %dma_start3A_803 = tpu.memref_slice %arg4[%add3A_799] : memref<12582912xf32, #tpu.memory_space<hbm>> -> memref<8192xf32, #tpu.memory_space<hbm>>
    %dma_start3A_804 = arith.constant 0 : i32
    %dma_start3A_805 = tpu.memref_slice %arg10[%dma_start3A_804] : memref<49152xf32, #tpu.memory_space<vmem>> -> memref<8192xf32, #tpu.memory_space<vmem>>
    tpu.enqueue_dma source(%dma_start3A_805 : memref<8192xf32, #tpu.memory_space<vmem>>) target(%dma_start3A_803 : memref<8192xf32, #tpu.memory_space<hbm>>) target_semaphore(%arg17 : memref<!tpu.dma_semaphore, #tpu.memory_space<semaphore_mem>>)
    %mul3A_806 = arith.constant 128 : i32
    %mul3A_807 = arith.muli %add3A_795, %mul3A_806 : i32
    %add3A_808 = arith.constant 2097152 : i32
    %add3A_809 = arith.addi %add3A_808, %mul3A_807 : i32
    %dma_start3A_810 = arith.constant 8192 : i32
    %dma_start3A_811 = tpu.memref_slice %arg10[%dma_start3A_810] : memref<49152xf32, #tpu.memory_space<vmem>> -> memref<8192xf32, #tpu.memory_space<vmem>>
    %dma_start3A_812 = tpu.memref_slice %arg4[%add3A_809] : memref<12582912xf32, #tpu.memory_space<hbm>> -> memref<8192xf32, #tpu.memory_space<hbm>>
    %dma_start3A_813 = tpu.memref_slice %arg4[%add3A_809] : memref<12582912xf32, #tpu.memory_space<hbm>> -> memref<8192xf32, #tpu.memory_space<hbm>>
    %dma_start3A_814 = arith.constant 8192 : i32
    %dma_start3A_815 = tpu.memref_slice %arg10[%dma_start3A_814] : memref<49152xf32, #tpu.memory_space<vmem>> -> memref<8192xf32, #tpu.memory_space<vmem>>
    tpu.enqueue_dma source(%dma_start3A_815 : memref<8192xf32, #tpu.memory_space<vmem>>) target(%dma_start3A_813 : memref<8192xf32, #tpu.memory_space<hbm>>) target_semaphore(%arg17 : memref<!tpu.dma_semaphore, #tpu.memory_space<semaphore_mem>>)
    %mul3A_816 = arith.constant 128 : i32
    %mul3A_817 = arith.muli %add3A_795, %mul3A_816 : i32
    %add3A_818 = arith.constant 4194304 : i32
    %add3A_819 = arith.addi %add3A_818, %mul3A_817 : i32
    %dma_start3A_820 = arith.constant 16384 : i32
    %dma_start3A_821 = tpu.memref_slice %arg10[%dma_start3A_820] : memref<49152xf32, #tpu.memory_space<vmem>> -> memref<8192xf32, #tpu.memory_space<vmem>>
    %dma_start3A_822 = tpu.memref_slice %arg4[%add3A_819] : memref<12582912xf32, #tpu.memory_space<hbm>> -> memref<8192xf32, #tpu.memory_space<hbm>>
    %dma_start3A_823 = tpu.memref_slice %arg4[%add3A_819] : memref<12582912xf32, #tpu.memory_space<hbm>> -> memref<8192xf32, #tpu.memory_space<hbm>>
    %dma_start3A_824 = arith.constant 16384 : i32
    %dma_start3A_825 = tpu.memref_slice %arg10[%dma_start3A_824] : memref<49152xf32, #tpu.memory_space<vmem>> -> memref<8192xf32, #tpu.memory_space<vmem>>
    tpu.enqueue_dma source(%dma_start3A_825 : memref<8192xf32, #tpu.memory_space<vmem>>) target(%dma_start3A_823 : memref<8192xf32, #tpu.memory_space<hbm>>) target_semaphore(%arg17 : memref<!tpu.dma_semaphore, #tpu.memory_space<semaphore_mem>>)
    %mul3A_826 = arith.constant 128 : i32
    %mul3A_827 = arith.muli %add3A_795, %mul3A_826 : i32
    %add3A_828 = arith.constant 6291456 : i32
    %add3A_829 = arith.addi %add3A_828, %mul3A_827 : i32
    %dma_start3A_830 = arith.constant 24576 : i32
    %dma_start3A_831 = tpu.memref_slice %arg10[%dma_start3A_830] : memref<49152xf32, #tpu.memory_space<vmem>> -> memref<8192xf32, #tpu.memory_space<vmem>>
    %dma_start3A_832 = tpu.memref_slice %arg4[%add3A_829] : memref<12582912xf32, #tpu.memory_space<hbm>> -> memref<8192xf32, #tpu.memory_space<hbm>>
    %dma_start3A_833 = tpu.memref_slice %arg4[%add3A_829] : memref<12582912xf32, #tpu.memory_space<hbm>> -> memref<8192xf32, #tpu.memory_space<hbm>>
    %dma_start3A_834 = arith.constant 24576 : i32
    %dma_start3A_835 = tpu.memref_slice %arg10[%dma_start3A_834] : memref<49152xf32, #tpu.memory_space<vmem>> -> memref<8192xf32, #tpu.memory_space<vmem>>
    tpu.enqueue_dma source(%dma_start3A_835 : memref<8192xf32, #tpu.memory_space<vmem>>) target(%dma_start3A_833 : memref<8192xf32, #tpu.memory_space<hbm>>) target_semaphore(%arg17 : memref<!tpu.dma_semaphore, #tpu.memory_space<semaphore_mem>>)
    %mul3A_836 = arith.constant 128 : i32
    %mul3A_837 = arith.muli %add3A_795, %mul3A_836 : i32
    %add3A_838 = arith.constant 8388608 : i32
    %add3A_839 = arith.addi %add3A_838, %mul3A_837 : i32
    %dma_start3A_840 = arith.constant 32768 : i32
    %dma_start3A_841 = tpu.memref_slice %arg10[%dma_start3A_840] : memref<49152xf32, #tpu.memory_space<vmem>> -> memref<8192xf32, #tpu.memory_space<vmem>>
    %dma_start3A_842 = tpu.memref_slice %arg4[%add3A_839] : memref<12582912xf32, #tpu.memory_space<hbm>> -> memref<8192xf32, #tpu.memory_space<hbm>>
    %dma_start3A_843 = tpu.memref_slice %arg4[%add3A_839] : memref<12582912xf32, #tpu.memory_space<hbm>> -> memref<8192xf32, #tpu.memory_space<hbm>>
    %dma_start3A_844 = arith.constant 32768 : i32
    %dma_start3A_845 = tpu.memref_slice %arg10[%dma_start3A_844] : memref<49152xf32, #tpu.memory_space<vmem>> -> memref<8192xf32, #tpu.memory_space<vmem>>
    tpu.enqueue_dma source(%dma_start3A_845 : memref<8192xf32, #tpu.memory_space<vmem>>) target(%dma_start3A_843 : memref<8192xf32, #tpu.memory_space<hbm>>) target_semaphore(%arg17 : memref<!tpu.dma_semaphore, #tpu.memory_space<semaphore_mem>>)
    %mul3A_846 = arith.constant 128 : i32
    %mul3A_847 = arith.muli %add3A_795, %mul3A_846 : i32
    %add3A_848 = arith.constant 10485760 : i32
    %add3A_849 = arith.addi %add3A_848, %mul3A_847 : i32
    %dma_start3A_850 = arith.constant 40960 : i32
    %dma_start3A_851 = tpu.memref_slice %arg10[%dma_start3A_850] : memref<49152xf32, #tpu.memory_space<vmem>> -> memref<8192xf32, #tpu.memory_space<vmem>>
    %dma_start3A_852 = tpu.memref_slice %arg4[%add3A_849] : memref<12582912xf32, #tpu.memory_space<hbm>> -> memref<8192xf32, #tpu.memory_space<hbm>>
    %dma_start3A_853 = tpu.memref_slice %arg4[%add3A_849] : memref<12582912xf32, #tpu.memory_space<hbm>> -> memref<8192xf32, #tpu.memory_space<hbm>>
    %dma_start3A_854 = arith.constant 40960 : i32
    %dma_start3A_855 = tpu.memref_slice %arg10[%dma_start3A_854] : memref<49152xf32, #tpu.memory_space<vmem>> -> memref<8192xf32, #tpu.memory_space<vmem>>
    tpu.enqueue_dma source(%dma_start3A_855 : memref<8192xf32, #tpu.memory_space<vmem>>) target(%dma_start3A_853 : memref<8192xf32, #tpu.memory_space<hbm>>) target_semaphore(%arg17 : memref<!tpu.dma_semaphore, #tpu.memory_space<semaphore_mem>>)
    %dma_wait3A_856 = arith.constant 0 : i32
    %dma_wait3A_857 = tpu.memref_slice %arg9[%dma_wait3A_856] : memref<49152xf32, #tpu.memory_space<vmem>> -> memref<8192xf32, #tpu.memory_space<vmem>>
    %dma_wait3A_858 = tpu.memref_slice %arg4[%add3A_690] : memref<12582912xf32, #tpu.memory_space<hbm>> -> memref<8192xf32, #tpu.memory_space<hbm>>
    %dma_wait3A_859 = tpu.memref_slice %arg4[%add3A_690] : memref<12582912xf32, #tpu.memory_space<hbm>> -> memref<8192xf32, #tpu.memory_space<hbm>>
    %dma_wait3A_860 = arith.constant 0 : i32
    %dma_wait3A_861 = tpu.memref_slice %arg9[%dma_wait3A_860] : memref<49152xf32, #tpu.memory_space<vmem>> -> memref<8192xf32, #tpu.memory_space<vmem>>
    tpu.wait_dma2 semaphore(%arg16 : memref<!tpu.dma_semaphore, #tpu.memory_space<semaphore_mem>>) src(%dma_wait3A_861 : memref<8192xf32, #tpu.memory_space<vmem>>) dst(%dma_wait3A_859 : memref<8192xf32, #tpu.memory_space<hbm>>)
    %dma_wait3A_862 = arith.constant 8192 : i32
    %dma_wait3A_863 = tpu.memref_slice %arg9[%dma_wait3A_862] : memref<49152xf32, #tpu.memory_space<vmem>> -> memref<8192xf32, #tpu.memory_space<vmem>>
    %dma_wait3A_864 = tpu.memref_slice %arg4[%add3A_700] : memref<12582912xf32, #tpu.memory_space<hbm>> -> memref<8192xf32, #tpu.memory_space<hbm>>
    %dma_wait3A_865 = tpu.memref_slice %arg4[%add3A_700] : memref<12582912xf32, #tpu.memory_space<hbm>> -> memref<8192xf32, #tpu.memory_space<hbm>>
    %dma_wait3A_866 = arith.constant 8192 : i32
    %dma_wait3A_867 = tpu.memref_slice %arg9[%dma_wait3A_866] : memref<49152xf32, #tpu.memory_space<vmem>> -> memref<8192xf32, #tpu.memory_space<vmem>>
    tpu.wait_dma2 semaphore(%arg16 : memref<!tpu.dma_semaphore, #tpu.memory_space<semaphore_mem>>) src(%dma_wait3A_867 : memref<8192xf32, #tpu.memory_space<vmem>>) dst(%dma_wait3A_865 : memref<8192xf32, #tpu.memory_space<hbm>>)
    %dma_wait3A_868 = arith.constant 16384 : i32
    %dma_wait3A_869 = tpu.memref_slice %arg9[%dma_wait3A_868] : memref<49152xf32, #tpu.memory_space<vmem>> -> memref<8192xf32, #tpu.memory_space<vmem>>
    %dma_wait3A_870 = tpu.memref_slice %arg4[%add3A_710] : memref<12582912xf32, #tpu.memory_space<hbm>> -> memref<8192xf32, #tpu.memory_space<hbm>>
    %dma_wait3A_871 = tpu.memref_slice %arg4[%add3A_710] : memref<12582912xf32, #tpu.memory_space<hbm>> -> memref<8192xf32, #tpu.memory_space<hbm>>
    %dma_wait3A_872 = arith.constant 16384 : i32
    %dma_wait3A_873 = tpu.memref_slice %arg9[%dma_wait3A_872] : memref<49152xf32, #tpu.memory_space<vmem>> -> memref<8192xf32, #tpu.memory_space<vmem>>
    tpu.wait_dma2 semaphore(%arg16 : memref<!tpu.dma_semaphore, #tpu.memory_space<semaphore_mem>>) src(%dma_wait3A_873 : memref<8192xf32, #tpu.memory_space<vmem>>) dst(%dma_wait3A_871 : memref<8192xf32, #tpu.memory_space<hbm>>)
    %dma_wait3A_874 = arith.constant 24576 : i32
    %dma_wait3A_875 = tpu.memref_slice %arg9[%dma_wait3A_874] : memref<49152xf32, #tpu.memory_space<vmem>> -> memref<8192xf32, #tpu.memory_space<vmem>>
    %dma_wait3A_876 = tpu.memref_slice %arg4[%add3A_720] : memref<12582912xf32, #tpu.memory_space<hbm>> -> memref<8192xf32, #tpu.memory_space<hbm>>
    %dma_wait3A_877 = tpu.memref_slice %arg4[%add3A_720] : memref<12582912xf32, #tpu.memory_space<hbm>> -> memref<8192xf32, #tpu.memory_space<hbm>>
    %dma_wait3A_878 = arith.constant 24576 : i32
    %dma_wait3A_879 = tpu.memref_slice %arg9[%dma_wait3A_878] : memref<49152xf32, #tpu.memory_space<vmem>> -> memref<8192xf32, #tpu.memory_space<vmem>>
    tpu.wait_dma2 semaphore(%arg16 : memref<!tpu.dma_semaphore, #tpu.memory_space<semaphore_mem>>) src(%dma_wait3A_879 : memref<8192xf32, #tpu.memory_space<vmem>>) dst(%dma_wait3A_877 : memref<8192xf32, #tpu.memory_space<hbm>>)
    %dma_wait3A_880 = arith.constant 32768 : i32
    %dma_wait3A_881 = tpu.memref_slice %arg9[%dma_wait3A_880] : memref<49152xf32, #tpu.memory_space<vmem>> -> memref<8192xf32, #tpu.memory_space<vmem>>
    %dma_wait3A_882 = tpu.memref_slice %arg4[%add3A_730] : memref<12582912xf32, #tpu.memory_space<hbm>> -> memref<8192xf32, #tpu.memory_space<hbm>>
    %dma_wait3A_883 = tpu.memref_slice %arg4[%add3A_730] : memref<12582912xf32, #tpu.memory_space<hbm>> -> memref<8192xf32, #tpu.memory_space<hbm>>
    %dma_wait3A_884 = arith.constant 32768 : i32
    %dma_wait3A_885 = tpu.memref_slice %arg9[%dma_wait3A_884] : memref<49152xf32, #tpu.memory_space<vmem>> -> memref<8192xf32, #tpu.memory_space<vmem>>
    tpu.wait_dma2 semaphore(%arg16 : memref<!tpu.dma_semaphore, #tpu.memory_space<semaphore_mem>>) src(%dma_wait3A_885 : memref<8192xf32, #tpu.memory_space<vmem>>) dst(%dma_wait3A_883 : memref<8192xf32, #tpu.memory_space<hbm>>)
    %dma_wait3A_886 = arith.constant 40960 : i32
    %dma_wait3A_887 = tpu.memref_slice %arg9[%dma_wait3A_886] : memref<49152xf32, #tpu.memory_space<vmem>> -> memref<8192xf32, #tpu.memory_space<vmem>>
    %dma_wait3A_888 = tpu.memref_slice %arg4[%add3A_740] : memref<12582912xf32, #tpu.memory_space<hbm>> -> memref<8192xf32, #tpu.memory_space<hbm>>
    %dma_wait3A_889 = tpu.memref_slice %arg4[%add3A_740] : memref<12582912xf32, #tpu.memory_space<hbm>> -> memref<8192xf32, #tpu.memory_space<hbm>>
    %dma_wait3A_890 = arith.constant 40960 : i32
    %dma_wait3A_891 = tpu.memref_slice %arg9[%dma_wait3A_890] : memref<49152xf32, #tpu.memory_space<vmem>> -> memref<8192xf32, #tpu.memory_space<vmem>>
    tpu.wait_dma2 semaphore(%arg16 : memref<!tpu.dma_semaphore, #tpu.memory_space<semaphore_mem>>) src(%dma_wait3A_891 : memref<8192xf32, #tpu.memory_space<vmem>>) dst(%dma_wait3A_889 : memref<8192xf32, #tpu.memory_space<hbm>>)
    %dma_wait3A_892 = arith.constant 0 : i32
    %dma_wait3A_893 = tpu.memref_slice %arg10[%dma_wait3A_892] : memref<49152xf32, #tpu.memory_space<vmem>> -> memref<8192xf32, #tpu.memory_space<vmem>>
    %dma_wait3A_894 = tpu.memref_slice %arg4[%add3A_799] : memref<12582912xf32, #tpu.memory_space<hbm>> -> memref<8192xf32, #tpu.memory_space<hbm>>
    %dma_wait3A_895 = tpu.memref_slice %arg4[%add3A_799] : memref<12582912xf32, #tpu.memory_space<hbm>> -> memref<8192xf32, #tpu.memory_space<hbm>>
    %dma_wait3A_896 = arith.constant 0 : i32
    %dma_wait3A_897 = tpu.memref_slice %arg10[%dma_wait3A_896] : memref<49152xf32, #tpu.memory_space<vmem>> -> memref<8192xf32, #tpu.memory_space<vmem>>
    tpu.wait_dma2 semaphore(%arg17 : memref<!tpu.dma_semaphore, #tpu.memory_space<semaphore_mem>>) src(%dma_wait3A_897 : memref<8192xf32, #tpu.memory_space<vmem>>) dst(%dma_wait3A_895 : memref<8192xf32, #tpu.memory_space<hbm>>)
    %dma_wait3A_898 = arith.constant 8192 : i32
    %dma_wait3A_899 = tpu.memref_slice %arg10[%dma_wait3A_898] : memref<49152xf32, #tpu.memory_space<vmem>> -> memref<8192xf32, #tpu.memory_space<vmem>>
    %dma_wait3A_900 = tpu.memref_slice %arg4[%add3A_809] : memref<12582912xf32, #tpu.memory_space<hbm>> -> memref<8192xf32, #tpu.memory_space<hbm>>
    %dma_wait3A_901 = tpu.memref_slice %arg4[%add3A_809] : memref<12582912xf32, #tpu.memory_space<hbm>> -> memref<8192xf32, #tpu.memory_space<hbm>>
    %dma_wait3A_902 = arith.constant 8192 : i32
    %dma_wait3A_903 = tpu.memref_slice %arg10[%dma_wait3A_902] : memref<49152xf32, #tpu.memory_space<vmem>> -> memref<8192xf32, #tpu.memory_space<vmem>>
    tpu.wait_dma2 semaphore(%arg17 : memref<!tpu.dma_semaphore, #tpu.memory_space<semaphore_mem>>) src(%dma_wait3A_903 : memref<8192xf32, #tpu.memory_space<vmem>>) dst(%dma_wait3A_901 : memref<8192xf32, #tpu.memory_space<hbm>>)
    %dma_wait3A_904 = arith.constant 16384 : i32
    %dma_wait3A_905 = tpu.memref_slice %arg10[%dma_wait3A_904] : memref<49152xf32, #tpu.memory_space<vmem>> -> memref<8192xf32, #tpu.memory_space<vmem>>
    %dma_wait3A_906 = tpu.memref_slice %arg4[%add3A_819] : memref<12582912xf32, #tpu.memory_space<hbm>> -> memref<8192xf32, #tpu.memory_space<hbm>>
    %dma_wait3A_907 = tpu.memref_slice %arg4[%add3A_819] : memref<12582912xf32, #tpu.memory_space<hbm>> -> memref<8192xf32, #tpu.memory_space<hbm>>
    %dma_wait3A_908 = arith.constant 16384 : i32
    %dma_wait3A_909 = tpu.memref_slice %arg10[%dma_wait3A_908] : memref<49152xf32, #tpu.memory_space<vmem>> -> memref<8192xf32, #tpu.memory_space<vmem>>
    tpu.wait_dma2 semaphore(%arg17 : memref<!tpu.dma_semaphore, #tpu.memory_space<semaphore_mem>>) src(%dma_wait3A_909 : memref<8192xf32, #tpu.memory_space<vmem>>) dst(%dma_wait3A_907 : memref<8192xf32, #tpu.memory_space<hbm>>)
    %dma_wait3A_910 = arith.constant 24576 : i32
    %dma_wait3A_911 = tpu.memref_slice %arg10[%dma_wait3A_910] : memref<49152xf32, #tpu.memory_space<vmem>> -> memref<8192xf32, #tpu.memory_space<vmem>>
    %dma_wait3A_912 = tpu.memref_slice %arg4[%add3A_829] : memref<12582912xf32, #tpu.memory_space<hbm>> -> memref<8192xf32, #tpu.memory_space<hbm>>
    %dma_wait3A_913 = tpu.memref_slice %arg4[%add3A_829] : memref<12582912xf32, #tpu.memory_space<hbm>> -> memref<8192xf32, #tpu.memory_space<hbm>>
    %dma_wait3A_914 = arith.constant 24576 : i32
    %dma_wait3A_915 = tpu.memref_slice %arg10[%dma_wait3A_914] : memref<49152xf32, #tpu.memory_space<vmem>> -> memref<8192xf32, #tpu.memory_space<vmem>>
    tpu.wait_dma2 semaphore(%arg17 : memref<!tpu.dma_semaphore, #tpu.memory_space<semaphore_mem>>) src(%dma_wait3A_915 : memref<8192xf32, #tpu.memory_space<vmem>>) dst(%dma_wait3A_913 : memref<8192xf32, #tpu.memory_space<hbm>>)
    %dma_wait3A_916 = arith.constant 32768 : i32
    %dma_wait3A_917 = tpu.memref_slice %arg10[%dma_wait3A_916] : memref<49152xf32, #tpu.memory_space<vmem>> -> memref<8192xf32, #tpu.memory_space<vmem>>
    %dma_wait3A_918 = tpu.memref_slice %arg4[%add3A_839] : memref<12582912xf32, #tpu.memory_space<hbm>> -> memref<8192xf32, #tpu.memory_space<hbm>>
    %dma_wait3A_919 = tpu.memref_slice %arg4[%add3A_839] : memref<12582912xf32, #tpu.memory_space<hbm>> -> memref<8192xf32, #tpu.memory_space<hbm>>
    %dma_wait3A_920 = arith.constant 32768 : i32
    %dma_wait3A_921 = tpu.memref_slice %arg10[%dma_wait3A_920] : memref<49152xf32, #tpu.memory_space<vmem>> -> memref<8192xf32, #tpu.memory_space<vmem>>
    tpu.wait_dma2 semaphore(%arg17 : memref<!tpu.dma_semaphore, #tpu.memory_space<semaphore_mem>>) src(%dma_wait3A_921 : memref<8192xf32, #tpu.memory_space<vmem>>) dst(%dma_wait3A_919 : memref<8192xf32, #tpu.memory_space<hbm>>)
    %dma_wait3A_922 = arith.constant 40960 : i32
    %dma_wait3A_923 = tpu.memref_slice %arg10[%dma_wait3A_922] : memref<49152xf32, #tpu.memory_space<vmem>> -> memref<8192xf32, #tpu.memory_space<vmem>>
    %dma_wait3A_924 = tpu.memref_slice %arg4[%add3A_849] : memref<12582912xf32, #tpu.memory_space<hbm>> -> memref<8192xf32, #tpu.memory_space<hbm>>
    %dma_wait3A_925 = tpu.memref_slice %arg4[%add3A_849] : memref<12582912xf32, #tpu.memory_space<hbm>> -> memref<8192xf32, #tpu.memory_space<hbm>>
    %dma_wait3A_926 = arith.constant 40960 : i32
    %dma_wait3A_927 = tpu.memref_slice %arg10[%dma_wait3A_926] : memref<49152xf32, #tpu.memory_space<vmem>> -> memref<8192xf32, #tpu.memory_space<vmem>>
    tpu.wait_dma2 semaphore(%arg17 : memref<!tpu.dma_semaphore, #tpu.memory_space<semaphore_mem>>) src(%dma_wait3A_927 : memref<8192xf32, #tpu.memory_space<vmem>>) dst(%dma_wait3A_925 : memref<8192xf32, #tpu.memory_space<hbm>>)
    return
  }
}

module attributes {stable_mosaic.version = 14 : i64} {
  func.func @_m1_body(%arg0: memref<768x128xf32, #tpu.memory_space<vmem>>, %arg1: memref<128x256xf32, #tpu.memory_space<vmem>>, %arg2: memref<768x256xf32, #tpu.memory_space<vmem>>) attributes {dimension_semantics = [], scalar_prefetch = 0 : i64, scratch_operands = 0 : i64, tpu.core_type = #tpu.core_type<tc>} {
    %get3A = arith.constant 0 : index
    %get3A_0 = arith.constant 0 : index
    %get3A_1 = vector.load %arg0[%get3A, %get3A_0] : memref<768x128xf32, #tpu.memory_space<vmem>>, vector<768x128xf32>
    %get3A_2 = arith.constant 0 : index
    %get3A_3 = arith.constant 0 : index
    %get3A_4 = vector.load %arg1[%get3A_2, %get3A_3] : memref<128x256xf32, #tpu.memory_space<vmem>>, vector<128x256xf32>
    %dot_general3A = arith.constant dense<0.000000e+00> : vector<768x256xf32>
    %dot_general3A_5 = tpu.matmul %get3A_1, %get3A_4, %dot_general3A {dimension_numbers = #tpu.dot_dimension_numbers<[1], [0], [0], [1], [0, 0, 1, 1], [], []>, transpose_lhs_hint = false} : vector<768x128xf32>, vector<128x256xf32>, vector<768x256xf32> -> vector<768x256xf32>
    %swap3A = arith.constant 0 : index
    %swap3A_6 = arith.constant 0 : index
    %swap3A_7 = vector.load %arg2[%swap3A, %swap3A_6] : memref<768x256xf32, #tpu.memory_space<vmem>>, vector<768x256xf32>
    tpu.vector_store %arg2[%swap3A, %swap3A_6], %dot_general3A_5 {strides = array<i32>} : memref<768x256xf32, #tpu.memory_space<vmem>>, vector<768x256xf32>,
    return
  }
}

module attributes {stable_mosaic.version = 14 : i64} {
  func.func @_mlp_body(%arg0: i32, %arg1: memref<2048x128xf32, #tpu.memory_space<vmem>>, %arg2: memref<2048x128xf32, #tpu.memory_space<vmem>>, %arg3: memref<2048x128xf32, #tpu.memory_space<vmem>>, %arg4: memref<2048x128xf32, #tpu.memory_space<vmem>>, %arg5: memref<2048x128xf32, #tpu.memory_space<vmem>>, %arg6: memref<2048x128xf32, #tpu.memory_space<vmem>>, %arg7: memref<128x256xf32, #tpu.memory_space<vmem>>, %arg8: memref<128x256xf32, #tpu.memory_space<vmem>>, %arg9: memref<128x256xf32, #tpu.memory_space<vmem>>, %arg10: memref<128x256xf32, #tpu.memory_space<vmem>>, %arg11: memref<128x256xf32, #tpu.memory_space<vmem>>, %arg12: memref<128x256xf32, #tpu.memory_space<vmem>>, %arg13: memref<1x256xf32, #tpu.memory_space<vmem>>, %arg14: memref<256x128xf32, #tpu.memory_space<vmem>>, %arg15: memref<1x128xf32, #tpu.memory_space<vmem>>, %arg16: memref<128x1xf32, #tpu.memory_space<vmem>>, %arg17: memref<1x1xf32, #tpu.memory_space<vmem>>, %arg18: memref<2048x1xf32, #tpu.memory_space<vmem>>) attributes {dimension_semantics = [#tpu.dimension_semantics<arbitrary>], iteration_bounds = array<i64: 8>, scalar_prefetch = 0 : i64, scratch_operands = 0 : i64, tpu.core_type = #tpu.core_type<tc>, window_params = [{transform_indices = @transform_0, window_bounds = array<i64: 2048, 128>}, {transform_indices = @transform_1, window_bounds = array<i64: 2048, 128>}, {transform_indices = @transform_2, window_bounds = array<i64: 2048, 128>}, {transform_indices = @transform_3, window_bounds = array<i64: 2048, 128>}, {transform_indices = @transform_4, window_bounds = array<i64: 2048, 128>}, {transform_indices = @transform_5, window_bounds = array<i64: 2048, 128>}, {transform_indices = @transform_6, window_bounds = array<i64: 128, 256>}, {transform_indices = @transform_7, window_bounds = array<i64: 128, 256>}, {transform_indices = @transform_8, window_bounds = array<i64: 128, 256>}, {transform_indices = @transform_9, window_bounds = array<i64: 128, 256>}, {transform_indices = @transform_10, window_bounds = array<i64: 128, 256>}, {transform_indices = @transform_11, window_bounds = array<i64: 128, 256>}, {pipeline_mode = #tpu.pipeline_mode<synchronous>, transform_indices = @transform_12, window_bounds = array<i64: 1, 256>}, {pipeline_mode = #tpu.pipeline_mode<synchronous>, transform_indices = @transform_13, window_bounds = array<i64: 256, 128>}, {pipeline_mode = #tpu.pipeline_mode<synchronous>, transform_indices = @transform_14, window_bounds = array<i64: 1, 128>}, {pipeline_mode = #tpu.pipeline_mode<synchronous>, transform_indices = @transform_15, window_bounds = array<i64: 128, 1>}, {pipeline_mode = #tpu.pipeline_mode<synchronous>, transform_indices = @transform_16, window_bounds = array<i64: 1, 1>}, {transform_indices = @transform_17, window_bounds = array<i64: 2048, 1>}]} {
    %get3A = arith.constant 0 : index
    %get3A_0 = arith.constant 0 : index
    %get3A_1 = vector.load %arg13[%get3A, %get3A_0] : memref<1x256xf32, #tpu.memory_space<vmem>>, vector<1x256xf32>
    %get3A_2 = arith.constant 0 : index
    %get3A_3 = arith.constant 0 : index
    %get3A_4 = vector.load %arg1[%get3A_2, %get3A_3] : memref<2048x128xf32, #tpu.memory_space<vmem>>, vector<2048x128xf32>
    %get3A_5 = arith.constant 0 : index
    %get3A_6 = arith.constant 0 : index
    %get3A_7 = vector.load %arg7[%get3A_5, %get3A_6] : memref<128x256xf32, #tpu.memory_space<vmem>>, vector<128x256xf32>
    %dot_general3A = arith.constant dense<0.000000e+00> : vector<2048x256xf32>
    %dot_general3A_8 = tpu.matmul %get3A_4, %get3A_7, %dot_general3A {dimension_numbers = #tpu.dot_dimension_numbers<[1], [0], [0], [1], [0, 0, 1, 1], [], []>, transpose_lhs_hint = false} : vector<2048x128xf32>, vector<128x256xf32>, vector<2048x256xf32> -> vector<2048x256xf32>
    %add3A = vector.broadcast %get3A_1 : vector<1x256xf32> to vector<2048x256xf32>
    %add3A_9 = arith.addf %add3A, %dot_general3A_8 : vector<2048x256xf32>
    %get3A_10 = arith.constant 0 : index
    %get3A_11 = arith.constant 0 : index
    %get3A_12 = vector.load %arg2[%get3A_10, %get3A_11] : memref<2048x128xf32, #tpu.memory_space<vmem>>, vector<2048x128xf32>
    %get3A_13 = arith.constant 0 : index
    %get3A_14 = arith.constant 0 : index
    %get3A_15 = vector.load %arg8[%get3A_13, %get3A_14] : memref<128x256xf32, #tpu.memory_space<vmem>>, vector<128x256xf32>
    %dot_general3A_16 = arith.constant dense<0.000000e+00> : vector<2048x256xf32>
    %dot_general3A_17 = tpu.matmul %get3A_12, %get3A_15, %dot_general3A_16 {dimension_numbers = #tpu.dot_dimension_numbers<[1], [0], [0], [1], [0, 0, 1, 1], [], []>, transpose_lhs_hint = false} : vector<2048x128xf32>, vector<128x256xf32>, vector<2048x256xf32> -> vector<2048x256xf32>
    %add3A_18 = arith.addf %add3A_9, %dot_general3A_17 : vector<2048x256xf32>
    %get3A_19 = arith.constant 0 : index
    %get3A_20 = arith.constant 0 : index
    %get3A_21 = vector.load %arg3[%get3A_19, %get3A_20] : memref<2048x128xf32, #tpu.memory_space<vmem>>, vector<2048x128xf32>
    %get3A_22 = arith.constant 0 : index
    %get3A_23 = arith.constant 0 : index
    %get3A_24 = vector.load %arg9[%get3A_22, %get3A_23] : memref<128x256xf32, #tpu.memory_space<vmem>>, vector<128x256xf32>
    %dot_general3A_25 = arith.constant dense<0.000000e+00> : vector<2048x256xf32>
    %dot_general3A_26 = tpu.matmul %get3A_21, %get3A_24, %dot_general3A_25 {dimension_numbers = #tpu.dot_dimension_numbers<[1], [0], [0], [1], [0, 0, 1, 1], [], []>, transpose_lhs_hint = false} : vector<2048x128xf32>, vector<128x256xf32>, vector<2048x256xf32> -> vector<2048x256xf32>
    %add3A_27 = arith.addf %add3A_18, %dot_general3A_26 : vector<2048x256xf32>
    %get3A_28 = arith.constant 0 : index
    %get3A_29 = arith.constant 0 : index
    %get3A_30 = vector.load %arg4[%get3A_28, %get3A_29] : memref<2048x128xf32, #tpu.memory_space<vmem>>, vector<2048x128xf32>
    %get3A_31 = arith.constant 0 : index
    %get3A_32 = arith.constant 0 : index
    %get3A_33 = vector.load %arg10[%get3A_31, %get3A_32] : memref<128x256xf32, #tpu.memory_space<vmem>>, vector<128x256xf32>
    %dot_general3A_34 = arith.constant dense<0.000000e+00> : vector<2048x256xf32>
    %dot_general3A_35 = tpu.matmul %get3A_30, %get3A_33, %dot_general3A_34 {dimension_numbers = #tpu.dot_dimension_numbers<[1], [0], [0], [1], [0, 0, 1, 1], [], []>, transpose_lhs_hint = false} : vector<2048x128xf32>, vector<128x256xf32>, vector<2048x256xf32> -> vector<2048x256xf32>
    %add3A_36 = arith.addf %add3A_27, %dot_general3A_35 : vector<2048x256xf32>
    %get3A_37 = arith.constant 0 : index
    %get3A_38 = arith.constant 0 : index
    %get3A_39 = vector.load %arg5[%get3A_37, %get3A_38] : memref<2048x128xf32, #tpu.memory_space<vmem>>, vector<2048x128xf32>
    %get3A_40 = arith.constant 0 : index
    %get3A_41 = arith.constant 0 : index
    %get3A_42 = vector.load %arg11[%get3A_40, %get3A_41] : memref<128x256xf32, #tpu.memory_space<vmem>>, vector<128x256xf32>
    %dot_general3A_43 = arith.constant dense<0.000000e+00> : vector<2048x256xf32>
    %dot_general3A_44 = tpu.matmul %get3A_39, %get3A_42, %dot_general3A_43 {dimension_numbers = #tpu.dot_dimension_numbers<[1], [0], [0], [1], [0, 0, 1, 1], [], []>, transpose_lhs_hint = false} : vector<2048x128xf32>, vector<128x256xf32>, vector<2048x256xf32> -> vector<2048x256xf32>
    %add3A_45 = arith.addf %add3A_36, %dot_general3A_44 : vector<2048x256xf32>
    %get3A_46 = arith.constant 0 : index
    %get3A_47 = arith.constant 0 : index
    %get3A_48 = vector.load %arg6[%get3A_46, %get3A_47] : memref<2048x128xf32, #tpu.memory_space<vmem>>, vector<2048x128xf32>
    %get3A_49 = arith.constant 0 : index
    %get3A_50 = arith.constant 0 : index
    %get3A_51 = vector.load %arg12[%get3A_49, %get3A_50] : memref<128x256xf32, #tpu.memory_space<vmem>>, vector<128x256xf32>
    %dot_general3A_52 = arith.constant dense<0.000000e+00> : vector<2048x256xf32>
    %dot_general3A_53 = tpu.matmul %get3A_48, %get3A_51, %dot_general3A_52 {dimension_numbers = #tpu.dot_dimension_numbers<[1], [0], [0], [1], [0, 0, 1, 1], [], []>, transpose_lhs_hint = false} : vector<2048x128xf32>, vector<128x256xf32>, vector<2048x256xf32> -> vector<2048x256xf32>
    %add3A_54 = arith.addf %add3A_45, %dot_general3A_53 : vector<2048x256xf32>
    %max3A = arith.constant 0.000000e+00 : f32
    %max3A_55 = vector.broadcast %max3A : f32 to vector<2048x256xf32>
    %max3A_56 = arith.maximumf %add3A_54, %max3A_55 : vector<2048x256xf32>
    %get3A_57 = arith.constant 0 : index
    %get3A_58 = arith.constant 0 : index
    %get3A_59 = vector.load %arg14[%get3A_57, %get3A_58] : memref<256x128xf32, #tpu.memory_space<vmem>>, vector<256x128xf32>
    %dot_general3A_60 = arith.constant dense<0.000000e+00> : vector<2048x128xf32>
    %dot_general3A_61 = tpu.matmul %max3A_56, %get3A_59, %dot_general3A_60 {dimension_numbers = #tpu.dot_dimension_numbers<[1], [0], [0], [1], [0, 0, 1, 1], [], []>, transpose_lhs_hint = false} : vector<2048x256xf32>, vector<256x128xf32>, vector<2048x128xf32> -> vector<2048x128xf32>
    %get3A_62 = arith.constant 0 : index
    %get3A_63 = arith.constant 0 : index
    %get3A_64 = vector.load %arg15[%get3A_62, %get3A_63] : memref<1x128xf32, #tpu.memory_space<vmem>>, vector<1x128xf32>
    %add3A_65 = vector.broadcast %get3A_64 : vector<1x128xf32> to vector<2048x128xf32>
    %add3A_66 = arith.addf %dot_general3A_61, %add3A_65 : vector<2048x128xf32>
    %max3A_67 = arith.constant 0.000000e+00 : f32
    %max3A_68 = vector.broadcast %max3A_67 : f32 to vector<2048x128xf32>
    %max3A_69 = arith.maximumf %add3A_66, %max3A_68 : vector<2048x128xf32>
    %get3A_70 = arith.constant 0 : index
    %get3A_71 = arith.constant 0 : index
    %get3A_72 = vector.load %arg16[%get3A_70, %get3A_71] : memref<128x1xf32, #tpu.memory_space<vmem>>, vector<128x1xf32>
    %dot_general3A_73 = arith.constant dense<0.000000e+00> : vector<2048x1xf32>
    %dot_general3A_74 = tpu.matmul %max3A_69, %get3A_72, %dot_general3A_73 {dimension_numbers = #tpu.dot_dimension_numbers<[1], [0], [0], [1], [0, 0, 1, 1], [], []>, transpose_lhs_hint = false} : vector<2048x128xf32>, vector<128x1xf32>, vector<2048x1xf32> -> vector<2048x1xf32>
    %get3A_75 = arith.constant 0 : index
    %get3A_76 = arith.constant 0 : index
    %get3A_77 = vector.load %arg17[%get3A_75, %get3A_76] : memref<1x1xf32, #tpu.memory_space<vmem>>, vector<1x1xf32>
    %add3A_78 = vector.broadcast %get3A_77 : vector<1x1xf32> to vector<2048x1xf32>
    %add3A_79 = arith.addf %dot_general3A_74, %add3A_78 : vector<2048x1xf32>
    %swap3A = arith.constant 0 : index
    %swap3A_80 = arith.constant 0 : index
    %swap3A_81 = vector.load %arg18[%swap3A, %swap3A_80] : memref<2048x1xf32, #tpu.memory_space<vmem>>, vector<2048x1xf32>
    tpu.vector_store %arg18[%swap3A, %swap3A_80], %add3A_79 {strides = array<i32>} : memref<2048x1xf32, #tpu.memory_space<vmem>>, vector<2048x1xf32>,
    return
  }
  func.func @transform_0(%arg0: i32) -> (i32, i32) {
    %add3A = arith.constant 0 : i32
    %add3A_0 = arith.addi %add3A, %arg0 : i32
    %c0_i32 = arith.constant 0 : i32
    %c0_i32_1 = arith.constant 0 : i32
    return %add3A_0, %c0_i32 : i32, i32
  }
  func.func @transform_1(%arg0: i32) -> (i32, i32) {
    %add3A = arith.constant 8 : i32
    %add3A_0 = arith.addi %add3A, %arg0 : i32
    %c0_i32 = arith.constant 0 : i32
    %c0_i32_1 = arith.constant 0 : i32
    return %add3A_0, %c0_i32 : i32, i32
  }
  func.func @transform_2(%arg0: i32) -> (i32, i32) {
    %add3A = arith.constant 16 : i32
    %add3A_0 = arith.addi %add3A, %arg0 : i32
    %c0_i32 = arith.constant 0 : i32
    %c0_i32_1 = arith.constant 0 : i32
    return %add3A_0, %c0_i32 : i32, i32
  }
  func.func @transform_3(%arg0: i32) -> (i32, i32) {
    %add3A = arith.constant 24 : i32
    %add3A_0 = arith.addi %add3A, %arg0 : i32
    %c0_i32 = arith.constant 0 : i32
    %c0_i32_1 = arith.constant 0 : i32
    return %add3A_0, %c0_i32 : i32, i32
  }
  func.func @transform_4(%arg0: i32) -> (i32, i32) {
    %add3A = arith.constant 32 : i32
    %add3A_0 = arith.addi %add3A, %arg0 : i32
    %c0_i32 = arith.constant 0 : i32
    %c0_i32_1 = arith.constant 0 : i32
    return %add3A_0, %c0_i32 : i32, i32
  }
  func.func @transform_5(%arg0: i32) -> (i32, i32) {
    %add3A = arith.constant 40 : i32
    %add3A_0 = arith.addi %add3A, %arg0 : i32
    %c0_i32 = arith.constant 0 : i32
    %c0_i32_1 = arith.constant 0 : i32
    return %add3A_0, %c0_i32 : i32, i32
  }
  func.func @transform_6(%arg0: i32) -> (i32, i32) {
    %c0_i32 = arith.constant 0 : i32
    %c0_i32_0 = arith.constant 0 : i32
    %c0_i32_1 = arith.constant 0 : i32
    return %c0_i32, %c0_i32_0 : i32, i32
  }
  func.func @transform_7(%arg0: i32) -> (i32, i32) {
    %c1_i32 = arith.constant 1 : i32
    %c0_i32 = arith.constant 0 : i32
    %c0_i32_0 = arith.constant 0 : i32
    return %c1_i32, %c0_i32 : i32, i32
  }
  func.func @transform_8(%arg0: i32) -> (i32, i32) {
    %c2_i32 = arith.constant 2 : i32
    %c0_i32 = arith.constant 0 : i32
    %c0_i32_0 = arith.constant 0 : i32
    return %c2_i32, %c0_i32 : i32, i32
  }
  func.func @transform_9(%arg0: i32) -> (i32, i32) {
    %c3_i32 = arith.constant 3 : i32
    %c0_i32 = arith.constant 0 : i32
    %c0_i32_0 = arith.constant 0 : i32
    return %c3_i32, %c0_i32 : i32, i32
  }
  func.func @transform_10(%arg0: i32) -> (i32, i32) {
    %c4_i32 = arith.constant 4 : i32
    %c0_i32 = arith.constant 0 : i32
    %c0_i32_0 = arith.constant 0 : i32
    return %c4_i32, %c0_i32 : i32, i32
  }
  func.func @transform_11(%arg0: i32) -> (i32, i32) {
    %c5_i32 = arith.constant 5 : i32
    %c0_i32 = arith.constant 0 : i32
    %c0_i32_0 = arith.constant 0 : i32
    return %c5_i32, %c0_i32 : i32, i32
  }
  func.func @transform_12(%arg0: i32) -> (i32, i32) {
    %c0_i32 = arith.constant 0 : i32
    %c0_i32_0 = arith.constant 0 : i32
    %c0_i32_1 = arith.constant 0 : i32
    return %c0_i32, %c0_i32_0 : i32, i32
  }
  func.func @transform_13(%arg0: i32) -> (i32, i32) {
    %c0_i32 = arith.constant 0 : i32
    %c0_i32_0 = arith.constant 0 : i32
    %c0_i32_1 = arith.constant 0 : i32
    return %c0_i32, %c0_i32_0 : i32, i32
  }
  func.func @transform_14(%arg0: i32) -> (i32, i32) {
    %c0_i32 = arith.constant 0 : i32
    %c0_i32_0 = arith.constant 0 : i32
    %c0_i32_1 = arith.constant 0 : i32
    return %c0_i32, %c0_i32_0 : i32, i32
  }
  func.func @transform_15(%arg0: i32) -> (i32, i32) {
    %c0_i32 = arith.constant 0 : i32
    %c0_i32_0 = arith.constant 0 : i32
    %c0_i32_1 = arith.constant 0 : i32
    return %c0_i32, %c0_i32_0 : i32, i32
  }
  func.func @transform_16(%arg0: i32) -> (i32, i32) {
    %c0_i32 = arith.constant 0 : i32
    %c0_i32_0 = arith.constant 0 : i32
    %c0_i32_1 = arith.constant 0 : i32
    return %c0_i32, %c0_i32_0 : i32, i32
  }
  func.func @transform_17(%arg0: i32) -> (i32, i32) {
    %c0_i32 = arith.constant 0 : i32
    %c0_i32_0 = arith.constant 0 : i32
    return %arg0, %c0_i32 : i32, i32
  }
}

</mosaic_0001>

<sc_bundles>
// kernel: kernel.5.cloned.1.call-start
scs
__scs_entry_jumppad:
0x0: {  	(pc) =	sbr.rel $0x88, $3  }
0x1: {  	(tag) =	ssettag $0x0;
	lr =	simm.s32 $0x1  }
0x2: {  	[smem:$0x3F99] =	sst lr;
	_ =	strace $0xD0000000  }
0x3: {  	_ = 	snop  }
0x4: {  	_ = 	snop  }
0x5: {  	_ = 	snop  }
0x6: {  	_ = 	snop  }
0x7: {  	_ = 	snop  }
__scs_overlays_trampoline_lowered:
0x8: {  	[smem:$0x3FA8] =	sst s0  }
0x9: {  	[smem:$0x3FA9] =	sst s1  }
0xa: {  	[smem:$0x3FAA] =	sst s2  }
0xb: {  	[smem:$0x3FAB] =	sst s3  }
0xc: {  	[smem:$0x3FAC] =	sst s4  }
0xd: {  	[smem:$0x3FAD] =	sst s5  }
0xe: {  	[smem:$0x3FAE] =	sst s6  }
0xf: {  	[smem:$0x3FAF] =	sst s7  }
0x10: {  	[smem:$0x3FB0] =	sst s8  }
0x11: {  	[smem:$0x3FB1] =	sst s9;
	s0 =	simm.s32 @!p0 $0x0  }
0x12: {  	s1 =	sld [smem:$0x3F97];
	s0 =	simm.s32 @p0 $0x1  }
0x13: {  	[smem:$0x3FB2] =	sst s0;
	s0 =	simm.s32 @!p1 $0x0  }
0x14: {  	s2 =	sld [smem:$0x3F96];
	s0 =	simm.s32 @p1 $0x1  }
0x15: {  	[smem:$0x3FB3] =	sst s0;
	s0 =	simm.s32 @!p2 $0x0  }
0x16: {  	s3 =	sld [smem:$0x3FDB];
	s0 =	simm.s32 @p2 $0x1  }
0x17: {  	s4 =	simm.s32 $0x1BF5;
	[smem:$0x3FB5] =	sst s0  }
0x18: {  	s0 =	sld [smem:$0x3F98];
	_ =	swait.ge [sflag:s4], $0x0  }
0x19: {  	s7 =	sld [smem:$0x3F99]  }
0x1a: {  	s8 =	sadd.s32 $0xFFFFE003, lr  }
0x1b: {  	s9 =	sadd.s32 $0xFFFFFEF7, lr;
	s5 =	simm.s32 $0xFFFFFFFF;
	p2 =	slt.u32 s8, $0xFFFFF086  }
0x1c: {  	p1 =	slt.u32 s9, $0xF7A;
	s5 =	simm.s32 @!p2 $0x0  }
0x1d: {  	s5 =	simm.s32 @p1 $0x1;
	p0 =	seq.s32 s7, s2  }
0x1e: {  	s7 =	smul.u32 @!p0 $0xF7A, s2;
	p2 =	seq.s32 @!p0 s5, $0x0  }
0x1f: {  	s9 =	smul.u32 $0xF7A, s1;
	s8 =	simm.s32 @!p0 $0x1BF5;
	p2 =	por !p2, p0  }
0x20: {  	[sflag:s8] =	ssyncset.s32 @!p0 $0xFFFFF086;
	s6 =	sadd.s32 @!p0 s3, s7;
	s7 =	simm.s32 @!p0 $0x108  }
0x21: {  	s3 =	sadd.s32 s3, s9;
	s6 =	sadd.s32 @!p0 $0x88, s6;
	s7 =	simm.s32 @p2 $0x1082  }
0x22: {  	[simem:s7], [sflag:s8] =	dma.local @!p0 [hbm:s6], $0xF7A  }
0x23: {  	s9 =	sor.u32 $0xD0000000, s2;
	s6 =	simm.s32 $0x108;
	_ =	swait.ge @!p0 [sflag:s8], $0x0  }
0x24: {  	s3 =	sadd.s32 $0x88, s3;
	s6 =	simm.s32 @!p1 $0x1082;
	[sflag:s4] =	ssyncset.s32 $0xFFFFF086  }
0x25: {  	[simem:s6], [sflag:s4] =	dma.local [hbm:s3], $0xF7A  }
0x26: {  	[smem:$0x3F99] =	sst s1;
	(tag) =	ssettag s2;
	_ =	strace s9  }
0x27: {  	s1 =	sld [smem:$0x3FA9]  }
0x28: {  	s2 =	sld [smem:$0x3FAA]  }
0x29: {  	s4 =	sld [smem:$0x3FAC]  }
0x2a: {  	p0 =	seq.s32 s5, $0x0;
	s5 =	sld [smem:$0x3FAD]  }
0x2b: {  	s6 =	sld [smem:$0x3FAE]  }
0x2c: {  	s7 =	sld [smem:$0x3FAF]  }
0x2d: {  	s3 =	simm.s32 $0x108;
	s8 =	sld [smem:$0x3FB0]  }
0x2e: {  	s3 =	simm.s32 @!p0 $0x1082;
	s9 =	sld [smem:$0x3FB1]  }
0x2f: {  	lr =	sadd.s32 s0, s3;
	s0 =	sld [smem:$0x3FA8]  }
0x30: {  	s3 =	sld [smem:$0x3FAB]  }
0x31: {  	[smem:$0x3FB4] =	sst s10  }
0x32: {  	s10 =	sld [smem:$0x3FB2];
	_ =	sdelay $0x3  }
0x33: {  	p0 =	seq.s32 s10, $0x1;
	s10 =	sld [smem:$0x3FB4];
	_ =	sdelay $0x3  }
0x34: {  	[smem:$0x3FB4] =	sst s10  }
0x35: {  	s10 =	sld [smem:$0x3FB3];
	_ =	sdelay $0x3  }
0x36: {  	p1 =	seq.s32 s10, $0x1;
	s10 =	sld [smem:$0x3FB4];
	_ =	sdelay $0x3  }
0x37: {  	[smem:$0x3FB4] =	sst s10  }
0x38: {  	s10 =	sld [smem:$0x3FB5]  }
0x39: {  	_ = 	snop;
	(pc) =	sbr.ind lr, $3  }
0x3a: {  	_ = 	snop  }
0x3b: {  	_ = 	snop  }
0x3c: {  	p2 =	seq.s32 s10, $0x1;
	s10 =	sld [smem:$0x3FB4]  }
0x3d: {  	_ =	shalt  }
0x3e: {  	_ =	shalt  }
0x3f: {  	_ =	shalt  }
0x40: {  	_ =	shalt  }
0x41: {  	_ =	shalt  }
0x42: {  	_ =	shalt  }
0x43: {  	_ =	shalt  }
0x44: {  	_ =	shalt  }
0x45: {  	_ =	shalt  }
0x46: {  	_ =	shalt  }
0x47: {  	_ =	shalt  }
0x48: {  	_ =	shalt  }
0x49: {  	_ =	shalt  }
0x4a: {  	_ =	shalt  }
0x4b: {  	_ =	shalt  }
0x4c: {  	_ =	shalt  }
0x4d: {  	_ =	shalt  }
0x4e: {  	_ =	shalt  }
0x4f: {  	_ =	shalt  }
0x50: {  	_ =	shalt  }
0x51: {  	_ =	shalt  }
0x52: {  	_ =	shalt  }
0x53: {  	_ =	shalt  }
0x54: {  	_ =	shalt  }
0x55: {  	_ =	shalt  }
0x56: {  	_ =	shalt  }
0x57: {  	_ =	shalt  }
0x58: {  	_ =	shalt  }
0x59: {  	_ =	shalt  }
0x5a: {  	_ =	shalt  }
0x5b: {  	_ =	shalt  }
0x5c: {  	_ =	shalt  }
0x5d: {  	_ =	shalt  }
0x5e: {  	_ =	shalt  }
0x5f: {  	_ =	shalt  }
0x60: {  	_ =	shalt  }
0x61: {  	_ =	shalt  }
0x62: {  	_ =	shalt  }
0x63: {  	_ =	shalt  }
0x64: {  	_ =	shalt  }
0x65: {  	_ =	shalt  }
0x66: {  	_ =	shalt  }
0x67: {  	_ =	shalt  }
0x68: {  	_ =	shalt  }
0x69: {  	_ =	shalt  }
0x6a: {  	_ =	shalt  }
0x6b: {  	_ =	shalt  }
0x6c: {  	_ =	shalt  }
0x6d: {  	_ =	shalt  }
0x6e: {  	_ =	shalt  }
0x6f: {  	_ =	shalt  }
0x70: {  	_ =	shalt  }
0x71: {  	_ =	shalt  }
0x72: {  	_ =	shalt  }
0x73: {  	_ =	shalt  }
0x74: {  	_ =	shalt  }
0x75: {  	_ =	shalt  }
0x76: {  	_ =	shalt  }
0x77: {  	_ =	shalt  }
0x78: {  	_ =	shalt  }
0x79: {  	_ =	shalt  }
0x7a: {  	_ =	shalt  }
0x7b: {  	_ =	shalt  }
0x7c: {  	_ =	shalt  }
0x7d: {  	_ =	shalt  }
0x7e: {  	_ =	shalt  }
0x7f: {  	_ =	shalt  }
0x80: {  	_ =	shalt  }
0x81: {  	_ =	shalt  }
0x82: {  	_ =	shalt  }
0x83: {  	_ =	shalt  }
0x84: {  	_ =	shalt  }
0x85: {  	_ =	shalt  }
0x86: {  	_ =	shalt  }
0x87: {  	_ =	shalt  }
.Lfunc_end0:
.L_simem_size_0:
called_computation_lowered:
.L_overlay_start_0:
0x88: {  	s2 =	sld [smem:$0x3FD9]  }
0x89: {  	s3 =	sld [smem:$0x3FFE];
	_ =	sdelay $0x1  }
0x8a: {  	s1 =	srdreg.scid  }
0x8b: {  	s0 =	sand.u32 $0x1, s1  }
0x8c: {  	s17 =	sshll.u32 s0, $0xA;
	s2 =	sadd.s32 s3, s2  }
0x8d: {  	s2 =	sadd.s32 s2, s17  }
0x8e: {  	[smem:$0x3FC0] =	sst s2  }
0x8f: {  	_ = 	snop  }
0x90: {  	s2 =	sld [smem:$0x3FD0];
	(tm) =	ssettm $0x1  }
0x91: {  	s18 =	sld [smem:$0x3FFB];
	_ =	sdelay $0x3  }
0x92: {  	_ =	strace s18  }
0x93: {  	s3 =	sld [smem:$0x3FFC];
	_ =	sdelay $0x3  }
0x94: {  	_ =	strace s3  }
0x95: {  	s3 =	sld [smem:$0x3FFD];
	_ =	sdelay $0x3  }
0x96: {  	_ =	strace s3  }
0x97: {  	_ =	strace $0x8FFFFFFF  }
0x98: {  	s19 =	sld [smem:$0x3FDB];
	_ =	sdelay $0x1  }
0x99: {  	s4 =	simm.s32 $_scs_section_size  }
0x9a: {  	s5 =	simm.s32 $_size__tile_overlayer_lowered;
	s6 =	simm.s32 $_tile_overlayer_lowered  }
0x9b: {  	s22 =	simm.s32 $0x1BFF;
	s21 =	sshll.u32 s6, $0x1;
	s3 =	sadd.s32 s4, s19  }
0x9c: {  	s7 =	simm.s32 $0x0;
	s20 =	sshll.u32 s5, $0x1;
	s5 =	sadd.s32 s21, s3  }
0x9d: {  	[timem:s7], [sflag:s22] =	dma.local [hbm:s5], s20  }
0x9e: {  	_ =	swait.ge [sflag:s22], s20  }
0x9f: {  	s4 =	ssub.s32 $0x0, s20;
	[sflag:s22] =	ssyncset.done $0x0  }
0xa0: {  	[sflag:s22] =	ssyncadd.s32 s4;
	_ =	sdelay $0x1  }
0xa1: {  	s23 =	simm.s32 $0x1B8B  }
0xa2: {  	_ =	swait.ge [sflag:s23], $0x1  }
0xa3: {  	[sflag:s23] =	ssyncset.done $0x0  }
0xa4: {  	s25 =	simm.s32 $0x1B8E;
	s24 =	sld [smem:$0x3FFE];
	[sflag:s23] =	ssyncadd.s32 $0xFFFFFFFF  }
0xa5: {  	s26 =	simm.s32 $execute0_lowered;
	[smem:$0x3FD2] =	sst s25  }
0xa6: {  	s5 =	sshll.u32 s26, $0x1;
	_ =	strace $0x80000046;
	[dreg:$0x1] =	wrdreg $0xFFFFFFFF  }
0xa7: {  	s28 =	simm.s32 $_size_execute0_lowered;
	s3 =	sadd.s32 s3, s5;
	[dreg:$0x0] =	wrdreg $0x0  }
0xa8: {  	s5 =	sshll.u32 s28, $0x1;
	[dreg:$0x2] =	wrdreg s3  }
0xa9: {  	[dreg:$0x3] =	wrdreg s5  }
0xaa: {  	[dreg:$0x4] =	wrdreg $0xC0  }
0xab: {  	_ =	task [dreg:s7], $0x5FFFF  }
0xac: {  	[dreg:$0x1] =	wrdreg $0xFFFFFFFF  }
0xad: {  	[dreg:$0x0] =	wrdreg $0x60  }
0xae: {  	[dreg:$0x2] =	wrdreg s24  }
0xaf: {  	[dreg:$0x3] =	wrdreg s2  }
0xb0: {  	[dreg:$0x4] =	wrdreg $0x9  }
0xb1: {  	_ =	task.clear_ibuf [dreg:s7], $0x5FFFF;
	_ =	strace $0x90000046  }
0xb2: {  	s29 =	simm.s32 $0x9;
	_ =	strace $0x80000048  }
0xb3: {  	_ =	swait.ge [sflag:s29], $0x1  }
0xb4: {  	[sflag:s29] =	ssyncadd.s32 $0xFFFFFFFF  }
0xb5: {  	_ =	strace $0x90000048  }
0xb6: {  	_ =	sfence  }
0xb7: {  	s30 =	sld [smem:$0x0];
	_ =	sdelay $0x2  }
0xb8: {  	s31 =	sshll.u32 s1, $0xD;
	s1 =	sshrl.u32 s1, $0x2  }
0xb9: {  	s3 =	sand.u32 $0x4000, s31;
	s1 =	sadd.s32 s1, s30  }
0xba: {  	s0 =	sor.u32 s3, s0;
	s1 =	sshll.u32 s1, $0x11  }
0xbb: {  	s0 =	sor.u32 s1, s0  }
0xbc: {  	s0 =	sadd.s32 $0x8F2B, s0  }
0xbd: {  	[sflag:s0] =	ssyncadd.remote.s32 $0x1  }
0xbe: {  	_ =	sfence.sel $0xFFFF  }
0xbf: {  	[dreg:$0x0] =	wrdreg $0xFFFFFFFF;
	(pc) =	sbr.abs _section_cstart, $3  }
0xc0: {  	[dreg:$0x1] =	wrdreg $0xFFFFFFFF  }
0xc1: {  	_ =	task.clear_ibuf [dreg:s7], $0x2FFFF;
	_ =	strace $0x9FFFFFFF  }
0xc2: {  	(tm) =	ssettm $0x7FFFFFFF  }
0xc3: {  	_ =	shalt  }
tec
execute0_lowered:
.L_overlay_start_1:
0x0: {  	(tag) =	ssettag $0x1  }
0x1: {  	s0 =	srdreg.scid  }
0x2: {  	s1 =	stileid.u32;
	s6 =	rddreg [dreg:$0x0]  }
0x3: {  	s0 =	sand.u32 $0x1, s0;
	s1 =	sshll.u32 s1, $0x1;
	s9 =	sadd.s32 $0x1000, s6  }
0x4: {  	s2 =	sadd.s32 $0x1A000, s6;
	s3 =	sor.u32 s0, s1;
	s1 =	simm.s32 $0x0  }
0x5: {  	s0 =	ssub.s32 $0x2, s0;
	s7 =	sshll.u32 s3, $0x9;
	s4 =	smul.u32 $0xC80, s3  }
0x6: {  	[smem:$0x7FF] =	sst s1;
	s10 =	sshrl.u32 s0, $0x1;
	s8 =	sor.u32 $0x40, s7  }
0x7: {  	s0 =	ssub.s32 s0, s10;
	s11 =	sor.u32 $0x80, s7;
	s5 =	smul.u32 $0x32, s8  }
0x8: {  	s10 =	sshll.u32 s3, $0xD;
	s15 =	sor.u32 $0x100, s7;
	s12 =	smul.u32 $0x32, s11  }
0x9: {  	s17 =	sor.u32 $0x140, s7;
	s19 =	sor.u32 $0x180, s7;
	s16 =	smul.u32 $0x32, s15  }
0xa: {  	s4 =	sadd.s32 s9, s4;
	s3 =	sadd.s32 s2, s10;
	s20 =	smul.u32 $0x32, s19  }
0xb: {  	s8 =	sshll.u32 s8, $0x4;
	[dreg:$0x5] =	wrdreg s3;
	s3 =	sadd.s32 $0x5A000, s6  }
0xc: {  	[dreg:$0x3] =	wrdreg s4;
	s13 =	sshrl.u32 s5, $0x3;
	s26 =	sadd.s32 s10, s3  }
0xd: {  	s23 =	sshrl.u32 s20, $0x3;
	s20 =	sadd.s32 s2, s8;
	[dreg:$0xc] =	wrdreg s26  }
0xe: {  	s12 =	sshrl.u32 s12, $0x3;
	s4 =	sadd.s32 s9, s13;
	[dreg:$0x11] =	wrdreg s20  }
0xf: {  	s16 =	sshrl.u32 s16, $0x3;
	s12 =	sadd.s32 s9, s12;
	[dreg:$0x4] =	wrdreg s4  }
0x10: {  	s18 =	smul.u32 $0x32, s17;
	s16 =	sadd.s32 s9, s16;
	[dreg:$0x6] =	wrdreg s12  }
0x11: {  	s5 =	sadd.s32 $0xDA000, s6;
	s25 =	sadd.s32 s9, s23;
	[dreg:$0x8] =	wrdreg s16  }
0x12: {  	s22 =	sshrl.u32 s18, $0x3;
	s23 =	sadd.s32 s8, s5;
	[dreg:$0xa] =	wrdreg s25  }
0x13: {  	s13 =	sor.u32 $0xC0, s7;
	s12 =	sadd.s32 s9, s22;
	[dreg:$0x14] =	wrdreg s23  }
0x14: {  	s4 =	sadd.s32 $0x9A000, s6;
	s16 =	sadd.s32 s10, s5;
	[dreg:$0x9] =	wrdreg s12  }
0x15: {  	s25 =	sshll.u32 s11, $0x4;
	[dreg:$0xe] =	wrdreg s16;
	s22 =	sadd.s32 s8, s4  }
0x16: {  	s7 =	sor.u32 $0x1C0, s7;
	s11 =	sadd.s32 s2, s25;
	[dreg:$0x13] =	wrdreg s22  }
0x17: {  	s14 =	smul.u32 $0x32, s13;
	s12 =	sadd.s32 s25, s3;
	[dreg:$0x17] =	wrdreg s11  }
0x18: {  	s26 =	sshll.u32 s13, $0x4;
	s13 =	sadd.s32 s25, s4;
	[dreg:$0x18] =	wrdreg s12  }
0x19: {  	s21 =	smul.u32 $0x32, s7;
	s20 =	sadd.s32 s2, s26;
	[dreg:$0x19] =	wrdreg s13  }
0x1a: {  	s23 =	sadd.s32 s26, s5;
	[dreg:$0x1d] =	wrdreg s20  }
0x1b: {  	s24 =	sshrl.u32 s21, $0x3;
	s21 =	sadd.s32 s8, s3;
	[smem:$0x7E8] =	sst s23  }
0x1c: {  	s14 =	sshrl.u32 s14, $0x3;
	s22 =	sadd.s32 s26, s4;
	[dreg:$0x12] =	wrdreg s21  }
0x1d: {  	s14 =	sadd.s32 s9, s14;
	[dreg:$0x1f] =	wrdreg s22  }
0x1e: {  	s9 =	sadd.s32 s9, s24;
	[dreg:$0x7] =	wrdreg s14  }
0x1f: {  	s21 =	sadd.s32 s26, s3;
	[dreg:$0xb] =	wrdreg s9  }
0x20: {  	s9 =	sadd.s32 $0x11A000, s6;
	s14 =	sadd.s32 s10, s4;
	[dreg:$0x1e] =	wrdreg s21  }
0x21: {  	s6 =	sadd.s32 $0x15A000, s6;
	[dreg:$0xd] =	wrdreg s14;
	s18 =	sadd.s32 s10, s9  }
0x22: {  	s10 =	sadd.s32 s10, s6;
	[dreg:$0xf] =	wrdreg s18  }
0x23: {  	s24 =	sadd.s32 s8, s9;
	[dreg:$0x10] =	wrdreg s10  }
0x24: {  	s8 =	sadd.s32 s8, s6;
	[dreg:$0x15] =	wrdreg s24  }
0x25: {  	s14 =	sadd.s32 s25, s5;
	[dreg:$0x16] =	wrdreg s8  }
0x26: {  	s16 =	sadd.s32 s25, s9;
	[dreg:$0x1a] =	wrdreg s14  }
0x27: {  	[dreg:$0x1b] =	wrdreg s16;
	s8 =	sadd.s32 s25, s6  }
0x28: {  	s24 =	sadd.s32 s26, s9;
	[dreg:$0x1c] =	wrdreg s8  }
0x29: {  	s18 =	sshll.u32 s15, $0x4;
	s10 =	sadd.s32 s26, s6;
	[smem:$0x7E9] =	sst s24  }
0x2a: {  	[smem:$0x7EA] =	sst s10;
	s25 =	sadd.s32 s2, s18  }
0x2b: {  	s26 =	sadd.s32 s18, s3;
	[smem:$0x7EB] =	sst s25  }
0x2c: {  	s11 =	sadd.s32 s18, s4;
	[smem:$0x7EC] =	sst s26  }
0x2d: {  	s12 =	sadd.s32 s18, s5;
	[smem:$0x7ED] =	sst s11  }
0x2e: {  	s13 =	sadd.s32 s18, s9;
	[smem:$0x7EE] =	sst s12  }
0x2f: {  	s14 =	sshll.u32 s17, $0x4;
	s8 =	sadd.s32 s18, s6;
	[smem:$0x7EF] =	sst s13  }
0x30: {  	s30 =	simm.s32 $0x7;
	s16 =	sadd.s32 s2, s14;
	[smem:$0x7F0] =	sst s8  }
0x31: {  	s31 =	simm.s32 $0x11200;
	s17 =	sadd.s32 s14, s3;
	[smem:$0x7F1] =	sst s16  }
0x32: {  	s29 =	smax.u32 s0, $0x1;
	s18 =	sadd.s32 s14, s4;
	[smem:$0x7F2] =	sst s17  }
0x33: {  	s15 =	sshll.u32 s19, $0x4;
	s19 =	sadd.s32 s14, s5;
	[smem:$0x7F3] =	sst s18  }
0x34: {  	s0 =	simm.s32 $0x1;
	s20 =	sadd.s32 s14, s9;
	[smem:$0x7F4] =	sst s19  }
0x35: {  	s7 =	sshll.u32 s7, $0x4;
	s21 =	sadd.s32 s2, s15;
	[smem:$0x7F5] =	sst s20  }
0x36: {  	s28 =	sadd.s32 s7, s6;
	s22 =	sadd.s32 s15, s3;
	[smem:$0x7F7] =	sst s21  }
0x37: {  	s23 =	sadd.s32 s15, s4;
	s24 =	sadd.s32 s15, s5;
	[smem:$0x7F8] =	sst s22  }
0x38: {  	s2 =	sadd.s32 s2, s7;
	s10 =	simm.s32 $0xF200;
	[smem:$0x7F9] =	sst s23  }
0x39: {  	s8 =	sadd.s32 s14, s6;
	[smem:$0x7FA] =	sst s24;
	s25 =	sadd.s32 s15, s9  }
0x3a: {  	s26 =	sadd.s32 s15, s6;
	[smem:$0x7FD] =	sst s2;
	s23 =	sadd.s32 s7, s3  }
0x3b: {  	s24 =	sadd.s32 s7, s4;
	s2 =	simm.s32 $0x3200;
	s3 =	simm.s32 $0x5200  }
0x3c: {  	s4 =	simm.s32 $0x7200;
	s6 =	simm.s32 $0xB200;
	s11 =	simm.s32 $0x13200  }
0x3d: {  	s12 =	simm.s32 $0x15200;
	s13 =	simm.s32 $0x17200;
	s14 =	simm.s32 $0x19200  }
0x3e: {  	s15 =	simm.s32 $0x2580;
	s16 =	simm.s32 $0x5;
	[smem:$0x7F6] =	sst s8  }
0x3f: {  	s17 =	simm.s32 $0x3;
	s18 =	simm.s32 $0x6;
	[smem:$0x7FB] =	sst s25  }
0x40: {  	s19 =	simm.s32 $0x0;
	[smem:$0x7FC] =	sst s26;
	s25 =	sadd.s32 s7, s5  }
0x41: {  	s26 =	sadd.s32 s7, s9;
	s5 =	simm.s32 $0x9200;
	s7 =	simm.s32 $0xD200  }
0x42: {  	v0 =	vimm.f32 $0.0e+00;
	v1 =	vimm.f32 $1.000000000e+00;
	s9 =	simm.s32 $0x2;
	s8 =	simm.s32 $0x4;
	_ =	strace $0x80000047  }
.LBB2_1:
0x43: {  	s20 =	rddreg [dreg:$0x1];
	s21 =	simm.s32 $0x1B200  }
0x44: {  	[tilespmem:s21], [sflag:$0x7] =	stream.linear.gather [hbm4b:s20+s1], $0xC80, $0x38;
	[tilespmem:$0x1BE80] =	vst v63  }
0x45: {  	_ =	swait.ge [sflag:s30], $0xC80  }
0x46: {  	[sflag:s30] =	ssyncset.done $0x0  }
0x47: {  	s20 =	simm.s32 $0x0;
	[sflag:s30] =	ssyncadd.s32 $0xFFFFF380  }
.LBB2_2:
0x48: {  	p0 =	sne.s32 s20, $0x2FFC0  }
.Ltmp0:
0x49: {  	_ = 	snop;
	(pc) =	sbr.rel @p0 .LBB2_2-.Ltmp0, $3  }
0x4a: {  	_ =	sdelay $0x1  }
0x4b: {  	s21 =	sshra.s32 s20, $0x2  }
0x4c: {  	s20 =	sadd.s32 $0x40, s20;
	[tilespmem:s21+$0x3200] =	vst v0  }
0x4d: {  	s20 =	simm.s32 $0x40;
	s21 =	simm.s32 $0x0  }
.LBB2_4:
0x4e: {  	p0 =	sne.s32 s20, $0x2FFC0;
	[tilespmem:s21+$0xF200] =	vst v0;
	s21 =	smov.u32 s20;
	s20 =	sadd.s32 $0x40, s20  }
.Ltmp1:
0x4f: {  	(pc) =	sbr.rel @p0 .LBB2_4-.Ltmp1, $2  }
0x50: {  	_ =	sdelay $0x2  }
0x51: {  	s21 =	sshra.s32 s21, $0x2  }
0x52: {  	[tilespmem:s21+$0xF200] =	vst v0;
	s20 =	simm.s32 $0x0;
	s22 =	rddreg [dreg:$0x3]  }
0x53: {  	[tilespmem:s20], [sflag:$0x1] =	stream.linear.gather [hbm4b:s22+s20], $0xC80, $0x38;
	[tilespmem:$0x1BE80] =	vst v63  }
0x54: {  	s21 =	rddreg [dreg:$0x4];
	s22 =	simm.s32 $0xC80  }
0x55: {  	[tilespmem:s22], [sflag:$0x2] =	stream.linear.gather [hbm4b:s21+s20], $0xC80, $0x38;
	[tilespmem:$0x1BE80] =	vst v63  }
0x56: {  	_ =	swait.ge [sflag:s0], $0xC80  }
0x57: {  	[sflag:s0] =	ssyncset.done $0x0  }
0x58: {  	[sflag:s0] =	ssyncadd.s32 $0xFFFFF380  }
.LBB2_6:
0x59: {  	s21 =	sshra.s32 s20, $0x2  }
0x5a: {  	v2 =	vld [tilespmem:s21+$0x0]  }
0x5b: {  	v3 =	vld [tilespmem:s21+$0x1B200];
	_ =	sdelay $0x3  }
0x5c: {  	v4 =	vshll.u32 v2, $0x6;
	v2 =	vand.u32 $0x7F, v2  }
0x5d: {  	v4 =	vand.u32 $0xFFFFE000, v4;
	v2 =	vadd.s32 v3, v2  }
0x5e: {  	v2 =	vadd.s32 v4, v2;
	_ =	sdelay $0x4  }
0x5f: {  	[tilespmem:v2+s2+$0x0] =	vst.idx.add.f32.msk $0xffff, v1  }
0x60: {  	v2 =	vld [tilespmem:s21+$0x10]  }
0x61: {  	v3 =	vld [tilespmem:s21+$0x1B210];
	_ =	sdelay $0x3  }
0x62: {  	v61 =	vshll.u32 v2, $0x6;
	v2 =	vand.u32 $0x7F, v2  }
0x63: {  	v4 =	vand.u32 $0xFFFFE000, v61;
	v2 =	vadd.s32 v3, v2  }
0x64: {  	v2 =	vadd.s32 v4, v2;
	_ =	sdelay $0x4  }
0x65: {  	[tilespmem:v2+s2+$0x0] =	vst.idx.add.f32.msk $0xffff, v1  }
0x66: {  	v2 =	vld [tilespmem:s21+$0x20]  }
0x67: {  	v3 =	vld [tilespmem:s21+$0x1B220];
	_ =	sdelay $0x3  }
0x68: {  	v62 =	vshll.u32 v2, $0x6;
	v2 =	vand.u32 $0x7F, v2  }
0x69: {  	v4 =	vand.u32 $0xFFFFE000, v62;
	v2 =	vadd.s32 v3, v2  }
0x6a: {  	v2 =	vadd.s32 v4, v2;
	_ =	sdelay $0x4  }
0x6b: {  	[tilespmem:v2+s2+$0x0] =	vst.idx.add.f32.msk $0xffff, v1  }
0x6c: {  	v2 =	vld [tilespmem:s21+$0x30]  }
0x6d: {  	v3 =	vld [tilespmem:s21+$0x1B230];
	_ =	sdelay $0x3  }
0x6e: {  	v63 =	vshll.u32 v2, $0x6;
	v2 =	vand.u32 $0x7F, v2  }
0x6f: {  	v4 =	vand.u32 $0xFFFFE000, v63;
	v2 =	vadd.s32 v3, v2  }
0x70: {  	p0 =	sne.s32 s20, $0x3100;
	v2 =	vadd.s32 v4, v2  }
.Ltmp2:
0x71: {  	_ = 	snop;
	(pc) =	sbr.rel @p0 .LBB2_6-.Ltmp2, $2  }
0x72: {  	_ =	sdelay $0x2  }
0x73: {  	s20 =	sadd.s32 $0x100, s20;
	[tilespmem:v2+s2+$0x0] =	vst.idx.add.f32.msk $0xffff, v1  }
0x74: {  	s20 =	simm.s32 $0x0;
	s21 =	rddreg [dreg:$0x5]  }
0x75: {  	[hbm4b:s21+s20] =	stream.linear.scatter [tilespmem:s2], [sflag:$0x5], $0x2000, $0x38;
	[tilespmem:$0x1BE80] =	vst v63  }
0x76: {  	s22 =	rddreg [dreg:$0xc]  }
0x77: {  	[hbm4b:s22+s20] =	stream.linear.scatter [tilespmem:s3], [sflag:$0x5], $0x2000, $0x38;
	[tilespmem:$0x1BE80] =	vst v63  }
0x78: {  	s22 =	rddreg [dreg:$0xd]  }
0x79: {  	[hbm4b:s22+s20] =	stream.linear.scatter [tilespmem:s4], [sflag:$0x5], $0x2000, $0x38;
	[tilespmem:$0x1BE80] =	vst v63  }
0x7a: {  	s22 =	rddreg [dreg:$0xe]  }
0x7b: {  	[hbm4b:s22+s20] =	stream.linear.scatter [tilespmem:s5], [sflag:$0x5], $0x2000, $0x38;
	[tilespmem:$0x1BE80] =	vst v63  }
0x7c: {  	s22 =	rddreg [dreg:$0xf]  }
0x7d: {  	[hbm4b:s22+s20] =	stream.linear.scatter [tilespmem:s6], [sflag:$0x5], $0x2000, $0x38;
	[tilespmem:$0x1BE80] =	vst v63  }
0x7e: {  	s22 =	rddreg [dreg:$0x10]  }
0x7f: {  	[hbm4b:s22+s20] =	stream.linear.scatter [tilespmem:s7], [sflag:$0x5], $0x2000, $0x38;
	[tilespmem:$0x1BE80] =	vst v63  }
0x80: {  	s21 =	rddreg [dreg:$0x6];
	s22 =	simm.s32 $0x1900  }
0x81: {  	[tilespmem:s22], [sflag:$0x3] =	stream.linear.gather [hbm4b:s21+s20], $0xC80, $0x38;
	[tilespmem:$0x1BE80] =	vst v63  }
0x82: {  	_ =	swait.ge [sflag:s9], $0xC80  }
0x83: {  	[sflag:s9] =	ssyncset.done $0x0  }
0x84: {  	[sflag:s9] =	ssyncadd.s32 $0xFFFFF380  }
.LBB2_8:
0x85: {  	s21 =	sshra.s32 s20, $0x2  }
0x86: {  	v2 =	vld [tilespmem:s21+$0xC80]  }
0x87: {  	v3 =	vld [tilespmem:s21+$0x1B200];
	_ =	sdelay $0x3  }
0x88: {  	v4 =	vshll.u32 v2, $0x6;
	v2 =	vand.u32 $0x7F, v2  }
0x89: {  	v4 =	vand.u32 $0xFFFFE000, v4;
	v2 =	vadd.s32 v3, v2  }
0x8a: {  	v2 =	vadd.s32 v4, v2;
	_ =	sdelay $0x4  }
0x8b: {  	[tilespmem:v2+s10+$0x0] =	vst.idx.add.f32.msk $0xffff, v1  }
0x8c: {  	v2 =	vld [tilespmem:s21+$0xC90]  }
0x8d: {  	v3 =	vld [tilespmem:s21+$0x1B210];
	_ =	sdelay $0x3  }
0x8e: {  	v61 =	vshll.u32 v2, $0x6;
	v2 =	vand.u32 $0x7F, v2  }
0x8f: {  	v4 =	vand.u32 $0xFFFFE000, v61;
	v2 =	vadd.s32 v3, v2  }
0x90: {  	v2 =	vadd.s32 v4, v2;
	_ =	sdelay $0x4  }
0x91: {  	[tilespmem:v2+s10+$0x0] =	vst.idx.add.f32.msk $0xffff, v1  }
0x92: {  	v2 =	vld [tilespmem:s21+$0xCA0]  }
0x93: {  	v3 =	vld [tilespmem:s21+$0x1B220];
	_ =	sdelay $0x3  }
0x94: {  	v62 =	vshll.u32 v2, $0x6;
	v2 =	vand.u32 $0x7F, v2  }
0x95: {  	v4 =	vand.u32 $0xFFFFE000, v62;
	v2 =	vadd.s32 v3, v2  }
0x96: {  	v2 =	vadd.s32 v4, v2;
	_ =	sdelay $0x4  }
0x97: {  	[tilespmem:v2+s10+$0x0] =	vst.idx.add.f32.msk $0xffff, v1  }
0x98: {  	v2 =	vld [tilespmem:s21+$0xCB0]  }
0x99: {  	v3 =	vld [tilespmem:s21+$0x1B230];
	_ =	sdelay $0x3  }
0x9a: {  	v63 =	vshll.u32 v2, $0x6;
	v2 =	vand.u32 $0x7F, v2  }
0x9b: {  	v4 =	vand.u32 $0xFFFFE000, v63;
	v2 =	vadd.s32 v3, v2  }
0x9c: {  	p0 =	sne.s32 s20, $0x3100;
	v2 =	vadd.s32 v4, v2  }
.Ltmp3:
0x9d: {  	_ = 	snop;
	(pc) =	sbr.rel @p0 .LBB2_8-.Ltmp3, $2  }
0x9e: {  	_ =	sdelay $0x2  }
0x9f: {  	s20 =	sadd.s32 $0x100, s20;
	[tilespmem:v2+s10+$0x0] =	vst.idx.add.f32.msk $0xffff, v1  }
0xa0: {  	s20 =	rddreg [dreg:$0x11]  }
0xa1: {  	[hbm4b:s20+s1] =	stream.linear.scatter [tilespmem:s10], [sflag:$0x6], $0x2000, $0x38;
	[tilespmem:$0x1BE80] =	vst v63  }
0xa2: {  	s21 =	rddreg [dreg:$0x12]  }
0xa3: {  	[hbm4b:s21+s1] =	stream.linear.scatter [tilespmem:s31], [sflag:$0x6], $0x2000, $0x38;
	[tilespmem:$0x1BE80] =	vst v63  }
0xa4: {  	s22 =	rddreg [dreg:$0x13]  }
0xa5: {  	[hbm4b:s22+s1] =	stream.linear.scatter [tilespmem:s11], [sflag:$0x6], $0x2000, $0x38;
	[tilespmem:$0x1BE80] =	vst v63  }
0xa6: {  	s21 =	rddreg [dreg:$0x14]  }
0xa7: {  	[hbm4b:s21+s1] =	stream.linear.scatter [tilespmem:s12], [sflag:$0x6], $0x2000, $0x38;
	[tilespmem:$0x1BE80] =	vst v63  }
0xa8: {  	s22 =	rddreg [dreg:$0x15]  }
0xa9: {  	[hbm4b:s22+s1] =	stream.linear.scatter [tilespmem:s13], [sflag:$0x6], $0x2000, $0x38;
	[tilespmem:$0x1BE80] =	vst v63  }
0xaa: {  	s21 =	rddreg [dreg:$0x16]  }
0xab: {  	[hbm4b:s21+s1] =	stream.linear.scatter [tilespmem:s14], [sflag:$0x6], $0x2000, $0x38;
	[tilespmem:$0x1BE80] =	vst v63  }
0xac: {  	s22 =	rddreg [dreg:$0x7]  }
0xad: {  	[tilespmem:s15], [sflag:$0x4] =	stream.linear.gather [hbm4b:s22+s1], $0xC80, $0x38;
	[tilespmem:$0x1BE80] =	vst v63  }
0xae: {  	_ =	swait.ge [sflag:s16], $0x2000  }
0xaf: {  	[sflag:s16] =	ssyncset.done $0x0  }
0xb0: {  	[sflag:s16] =	ssyncadd.s32 $0xFFFFE000  }
0xb1: {  	_ =	swait.ge [sflag:s16], $0x2000  }
0xb2: {  	[sflag:s16] =	ssyncset.done $0x0  }
0xb3: {  	[sflag:s16] =	ssyncadd.s32 $0xFFFFE000  }
0xb4: {  	_ =	swait.ge [sflag:s16], $0x2000  }
0xb5: {  	[sflag:s16] =	ssyncset.done $0x0  }
0xb6: {  	[sflag:s16] =	ssyncadd.s32 $0xFFFFE000  }
0xb7: {  	_ =	swait.ge [sflag:s16], $0x2000  }
0xb8: {  	[sflag:s16] =	ssyncset.done $0x0  }
0xb9: {  	[sflag:s16] =	ssyncadd.s32 $0xFFFFE000  }
0xba: {  	_ =	swait.ge [sflag:s16], $0x2000  }
0xbb: {  	[sflag:s16] =	ssyncset.done $0x0  }
0xbc: {  	[sflag:s16] =	ssyncadd.s32 $0xFFFFE000  }
0xbd: {  	_ =	swait.ge [sflag:s16], $0x2000  }
0xbe: {  	[sflag:s16] =	ssyncset.done $0x0  }
0xbf: {  	s21 =	simm.s32 $0x40;
	[sflag:s16] =	ssyncadd.s32 $0xFFFFE000  }
0xc0: {  	s20 =	simm.s32 $0x1B240;
	v2 =	vld [tilespmem:s21+$0x30]  }
0xc1: {  	v3 =	vld [tilespmem:s20+$0x30]  }
0xc2: {  	v4 =	vld [tilespmem:s21+$0xFFFFFFD0]  }
0xc3: {  	v9 =	vld [tilespmem:s21+$0x10]  }
0xc4: {  	v15 =	vld [tilespmem:s21+$0xFFFFFFC0]  }
0xc5: {  	v5 =	vld [tilespmem:s21+$0xFFFFFFE0]  }
0xc6: {  	v11 =	vld [tilespmem:s21+$0x20]  }
0xc7: {  	v16 =	vld [tilespmem:s20+$0xFFFFFFC0];
	v8 =	vshll.u32 v2, $0x6;
	v2 =	vand.u32 $0x7F, v2  }
0xc8: {  	v19 =	vld [tilespmem:s20+$0xFFFFFFD0];
	v18 =	vand.u32 $0x7F, v4;
	v17 =	vshll.u32 v9, $0x6;
	v10 =	vand.u32 $0x7F, v9  }
0xc9: {  	v6 =	vld [tilespmem:s21+$0xFFFFFFF0];
	v20 =	vshll.u32 v15, $0x6;
	v21 =	vand.u32 $0x7F, v15;
	v8 =	vand.u32 $0xFFFFE000, v8  }
0xca: {  	v7 =	vld [tilespmem:s21+$0x0];
	v2 =	vadd.s32 v3, v2;
	v3 =	vshll.u32 v4, $0x6;
	v4 =	vshll.u32 v5, $0x6  }
0xcb: {  	v9 =	vand.u32 $0xFFFFE000, v17;
	v17 =	vshll.u32 v11, $0x6;
	v12 =	vadd.s32 v8, v2  }
0xcc: {  	v13 =	vld [tilespmem:s20+$0xFFFFFFE0];
	v11 =	vand.u32 $0x7F, v11;
	v20 =	vand.u32 $0xFFFFE000, v20;
	v21 =	vadd.s32 v16, v21  }
0xcd: {  	v14 =	vld [tilespmem:s20+$0xFFFFFFF0];
	v19 =	vadd.s32 v19, v18;
	v2 =	vand.u32 $0xFFFFE000, v3;
	v3 =	vand.u32 $0x7F, v5  }
0xce: {  	v15 =	vld [tilespmem:s20+$0x0];
	v8 =	vshll.u32 v6, $0x6;
	v4 =	vand.u32 $0xFFFFE000, v4;
	v5 =	vand.u32 $0x7F, v6  }
0xcf: {  	v16 =	vld [tilespmem:s20+$0x10];
	v6 =	vand.u32 $0xFFFFE000, v8;
	v8 =	vshll.u32 v7, $0x6;
	v7 =	vand.u32 $0x7F, v7  }
0xd0: {  	s22 =	simm.s32 $0xC0;
	s21 =	simm.s32 $0x0;
	v18 =	vld [tilespmem:s20+$0x20];
	v8 =	vand.u32 $0xFFFFE000, v8;
	[tilespmem:v12+s2+$0x0] =	vst.idx.msk $0xffff, v0;
	v12 =	vand.u32 $0xFFFFE000, v17;
	v17 =	vadd.s32 v20, v21  }
.LBB2_10:
0xd1: {  	v20 =	vld [tilespmem:s22+$0x30];
	s21 =	sadd.s32 $0x8, s21;
	v2 =	vadd.s32 v2, v19;
	v3 =	vadd.s32 v13, v3;
	s20 =	sadd.s32 $0x80, s20  }
0xd2: {  	v13 =	vld [tilespmem:s20+$0x30];
	p0 =	slt.u32 s21, $0xC0;
	v3 =	vadd.s32 v4, v3;
	v4 =	vadd.s32 v14, v5  }
0xd3: {  	v5 =	vld [tilespmem:s22+$0xFFFFFFD0];
	v4 =	vadd.s32 v6, v4;
	v6 =	vadd.s32 v15, v7  }
0xd4: {  	v7 =	vld [tilespmem:s22+$0xFFFFFFE0];
	v6 =	vadd.s32 v8, v6;
	v8 =	vadd.s32 v16, v10  }
0xd5: {  	v10 =	vld [tilespmem:s22+$0xFFFFFFF0];
	[tilespmem:v17+s2+$0x0] =	vst.idx.msk $0xffff, v0;
	v8 =	vadd.s32 v9, v8;
	v9 =	vadd.s32 v18, v11  }
0xd6: {  	v11 =	vld [tilespmem:s22+$0x0];
	v14 =	vshll.u32 v20, $0x6;
	v15 =	vand.u32 $0x7F, v20;
	[tilespmem:v2+s2+$0x0] =	vst.idx.msk $0xffff, v0;
	v9 =	vadd.s32 v12, v9  }
0xd7: {  	v12 =	vld [tilespmem:s22+$0x10];
	v2 =	vand.u32 $0xFFFFE000, v14;
	v13 =	vadd.s32 v13, v15;
	[tilespmem:v3+s2+$0x0] =	vst.idx.msk $0xffff, v0  }
0xd8: {  	v3 =	vshll.u32 v5, $0x6;
	v18 =	vand.u32 $0x7F, v5;
	v15 =	vld [tilespmem:s22+$0x20];
	v16 =	vadd.s32 v2, v13;
	[tilespmem:v4+s2+$0x0] =	vst.idx.msk $0xffff, v0  }
0xd9: {  	v17 =	vld [tilespmem:s22+$0xFFFFFFC0];
	v2 =	vand.u32 $0xFFFFE000, v3;
	v4 =	vshll.u32 v7, $0x6;
	v3 =	vand.u32 $0x7F, v7;
	[tilespmem:v6+s2+$0x0] =	vst.idx.msk $0xffff, v0  }
0xda: {  	v19 =	vld [tilespmem:s20+$0xFFFFFFC0];
	v4 =	vand.u32 $0xFFFFE000, v4;
	v6 =	vshll.u32 v10, $0x6;
	v5 =	vand.u32 $0x7F, v10;
	[tilespmem:v8+s2+$0x0] =	vst.idx.msk $0xffff, v0  }
0xdb: {  	v20 =	vld [tilespmem:s20+$0xFFFFFFD0];
	v6 =	vand.u32 $0xFFFFE000, v6;
	v8 =	vshll.u32 v11, $0x6;
	v7 =	vand.u32 $0x7F, v11;
	[tilespmem:v9+s2+$0x0] =	vst.idx.msk $0xffff, v0  }
.Ltmp4:
0xdc: {  	v13 =	vld [tilespmem:s20+$0xFFFFFFE0];
	v8 =	vand.u32 $0xFFFFE000, v8;
	v9 =	vshll.u32 v12, $0x6;
	v10 =	vand.u32 $0x7F, v12;
	(pc) =	sbr.rel @p0 .LBB2_10-.Ltmp4, $4  }
0xdd: {  	v14 =	vld [tilespmem:s20+$0xFFFFFFF0];
	v9 =	vand.u32 $0xFFFFE000, v9;
	v12 =	vshll.u32 v15, $0x6;
	v11 =	vand.u32 $0x7F, v15;
	[tilespmem:v16+s2+$0x0] =	vst.idx.msk $0xffff, v0  }
0xde: {  	v16 =	vshll.u32 v17, $0x6;
	v17 =	vand.u32 $0x7F, v17;
	v15 =	vld [tilespmem:s20+$0x0];
	v12 =	vand.u32 $0xFFFFE000, v12  }
0xdf: {  	v21 =	vand.u32 $0xFFFFE000, v16;
	v17 =	vadd.s32 v19, v17;
	v16 =	vld [tilespmem:s20+$0x10]  }
0xe0: {  	s22 =	sadd.s32 $0x80, s22;
	v17 =	vadd.s32 v21, v17;
	v19 =	vadd.s32 v20, v18;
	v18 =	vld [tilespmem:s20+$0x20]  }
0xe1: {  	v2 =	vadd.s32 v2, v19;
	v3 =	vadd.s32 v13, v3  }
0xe2: {  	v3 =	vadd.s32 v4, v3;
	v60 =	vadd.s32 v14, v5  }
0xe3: {  	v4 =	vadd.s32 v6, v60;
	v61 =	vadd.s32 v15, v7  }
0xe4: {  	v5 =	vadd.s32 v8, v61;
	v62 =	vadd.s32 v16, v10  }
0xe5: {  	[tilespmem:v17+s2+$0x0] =	vst.idx.msk $0xffff, v0;
	v6 =	vadd.s32 v9, v62;
	v63 =	vadd.s32 v18, v11  }
0xe6: {  	[tilespmem:v2+s2+$0x0] =	vst.idx.msk $0xffff, v0;
	v2 =	vadd.s32 v12, v63  }
0xe7: {  	[tilespmem:v3+s2+$0x0] =	vst.idx.msk $0xffff, v0  }
0xe8: {  	[tilespmem:v4+s2+$0x0] =	vst.idx.msk $0xffff, v0  }
0xe9: {  	[tilespmem:v5+s2+$0x0] =	vst.idx.msk $0xffff, v0  }
0xea: {  	[tilespmem:v6+s2+$0x0] =	vst.idx.msk $0xffff, v0  }
0xeb: {  	[tilespmem:v2+s2+$0x0] =	vst.idx.msk $0xffff, v0  }
0xec: {  	_ =	swait.ge [sflag:s17], $0xC80  }
0xed: {  	[sflag:s17] =	ssyncset.done $0x0  }
0xee: {  	s20 =	simm.s32 $0x0;
	[sflag:s17] =	ssyncadd.s32 $0xFFFFF380  }
.LBB2_12:
0xef: {  	s21 =	sshra.s32 s20, $0x2  }
0xf0: {  	v2 =	vld [tilespmem:s21+$0x1900]  }
0xf1: {  	v3 =	vld [tilespmem:s21+$0x1B200];
	_ =	sdelay $0x3  }
0xf2: {  	v4 =	vshll.u32 v2, $0x6;
	v2 =	vand.u32 $0x7F, v2  }
0xf3: {  	v4 =	vand.u32 $0xFFFFE000, v4;
	v2 =	vadd.s32 v3, v2  }
0xf4: {  	v2 =	vadd.s32 v4, v2;
	_ =	sdelay $0x4  }
0xf5: {  	[tilespmem:v2+s2+$0x0] =	vst.idx.add.f32.msk $0xffff, v1  }
0xf6: {  	v2 =	vld [tilespmem:s21+$0x1910]  }
0xf7: {  	v3 =	vld [tilespmem:s21+$0x1B210];
	_ =	sdelay $0x3  }
0xf8: {  	v61 =	vshll.u32 v2, $0x6;
	v2 =	vand.u32 $0x7F, v2  }
0xf9: {  	v4 =	vand.u32 $0xFFFFE000, v61;
	v2 =	vadd.s32 v3, v2  }
0xfa: {  	v2 =	vadd.s32 v4, v2;
	_ =	sdelay $0x4  }
0xfb: {  	[tilespmem:v2+s2+$0x0] =	vst.idx.add.f32.msk $0xffff, v1  }
0xfc: {  	v2 =	vld [tilespmem:s21+$0x1920]  }
0xfd: {  	v3 =	vld [tilespmem:s21+$0x1B220];
	_ =	sdelay $0x3  }
0xfe: {  	v62 =	vshll.u32 v2, $0x6;
	v2 =	vand.u32 $0x7F, v2  }
0xff: {  	v4 =	vand.u32 $0xFFFFE000, v62;
	v2 =	vadd.s32 v3, v2  }
0x100: {  	v2 =	vadd.s32 v4, v2;
	_ =	sdelay $0x4  }
0x101: {  	[tilespmem:v2+s2+$0x0] =	vst.idx.add.f32.msk $0xffff, v1  }
0x102: {  	v2 =	vld [tilespmem:s21+$0x1930]  }
0x103: {  	v3 =	vld [tilespmem:s21+$0x1B230];
	_ =	sdelay $0x3  }
0x104: {  	v63 =	vshll.u32 v2, $0x6;
	v2 =	vand.u32 $0x7F, v2  }
0x105: {  	v4 =	vand.u32 $0xFFFFE000, v63;
	v2 =	vadd.s32 v3, v2  }
0x106: {  	p0 =	sne.s32 s20, $0x3100;
	v2 =	vadd.s32 v4, v2  }
.Ltmp5:
0x107: {  	_ = 	snop;
	(pc) =	sbr.rel @p0 .LBB2_12-.Ltmp5, $2  }
0x108: {  	_ =	sdelay $0x2  }
0x109: {  	s20 =	sadd.s32 $0x100, s20;
	[tilespmem:v2+s2+$0x0] =	vst.idx.add.f32.msk $0xffff, v1  }
0x10a: {  	s20 =	rddreg [dreg:$0x17]  }
0x10b: {  	[hbm4b:s20+s1] =	stream.linear.scatter [tilespmem:s2], [sflag:$0x5], $0x2000, $0x38;
	[tilespmem:$0x1BE80] =	vst v63  }
0x10c: {  	s21 =	rddreg [dreg:$0x18]  }
0x10d: {  	[hbm4b:s21+s1] =	stream.linear.scatter [tilespmem:s3], [sflag:$0x5], $0x2000, $0x38;
	[tilespmem:$0x1BE80] =	vst v63  }
0x10e: {  	s22 =	rddreg [dreg:$0x19]  }
0x10f: {  	[hbm4b:s22+s1] =	stream.linear.scatter [tilespmem:s4], [sflag:$0x5], $0x2000, $0x38;
	[tilespmem:$0x1BE80] =	vst v63  }
0x110: {  	s21 =	rddreg [dreg:$0x1a]  }
0x111: {  	[hbm4b:s21+s1] =	stream.linear.scatter [tilespmem:s5], [sflag:$0x5], $0x2000, $0x38;
	[tilespmem:$0x1BE80] =	vst v63  }
0x112: {  	s22 =	rddreg [dreg:$0x1b]  }
0x113: {  	[hbm4b:s22+s1] =	stream.linear.scatter [tilespmem:s6], [sflag:$0x5], $0x2000, $0x38;
	[tilespmem:$0x1BE80] =	vst v63  }
0x114: {  	s21 =	rddreg [dreg:$0x1c]  }
0x115: {  	[hbm4b:s21+s1] =	stream.linear.scatter [tilespmem:s7], [sflag:$0x5], $0x2000, $0x38;
	[tilespmem:$0x1BE80] =	vst v63  }
0x116: {  	s22 =	rddreg [dreg:$0x8]  }
0x117: {  	[tilespmem:s1], [sflag:$0x1] =	stream.linear.gather [hbm4b:s22+s1], $0xC80, $0x38;
	[tilespmem:$0x1BE80] =	vst v63  }
0x118: {  	_ =	swait.ge [sflag:s18], $0x2000  }
0x119: {  	[sflag:s18] =	ssyncset.done $0x0  }
0x11a: {  	[sflag:s18] =	ssyncadd.s32 $0xFFFFE000  }
0x11b: {  	_ =	swait.ge [sflag:s18], $0x2000  }
0x11c: {  	[sflag:s18] =	ssyncset.done $0x0  }
0x11d: {  	[sflag:s18] =	ssyncadd.s32 $0xFFFFE000  }
0x11e: {  	_ =	swait.ge [sflag:s18], $0x2000  }
0x11f: {  	[sflag:s18] =	ssyncset.done $0x0  }
0x120: {  	[sflag:s18] =	ssyncadd.s32 $0xFFFFE000  }
0x121: {  	_ =	swait.ge [sflag:s18], $0x2000  }
0x122: {  	[sflag:s18] =	ssyncset.done $0x0  }
0x123: {  	[sflag:s18] =	ssyncadd.s32 $0xFFFFE000  }
0x124: {  	_ =	swait.ge [sflag:s18], $0x2000  }
0x125: {  	[sflag:s18] =	ssyncset.done $0x0  }
0x126: {  	[sflag:s18] =	ssyncadd.s32 $0xFFFFE000  }
0x127: {  	_ =	swait.ge [sflag:s18], $0x2000  }
0x128: {  	[sflag:s18] =	ssyncset.done $0x0  }
0x129: {  	s21 =	simm.s32 $0xCC0;
	[sflag:s18] =	ssyncadd.s32 $0xFFFFE000  }
0x12a: {  	s20 =	simm.s32 $0x1B240;
	v2 =	vld [tilespmem:s21+$0x30]  }
0x12b: {  	v3 =	vld [tilespmem:s20+$0x30]  }
0x12c: {  	v4 =	vld [tilespmem:s21+$0xFFFFFFD0]  }
0x12d: {  	v9 =	vld [tilespmem:s21+$0x10]  }
0x12e: {  	v15 =	vld [tilespmem:s21+$0xFFFFFFC0]  }
0x12f: {  	v5 =	vld [tilespmem:s21+$0xFFFFFFE0]  }
0x130: {  	v11 =	vld [tilespmem:s21+$0x20]  }
0x131: {  	v16 =	vld [tilespmem:s20+$0xFFFFFFC0];
	v8 =	vshll.u32 v2, $0x6;
	v2 =	vand.u32 $0x7F, v2  }
0x132: {  	v19 =	vld [tilespmem:s20+$0xFFFFFFD0];
	v18 =	vand.u32 $0x7F, v4;
	v17 =	vshll.u32 v9, $0x6;
	v10 =	vand.u32 $0x7F, v9  }
0x133: {  	v6 =	vld [tilespmem:s21+$0xFFFFFFF0];
	v20 =	vshll.u32 v15, $0x6;
	v21 =	vand.u32 $0x7F, v15;
	v8 =	vand.u32 $0xFFFFE000, v8  }
0x134: {  	v7 =	vld [tilespmem:s21+$0x0];
	v2 =	vadd.s32 v3, v2;
	v3 =	vshll.u32 v4, $0x6;
	v4 =	vshll.u32 v5, $0x6  }
0x135: {  	v9 =	vand.u32 $0xFFFFE000, v17;
	v17 =	vshll.u32 v11, $0x6;
	v12 =	vadd.s32 v8, v2  }
0x136: {  	v13 =	vld [tilespmem:s20+$0xFFFFFFE0];
	v11 =	vand.u32 $0x7F, v11;
	v20 =	vand.u32 $0xFFFFE000, v20;
	v21 =	vadd.s32 v16, v21  }
0x137: {  	v14 =	vld [tilespmem:s20+$0xFFFFFFF0];
	v19 =	vadd.s32 v19, v18;
	v2 =	vand.u32 $0xFFFFE000, v3;
	v3 =	vand.u32 $0x7F, v5  }
0x138: {  	v15 =	vld [tilespmem:s20+$0x0];
	v8 =	vshll.u32 v6, $0x6;
	v4 =	vand.u32 $0xFFFFE000, v4;
	v5 =	vand.u32 $0x7F, v6  }
0x139: {  	v16 =	vld [tilespmem:s20+$0x10];
	v6 =	vand.u32 $0xFFFFE000, v8;
	v8 =	vshll.u32 v7, $0x6;
	v7 =	vand.u32 $0x7F, v7  }
0x13a: {  	s22 =	simm.s32 $0xD40;
	s21 =	simm.s32 $0x0;
	v18 =	vld [tilespmem:s20+$0x20];
	v8 =	vand.u32 $0xFFFFE000, v8;
	[tilespmem:v12+s10+$0x0] =	vst.idx.msk $0xffff, v0;
	v12 =	vand.u32 $0xFFFFE000, v17;
	v17 =	vadd.s32 v20, v21  }
.LBB2_14:
0x13b: {  	v20 =	vld [tilespmem:s22+$0x30];
	s21 =	sadd.s32 $0x8, s21;
	v2 =	vadd.s32 v2, v19;
	v3 =	vadd.s32 v13, v3;
	s20 =	sadd.s32 $0x80, s20  }
0x13c: {  	v13 =	vld [tilespmem:s20+$0x30];
	p0 =	slt.u32 s21, $0xC0;
	v3 =	vadd.s32 v4, v3;
	v4 =	vadd.s32 v14, v5  }
0x13d: {  	v5 =	vld [tilespmem:s22+$0xFFFFFFD0];
	v4 =	vadd.s32 v6, v4;
	v6 =	vadd.s32 v15, v7  }
0x13e: {  	v7 =	vld [tilespmem:s22+$0xFFFFFFE0];
	v6 =	vadd.s32 v8, v6;
	v8 =	vadd.s32 v16, v10  }
0x13f: {  	v10 =	vld [tilespmem:s22+$0xFFFFFFF0];
	[tilespmem:v17+s10+$0x0] =	vst.idx.msk $0xffff, v0;
	v8 =	vadd.s32 v9, v8;
	v9 =	vadd.s32 v18, v11  }
0x140: {  	v11 =	vld [tilespmem:s22+$0x0];
	v14 =	vshll.u32 v20, $0x6;
	v15 =	vand.u32 $0x7F, v20;
	[tilespmem:v2+s10+$0x0] =	vst.idx.msk $0xffff, v0;
	v9 =	vadd.s32 v12, v9  }
0x141: {  	v12 =	vld [tilespmem:s22+$0x10];
	v2 =	vand.u32 $0xFFFFE000, v14;
	v13 =	vadd.s32 v13, v15;
	[tilespmem:v3+s10+$0x0] =	vst.idx.msk $0xffff, v0  }
0x142: {  	v3 =	vshll.u32 v5, $0x6;
	v18 =	vand.u32 $0x7F, v5;
	v15 =	vld [tilespmem:s22+$0x20];
	v16 =	vadd.s32 v2, v13;
	[tilespmem:v4+s10+$0x0] =	vst.idx.msk $0xffff, v0  }
0x143: {  	v17 =	vld [tilespmem:s22+$0xFFFFFFC0];
	v2 =	vand.u32 $0xFFFFE000, v3;
	v4 =	vshll.u32 v7, $0x6;
	v3 =	vand.u32 $0x7F, v7;
	[tilespmem:v6+s10+$0x0] =	vst.idx.msk $0xffff, v0  }
0x144: {  	v19 =	vld [tilespmem:s20+$0xFFFFFFC0];
	v4 =	vand.u32 $0xFFFFE000, v4;
	v6 =	vshll.u32 v10, $0x6;
	v5 =	vand.u32 $0x7F, v10;
	[tilespmem:v8+s10+$0x0] =	vst.idx.msk $0xffff, v0  }
0x145: {  	v20 =	vld [tilespmem:s20+$0xFFFFFFD0];
	v6 =	vand.u32 $0xFFFFE000, v6;
	v8 =	vshll.u32 v11, $0x6;
	v7 =	vand.u32 $0x7F, v11;
	[tilespmem:v9+s10+$0x0] =	vst.idx.msk $0xffff, v0  }
.Ltmp6:
0x146: {  	v13 =	vld [tilespmem:s20+$0xFFFFFFE0];
	v8 =	vand.u32 $0xFFFFE000, v8;
	v9 =	vshll.u32 v12, $0x6;
	v10 =	vand.u32 $0x7F, v12;
	(pc) =	sbr.rel @p0 .LBB2_14-.Ltmp6, $4  }
0x147: {  	v14 =	vld [tilespmem:s20+$0xFFFFFFF0];
	v9 =	vand.u32 $0xFFFFE000, v9;
	v12 =	vshll.u32 v15, $0x6;
	v11 =	vand.u32 $0x7F, v15;
	[tilespmem:v16+s10+$0x0] =	vst.idx.msk $0xffff, v0  }
0x148: {  	v16 =	vshll.u32 v17, $0x6;
	v17 =	vand.u32 $0x7F, v17;
	v15 =	vld [tilespmem:s20+$0x0];
	v12 =	vand.u32 $0xFFFFE000, v12  }
0x149: {  	v21 =	vand.u32 $0xFFFFE000, v16;
	v17 =	vadd.s32 v19, v17;
	v16 =	vld [tilespmem:s20+$0x10]  }
0x14a: {  	s22 =	sadd.s32 $0x80, s22;
	v17 =	vadd.s32 v21, v17;
	v19 =	vadd.s32 v20, v18;
	v18 =	vld [tilespmem:s20+$0x20]  }
0x14b: {  	v2 =	vadd.s32 v2, v19;
	v3 =	vadd.s32 v13, v3  }
0x14c: {  	v3 =	vadd.s32 v4, v3;
	v60 =	vadd.s32 v14, v5  }
0x14d: {  	v4 =	vadd.s32 v6, v60;
	v61 =	vadd.s32 v15, v7  }
0x14e: {  	v5 =	vadd.s32 v8, v61;
	v62 =	vadd.s32 v16, v10  }
0x14f: {  	[tilespmem:v17+s10+$0x0] =	vst.idx.msk $0xffff, v0;
	v6 =	vadd.s32 v9, v62;
	v63 =	vadd.s32 v18, v11  }
0x150: {  	[tilespmem:v2+s10+$0x0] =	vst.idx.msk $0xffff, v0;
	v2 =	vadd.s32 v12, v63  }
0x151: {  	[tilespmem:v3+s10+$0x0] =	vst.idx.msk $0xffff, v0  }
0x152: {  	[tilespmem:v4+s10+$0x0] =	vst.idx.msk $0xffff, v0  }
0x153: {  	[tilespmem:v5+s10+$0x0] =	vst.idx.msk $0xffff, v0  }
0x154: {  	[tilespmem:v6+s10+$0x0] =	vst.idx.msk $0xffff, v0  }
0x155: {  	[tilespmem:v2+s10+$0x0] =	vst.idx.msk $0xffff, v0  }
0x156: {  	_ =	swait.ge [sflag:s8], $0xC80  }
0x157: {  	[sflag:s8] =	ssyncset.done $0x0  }
0x158: {  	s20 =	simm.s32 $0x0;
	[sflag:s8] =	ssyncadd.s32 $0xFFFFF380  }
.LBB2_16:
0x159: {  	s21 =	sshra.s32 s20, $0x2  }
0x15a: {  	v2 =	vld [tilespmem:s21+$0x2580]  }
0x15b: {  	v3 =	vld [tilespmem:s21+$0x1B200];
	_ =	sdelay $0x3  }
0x15c: {  	v4 =	vshll.u32 v2, $0x6;
	v2 =	vand.u32 $0x7F, v2  }
0x15d: {  	v4 =	vand.u32 $0xFFFFE000, v4;
	v2 =	vadd.s32 v3, v2  }
0x15e: {  	v2 =	vadd.s32 v4, v2;
	_ =	sdelay $0x4  }
0x15f: {  	[tilespmem:v2+s10+$0x0] =	vst.idx.add.f32.msk $0xffff, v1  }
0x160: {  	v2 =	vld [tilespmem:s21+$0x2590]  }
0x161: {  	v3 =	vld [tilespmem:s21+$0x1B210];
	_ =	sdelay $0x3  }
0x162: {  	v61 =	vshll.u32 v2, $0x6;
	v2 =	vand.u32 $0x7F, v2  }
0x163: {  	v4 =	vand.u32 $0xFFFFE000, v61;
	v2 =	vadd.s32 v3, v2  }
0x164: {  	v2 =	vadd.s32 v4, v2;
	_ =	sdelay $0x4  }
0x165: {  	[tilespmem:v2+s10+$0x0] =	vst.idx.add.f32.msk $0xffff, v1  }
0x166: {  	v2 =	vld [tilespmem:s21+$0x25A0]  }
0x167: {  	v3 =	vld [tilespmem:s21+$0x1B220];
	_ =	sdelay $0x3  }
0x168: {  	v62 =	vshll.u32 v2, $0x6;
	v2 =	vand.u32 $0x7F, v2  }
0x169: {  	v4 =	vand.u32 $0xFFFFE000, v62;
	v2 =	vadd.s32 v3, v2  }
0x16a: {  	v2 =	vadd.s32 v4, v2;
	_ =	sdelay $0x4  }
0x16b: {  	[tilespmem:v2+s10+$0x0] =	vst.idx.add.f32.msk $0xffff, v1  }
0x16c: {  	v2 =	vld [tilespmem:s21+$0x25B0]  }
0x16d: {  	v3 =	vld [tilespmem:s21+$0x1B230];
	_ =	sdelay $0x3  }
0x16e: {  	v63 =	vshll.u32 v2, $0x6;
	v2 =	vand.u32 $0x7F, v2  }
0x16f: {  	v4 =	vand.u32 $0xFFFFE000, v63;
	v2 =	vadd.s32 v3, v2  }
0x170: {  	p0 =	sne.s32 s20, $0x3100;
	v2 =	vadd.s32 v4, v2  }
.Ltmp7:
0x171: {  	_ = 	snop;
	(pc) =	sbr.rel @p0 .LBB2_16-.Ltmp7, $2  }
0x172: {  	_ =	sdelay $0x2  }
0x173: {  	s20 =	sadd.s32 $0x100, s20;
	[tilespmem:v2+s10+$0x0] =	vst.idx.add.f32.msk $0xffff, v1  }
0x174: {  	s20 =	rddreg [dreg:$0x1d]  }
0x175: {  	s21 =	rddreg [dreg:$0x1e]  }
0x176: {  	[hbm4b:s20+s1] =	stream.linear.scatter [tilespmem:s10], [sflag:$0x6], $0x2000, $0x38;
	[tilespmem:$0x1BE80] =	vst v63  }
0x177: {  	s22 =	rddreg [dreg:$0x1f]  }
0x178: {  	[hbm4b:s21+s1] =	stream.linear.scatter [tilespmem:s31], [sflag:$0x6], $0x2000, $0x38;
	[tilespmem:$0x1BE80] =	vst v63  }
0x179: {  	s21 =	sld [smem:$0x7E8]  }
0x17a: {  	[hbm4b:s22+s1] =	stream.linear.scatter [tilespmem:s11], [sflag:$0x6], $0x2000, $0x38;
	[tilespmem:$0x1BE80] =	vst v63  }
0x17b: {  	s22 =	sld [smem:$0x7E9]  }
0x17c: {  	[hbm4b:s21+s1] =	stream.linear.scatter [tilespmem:s12], [sflag:$0x6], $0x2000, $0x38;
	[tilespmem:$0x1BE80] =	vst v63  }
0x17d: {  	s21 =	sld [smem:$0x7EA]  }
0x17e: {  	[hbm4b:s22+s1] =	stream.linear.scatter [tilespmem:s13], [sflag:$0x6], $0x2000, $0x38;
	[tilespmem:$0x1BE80] =	vst v63  }
0x17f: {  	_ = 	snop  }
0x180: {  	[hbm4b:s21+s1] =	stream.linear.scatter [tilespmem:s14], [sflag:$0x6], $0x2000, $0x38;
	[tilespmem:$0x1BE80] =	vst v63  }
0x181: {  	s22 =	rddreg [dreg:$0x9];
	s21 =	simm.s32 $0xC80  }
0x182: {  	[tilespmem:s21], [sflag:$0x2] =	stream.linear.gather [hbm4b:s22+s1], $0xC80, $0x38;
	[tilespmem:$0x1BE80] =	vst v63  }
0x183: {  	_ =	swait.ge [sflag:s16], $0x2000  }
0x184: {  	[sflag:s16] =	ssyncset.done $0x0  }
0x185: {  	[sflag:s16] =	ssyncadd.s32 $0xFFFFE000  }
0x186: {  	_ =	swait.ge [sflag:s16], $0x2000  }
0x187: {  	[sflag:s16] =	ssyncset.done $0x0  }
0x188: {  	[sflag:s16] =	ssyncadd.s32 $0xFFFFE000  }
0x189: {  	_ =	swait.ge [sflag:s16], $0x2000  }
0x18a: {  	[sflag:s16] =	ssyncset.done $0x0  }
0x18b: {  	[sflag:s16] =	ssyncadd.s32 $0xFFFFE000  }
0x18c: {  	_ =	swait.ge [sflag:s16], $0x2000  }
0x18d: {  	[sflag:s16] =	ssyncset.done $0x0  }
0x18e: {  	[sflag:s16] =	ssyncadd.s32 $0xFFFFE000  }
0x18f: {  	_ =	swait.ge [sflag:s16], $0x2000  }
0x190: {  	[sflag:s16] =	ssyncset.done $0x0  }
0x191: {  	[sflag:s16] =	ssyncadd.s32 $0xFFFFE000  }
0x192: {  	_ =	swait.ge [sflag:s16], $0x2000  }
0x193: {  	[sflag:s16] =	ssyncset.done $0x0  }
0x194: {  	s22 =	simm.s32 $0x1940;
	[sflag:s16] =	ssyncadd.s32 $0xFFFFE000  }
0x195: {  	s20 =	simm.s32 $0x1B240;
	v2 =	vld [tilespmem:s22+$0x30]  }
0x196: {  	v3 =	vld [tilespmem:s20+$0x30]  }
0x197: {  	v4 =	vld [tilespmem:s22+$0xFFFFFFD0]  }
0x198: {  	v9 =	vld [tilespmem:s22+$0x10]  }
0x199: {  	v15 =	vld [tilespmem:s22+$0xFFFFFFC0]  }
0x19a: {  	v5 =	vld [tilespmem:s22+$0xFFFFFFE0]  }
0x19b: {  	v11 =	vld [tilespmem:s22+$0x20]  }
0x19c: {  	v16 =	vld [tilespmem:s20+$0xFFFFFFC0];
	v8 =	vshll.u32 v2, $0x6;
	v2 =	vand.u32 $0x7F, v2  }
0x19d: {  	v19 =	vld [tilespmem:s20+$0xFFFFFFD0];
	v18 =	vand.u32 $0x7F, v4;
	v17 =	vshll.u32 v9, $0x6;
	v10 =	vand.u32 $0x7F, v9  }
0x19e: {  	v6 =	vld [tilespmem:s22+$0xFFFFFFF0];
	v20 =	vshll.u32 v15, $0x6;
	v21 =	vand.u32 $0x7F, v15;
	v8 =	vand.u32 $0xFFFFE000, v8  }
0x19f: {  	v7 =	vld [tilespmem:s22+$0x0];
	v2 =	vadd.s32 v3, v2;
	v3 =	vshll.u32 v4, $0x6;
	v4 =	vshll.u32 v5, $0x6  }
0x1a0: {  	v9 =	vand.u32 $0xFFFFE000, v17;
	v17 =	vshll.u32 v11, $0x6;
	v12 =	vadd.s32 v8, v2  }
0x1a1: {  	v13 =	vld [tilespmem:s20+$0xFFFFFFE0];
	v11 =	vand.u32 $0x7F, v11;
	v20 =	vand.u32 $0xFFFFE000, v20;
	v21 =	vadd.s32 v16, v21  }
0x1a2: {  	v14 =	vld [tilespmem:s20+$0xFFFFFFF0];
	v19 =	vadd.s32 v19, v18;
	v2 =	vand.u32 $0xFFFFE000, v3;
	v3 =	vand.u32 $0x7F, v5  }
0x1a3: {  	v15 =	vld [tilespmem:s20+$0x0];
	v8 =	vshll.u32 v6, $0x6;
	v4 =	vand.u32 $0xFFFFE000, v4;
	v5 =	vand.u32 $0x7F, v6  }
0x1a4: {  	v16 =	vld [tilespmem:s20+$0x10];
	v6 =	vand.u32 $0xFFFFE000, v8;
	v8 =	vshll.u32 v7, $0x6;
	v7 =	vand.u32 $0x7F, v7  }
0x1a5: {  	s21 =	simm.s32 $0x0;
	s22 =	simm.s32 $0x19C0;
	v18 =	vld [tilespmem:s20+$0x20];
	v8 =	vand.u32 $0xFFFFE000, v8;
	[tilespmem:v12+s2+$0x0] =	vst.idx.msk $0xffff, v0;
	v12 =	vand.u32 $0xFFFFE000, v17;
	v17 =	vadd.s32 v20, v21  }
.LBB2_18:
0x1a6: {  	v20 =	vld [tilespmem:s22+$0x30];
	s21 =	sadd.s32 $0x8, s21;
	v2 =	vadd.s32 v2, v19;
	v3 =	vadd.s32 v13, v3;
	s20 =	sadd.s32 $0x80, s20  }
0x1a7: {  	v13 =	vld [tilespmem:s20+$0x30];
	p0 =	slt.u32 s21, $0xC0;
	v3 =	vadd.s32 v4, v3;
	v4 =	vadd.s32 v14, v5  }
0x1a8: {  	v5 =	vld [tilespmem:s22+$0xFFFFFFD0];
	v4 =	vadd.s32 v6, v4;
	v6 =	vadd.s32 v15, v7  }
0x1a9: {  	v7 =	vld [tilespmem:s22+$0xFFFFFFE0];
	v6 =	vadd.s32 v8, v6;
	v8 =	vadd.s32 v16, v10  }
0x1aa: {  	v10 =	vld [tilespmem:s22+$0xFFFFFFF0];
	[tilespmem:v17+s2+$0x0] =	vst.idx.msk $0xffff, v0;
	v8 =	vadd.s32 v9, v8;
	v9 =	vadd.s32 v18, v11  }
0x1ab: {  	v11 =	vld [tilespmem:s22+$0x0];
	v14 =	vshll.u32 v20, $0x6;
	v15 =	vand.u32 $0x7F, v20;
	[tilespmem:v2+s2+$0x0] =	vst.idx.msk $0xffff, v0;
	v9 =	vadd.s32 v12, v9  }
0x1ac: {  	v12 =	vld [tilespmem:s22+$0x10];
	v2 =	vand.u32 $0xFFFFE000, v14;
	v13 =	vadd.s32 v13, v15;
	[tilespmem:v3+s2+$0x0] =	vst.idx.msk $0xffff, v0  }
0x1ad: {  	v3 =	vshll.u32 v5, $0x6;
	v18 =	vand.u32 $0x7F, v5;
	v15 =	vld [tilespmem:s22+$0x20];
	v16 =	vadd.s32 v2, v13;
	[tilespmem:v4+s2+$0x0] =	vst.idx.msk $0xffff, v0  }
0x1ae: {  	v17 =	vld [tilespmem:s22+$0xFFFFFFC0];
	v2 =	vand.u32 $0xFFFFE000, v3;
	v4 =	vshll.u32 v7, $0x6;
	v3 =	vand.u32 $0x7F, v7;
	[tilespmem:v6+s2+$0x0] =	vst.idx.msk $0xffff, v0  }
0x1af: {  	v19 =	vld [tilespmem:s20+$0xFFFFFFC0];
	v4 =	vand.u32 $0xFFFFE000, v4;
	v6 =	vshll.u32 v10, $0x6;
	v5 =	vand.u32 $0x7F, v10;
	[tilespmem:v8+s2+$0x0] =	vst.idx.msk $0xffff, v0  }
0x1b0: {  	v20 =	vld [tilespmem:s20+$0xFFFFFFD0];
	v6 =	vand.u32 $0xFFFFE000, v6;
	v8 =	vshll.u32 v11, $0x6;
	v7 =	vand.u32 $0x7F, v11;
	[tilespmem:v9+s2+$0x0] =	vst.idx.msk $0xffff, v0  }
.Ltmp8:
0x1b1: {  	v13 =	vld [tilespmem:s20+$0xFFFFFFE0];
	v8 =	vand.u32 $0xFFFFE000, v8;
	v9 =	vshll.u32 v12, $0x6;
	v10 =	vand.u32 $0x7F, v12;
	(pc) =	sbr.rel @p0 .LBB2_18-.Ltmp8, $4  }
0x1b2: {  	v14 =	vld [tilespmem:s20+$0xFFFFFFF0];
	v9 =	vand.u32 $0xFFFFE000, v9;
	v12 =	vshll.u32 v15, $0x6;
	v11 =	vand.u32 $0x7F, v15;
	[tilespmem:v16+s2+$0x0] =	vst.idx.msk $0xffff, v0  }
0x1b3: {  	v16 =	vshll.u32 v17, $0x6;
	v17 =	vand.u32 $0x7F, v17;
	v15 =	vld [tilespmem:s20+$0x0];
	v12 =	vand.u32 $0xFFFFE000, v12  }
0x1b4: {  	v21 =	vand.u32 $0xFFFFE000, v16;
	v17 =	vadd.s32 v19, v17;
	v16 =	vld [tilespmem:s20+$0x10]  }
0x1b5: {  	s22 =	sadd.s32 $0x80, s22;
	v17 =	vadd.s32 v21, v17;
	v19 =	vadd.s32 v20, v18;
	v18 =	vld [tilespmem:s20+$0x20]  }
0x1b6: {  	v2 =	vadd.s32 v2, v19;
	v3 =	vadd.s32 v13, v3  }
0x1b7: {  	v3 =	vadd.s32 v4, v3;
	v60 =	vadd.s32 v14, v5  }
0x1b8: {  	v4 =	vadd.s32 v6, v60;
	v61 =	vadd.s32 v15, v7  }
0x1b9: {  	v5 =	vadd.s32 v8, v61;
	v62 =	vadd.s32 v16, v10  }
0x1ba: {  	[tilespmem:v17+s2+$0x0] =	vst.idx.msk $0xffff, v0;
	v6 =	vadd.s32 v9, v62;
	v63 =	vadd.s32 v18, v11  }
0x1bb: {  	[tilespmem:v2+s2+$0x0] =	vst.idx.msk $0xffff, v0;
	v2 =	vadd.s32 v12, v63  }
0x1bc: {  	[tilespmem:v3+s2+$0x0] =	vst.idx.msk $0xffff, v0  }
0x1bd: {  	[tilespmem:v4+s2+$0x0] =	vst.idx.msk $0xffff, v0  }
0x1be: {  	[tilespmem:v5+s2+$0x0] =	vst.idx.msk $0xffff, v0  }
0x1bf: {  	[tilespmem:v6+s2+$0x0] =	vst.idx.msk $0xffff, v0  }
0x1c0: {  	[tilespmem:v2+s2+$0x0] =	vst.idx.msk $0xffff, v0  }
0x1c1: {  	_ =	swait.ge [sflag:s0], $0xC80  }
0x1c2: {  	[sflag:s0] =	ssyncset.done $0x0  }
0x1c3: {  	s20 =	simm.s32 $0x0;
	[sflag:s0] =	ssyncadd.s32 $0xFFFFF380  }
.LBB2_20:
0x1c4: {  	s21 =	sshra.s32 s20, $0x2  }
0x1c5: {  	v2 =	vld [tilespmem:s21+$0x0]  }
0x1c6: {  	v3 =	vld [tilespmem:s21+$0x1B200];
	_ =	sdelay $0x3  }
0x1c7: {  	v4 =	vshll.u32 v2, $0x6;
	v2 =	vand.u32 $0x7F, v2  }
0x1c8: {  	v4 =	vand.u32 $0xFFFFE000, v4;
	v2 =	vadd.s32 v3, v2  }
0x1c9: {  	v2 =	vadd.s32 v4, v2;
	_ =	sdelay $0x4  }
0x1ca: {  	[tilespmem:v2+s2+$0x0] =	vst.idx.add.f32.msk $0xffff, v1  }
0x1cb: {  	v2 =	vld [tilespmem:s21+$0x10]  }
0x1cc: {  	v3 =	vld [tilespmem:s21+$0x1B210];
	_ =	sdelay $0x3  }
0x1cd: {  	v61 =	vshll.u32 v2, $0x6;
	v2 =	vand.u32 $0x7F, v2  }
0x1ce: {  	v4 =	vand.u32 $0xFFFFE000, v61;
	v2 =	vadd.s32 v3, v2  }
0x1cf: {  	v2 =	vadd.s32 v4, v2;
	_ =	sdelay $0x4  }
0x1d0: {  	[tilespmem:v2+s2+$0x0] =	vst.idx.add.f32.msk $0xffff, v1  }
0x1d1: {  	v2 =	vld [tilespmem:s21+$0x20]  }
0x1d2: {  	v3 =	vld [tilespmem:s21+$0x1B220];
	_ =	sdelay $0x3  }
0x1d3: {  	v62 =	vshll.u32 v2, $0x6;
	v2 =	vand.u32 $0x7F, v2  }
0x1d4: {  	v4 =	vand.u32 $0xFFFFE000, v62;
	v2 =	vadd.s32 v3, v2  }
0x1d5: {  	v2 =	vadd.s32 v4, v2;
	_ =	sdelay $0x4  }
0x1d6: {  	[tilespmem:v2+s2+$0x0] =	vst.idx.add.f32.msk $0xffff, v1  }
0x1d7: {  	v2 =	vld [tilespmem:s21+$0x30]  }
0x1d8: {  	v3 =	vld [tilespmem:s21+$0x1B230];
	_ =	sdelay $0x3  }
0x1d9: {  	v63 =	vshll.u32 v2, $0x6;
	v2 =	vand.u32 $0x7F, v2  }
0x1da: {  	v4 =	vand.u32 $0xFFFFE000, v63;
	v2 =	vadd.s32 v3, v2  }
0x1db: {  	p0 =	sne.s32 s20, $0x3100;
	v2 =	vadd.s32 v4, v2  }
.Ltmp9:
0x1dc: {  	_ = 	snop;
	(pc) =	sbr.rel @p0 .LBB2_20-.Ltmp9, $2  }
0x1dd: {  	_ =	sdelay $0x2  }
0x1de: {  	s20 =	sadd.s32 $0x100, s20;
	[tilespmem:v2+s2+$0x0] =	vst.idx.add.f32.msk $0xffff, v1  }
0x1df: {  	s20 =	sld [smem:$0x7EB];
	_ =	sdelay $0x1  }
0x1e0: {  	s21 =	sld [smem:$0x7EC]  }
0x1e1: {  	[hbm4b:s20+s1] =	stream.linear.scatter [tilespmem:s2], [sflag:$0x5], $0x2000, $0x38;
	[tilespmem:$0x1BE80] =	vst v63  }
0x1e2: {  	s22 =	sld [smem:$0x7ED]  }
0x1e3: {  	[hbm4b:s21+s1] =	stream.linear.scatter [tilespmem:s3], [sflag:$0x5], $0x2000, $0x38;
	[tilespmem:$0x1BE80] =	vst v63  }
0x1e4: {  	s21 =	sld [smem:$0x7EE]  }
0x1e5: {  	[hbm4b:s22+s1] =	stream.linear.scatter [tilespmem:s4], [sflag:$0x5], $0x2000, $0x38;
	[tilespmem:$0x1BE80] =	vst v63  }
0x1e6: {  	s22 =	sld [smem:$0x7EF]  }
0x1e7: {  	[hbm4b:s21+s1] =	stream.linear.scatter [tilespmem:s5], [sflag:$0x5], $0x2000, $0x38;
	[tilespmem:$0x1BE80] =	vst v63  }
0x1e8: {  	s21 =	sld [smem:$0x7F0]  }
0x1e9: {  	[hbm4b:s22+s1] =	stream.linear.scatter [tilespmem:s6], [sflag:$0x5], $0x2000, $0x38;
	[tilespmem:$0x1BE80] =	vst v63  }
0x1ea: {  	_ = 	snop  }
0x1eb: {  	[hbm4b:s21+s1] =	stream.linear.scatter [tilespmem:s7], [sflag:$0x5], $0x2000, $0x38;
	[tilespmem:$0x1BE80] =	vst v63  }
0x1ec: {  	s22 =	rddreg [dreg:$0xa];
	s21 =	simm.s32 $0x1900  }
0x1ed: {  	[tilespmem:s21], [sflag:$0x3] =	stream.linear.gather [hbm4b:s22+s1], $0xC80, $0x38;
	[tilespmem:$0x1BE80] =	vst v63  }
0x1ee: {  	_ =	swait.ge [sflag:s18], $0x2000  }
0x1ef: {  	[sflag:s18] =	ssyncset.done $0x0  }
0x1f0: {  	[sflag:s18] =	ssyncadd.s32 $0xFFFFE000  }
0x1f1: {  	_ =	swait.ge [sflag:s18], $0x2000  }
0x1f2: {  	[sflag:s18] =	ssyncset.done $0x0  }
0x1f3: {  	[sflag:s18] =	ssyncadd.s32 $0xFFFFE000  }
0x1f4: {  	_ =	swait.ge [sflag:s18], $0x2000  }
0x1f5: {  	[sflag:s18] =	ssyncset.done $0x0  }
0x1f6: {  	[sflag:s18] =	ssyncadd.s32 $0xFFFFE000  }
0x1f7: {  	_ =	swait.ge [sflag:s18], $0x2000  }
0x1f8: {  	[sflag:s18] =	ssyncset.done $0x0  }
0x1f9: {  	[sflag:s18] =	ssyncadd.s32 $0xFFFFE000  }
0x1fa: {  	_ =	swait.ge [sflag:s18], $0x2000  }
0x1fb: {  	[sflag:s18] =	ssyncset.done $0x0  }
0x1fc: {  	[sflag:s18] =	ssyncadd.s32 $0xFFFFE000  }
0x1fd: {  	_ =	swait.ge [sflag:s18], $0x2000  }
0x1fe: {  	[sflag:s18] =	ssyncset.done $0x0  }
0x1ff: {  	s22 =	simm.s32 $0x25C0;
	[sflag:s18] =	ssyncadd.s32 $0xFFFFE000  }
0x200: {  	s20 =	simm.s32 $0x1B240;
	v2 =	vld [tilespmem:s22+$0x30]  }
0x201: {  	v3 =	vld [tilespmem:s20+$0x30]  }
0x202: {  	v4 =	vld [tilespmem:s22+$0xFFFFFFD0]  }
0x203: {  	v9 =	vld [tilespmem:s22+$0x10]  }
0x204: {  	v15 =	vld [tilespmem:s22+$0xFFFFFFC0]  }
0x205: {  	v5 =	vld [tilespmem:s22+$0xFFFFFFE0]  }
0x206: {  	v11 =	vld [tilespmem:s22+$0x20]  }
0x207: {  	v16 =	vld [tilespmem:s20+$0xFFFFFFC0];
	v8 =	vshll.u32 v2, $0x6;
	v2 =	vand.u32 $0x7F, v2  }
0x208: {  	v19 =	vld [tilespmem:s20+$0xFFFFFFD0];
	v18 =	vand.u32 $0x7F, v4;
	v17 =	vshll.u32 v9, $0x6;
	v10 =	vand.u32 $0x7F, v9  }
0x209: {  	v6 =	vld [tilespmem:s22+$0xFFFFFFF0];
	v20 =	vshll.u32 v15, $0x6;
	v21 =	vand.u32 $0x7F, v15;
	v8 =	vand.u32 $0xFFFFE000, v8  }
0x20a: {  	v7 =	vld [tilespmem:s22+$0x0];
	v2 =	vadd.s32 v3, v2;
	v3 =	vshll.u32 v4, $0x6;
	v4 =	vshll.u32 v5, $0x6  }
0x20b: {  	v9 =	vand.u32 $0xFFFFE000, v17;
	v17 =	vshll.u32 v11, $0x6;
	v12 =	vadd.s32 v8, v2  }
0x20c: {  	v13 =	vld [tilespmem:s20+$0xFFFFFFE0];
	v11 =	vand.u32 $0x7F, v11;
	v20 =	vand.u32 $0xFFFFE000, v20;
	v21 =	vadd.s32 v16, v21  }
0x20d: {  	v14 =	vld [tilespmem:s20+$0xFFFFFFF0];
	v19 =	vadd.s32 v19, v18;
	v2 =	vand.u32 $0xFFFFE000, v3;
	v3 =	vand.u32 $0x7F, v5  }
0x20e: {  	v15 =	vld [tilespmem:s20+$0x0];
	v8 =	vshll.u32 v6, $0x6;
	v4 =	vand.u32 $0xFFFFE000, v4;
	v5 =	vand.u32 $0x7F, v6  }
0x20f: {  	v16 =	vld [tilespmem:s20+$0x10];
	v6 =	vand.u32 $0xFFFFE000, v8;
	v8 =	vshll.u32 v7, $0x6;
	v7 =	vand.u32 $0x7F, v7  }
0x210: {  	s21 =	simm.s32 $0x0;
	s22 =	simm.s32 $0x2640;
	v18 =	vld [tilespmem:s20+$0x20];
	v8 =	vand.u32 $0xFFFFE000, v8;
	[tilespmem:v12+s10+$0x0] =	vst.idx.msk $0xffff, v0;
	v12 =	vand.u32 $0xFFFFE000, v17;
	v17 =	vadd.s32 v20, v21  }
.LBB2_22:
0x211: {  	v20 =	vld [tilespmem:s22+$0x30];
	s21 =	sadd.s32 $0x8, s21;
	v2 =	vadd.s32 v2, v19;
	v3 =	vadd.s32 v13, v3;
	s20 =	sadd.s32 $0x80, s20  }
0x212: {  	v13 =	vld [tilespmem:s20+$0x30];
	p0 =	slt.u32 s21, $0xC0;
	v3 =	vadd.s32 v4, v3;
	v4 =	vadd.s32 v14, v5  }
0x213: {  	v5 =	vld [tilespmem:s22+$0xFFFFFFD0];
	v4 =	vadd.s32 v6, v4;
	v6 =	vadd.s32 v15, v7  }
0x214: {  	v7 =	vld [tilespmem:s22+$0xFFFFFFE0];
	v6 =	vadd.s32 v8, v6;
	v8 =	vadd.s32 v16, v10  }
0x215: {  	v10 =	vld [tilespmem:s22+$0xFFFFFFF0];
	[tilespmem:v17+s10+$0x0] =	vst.idx.msk $0xffff, v0;
	v8 =	vadd.s32 v9, v8;
	v9 =	vadd.s32 v18, v11  }
0x216: {  	v11 =	vld [tilespmem:s22+$0x0];
	v14 =	vshll.u32 v20, $0x6;
	v15 =	vand.u32 $0x7F, v20;
	[tilespmem:v2+s10+$0x0] =	vst.idx.msk $0xffff, v0;
	v9 =	vadd.s32 v12, v9  }
0x217: {  	v12 =	vld [tilespmem:s22+$0x10];
	v2 =	vand.u32 $0xFFFFE000, v14;
	v13 =	vadd.s32 v13, v15;
	[tilespmem:v3+s10+$0x0] =	vst.idx.msk $0xffff, v0  }
0x218: {  	v3 =	vshll.u32 v5, $0x6;
	v18 =	vand.u32 $0x7F, v5;
	v15 =	vld [tilespmem:s22+$0x20];
	v16 =	vadd.s32 v2, v13;
	[tilespmem:v4+s10+$0x0] =	vst.idx.msk $0xffff, v0  }
0x219: {  	v17 =	vld [tilespmem:s22+$0xFFFFFFC0];
	v2 =	vand.u32 $0xFFFFE000, v3;
	v4 =	vshll.u32 v7, $0x6;
	v3 =	vand.u32 $0x7F, v7;
	[tilespmem:v6+s10+$0x0] =	vst.idx.msk $0xffff, v0  }
0x21a: {  	v19 =	vld [tilespmem:s20+$0xFFFFFFC0];
	v4 =	vand.u32 $0xFFFFE000, v4;
	v6 =	vshll.u32 v10, $0x6;
	v5 =	vand.u32 $0x7F, v10;
	[tilespmem:v8+s10+$0x0] =	vst.idx.msk $0xffff, v0  }
0x21b: {  	v20 =	vld [tilespmem:s20+$0xFFFFFFD0];
	v6 =	vand.u32 $0xFFFFE000, v6;
	v8 =	vshll.u32 v11, $0x6;
	v7 =	vand.u32 $0x7F, v11;
	[tilespmem:v9+s10+$0x0] =	vst.idx.msk $0xffff, v0  }
.Ltmp10:
0x21c: {  	v13 =	vld [tilespmem:s20+$0xFFFFFFE0];
	v8 =	vand.u32 $0xFFFFE000, v8;
	v9 =	vshll.u32 v12, $0x6;
	v10 =	vand.u32 $0x7F, v12;
	(pc) =	sbr.rel @p0 .LBB2_22-.Ltmp10, $4  }
0x21d: {  	v14 =	vld [tilespmem:s20+$0xFFFFFFF0];
	v9 =	vand.u32 $0xFFFFE000, v9;
	v12 =	vshll.u32 v15, $0x6;
	v11 =	vand.u32 $0x7F, v15;
	[tilespmem:v16+s10+$0x0] =	vst.idx.msk $0xffff, v0  }
0x21e: {  	v16 =	vshll.u32 v17, $0x6;
	v17 =	vand.u32 $0x7F, v17;
	v15 =	vld [tilespmem:s20+$0x0];
	v12 =	vand.u32 $0xFFFFE000, v12  }
0x21f: {  	v21 =	vand.u32 $0xFFFFE000, v16;
	v17 =	vadd.s32 v19, v17;
	v16 =	vld [tilespmem:s20+$0x10]  }
0x220: {  	s22 =	sadd.s32 $0x80, s22;
	v17 =	vadd.s32 v21, v17;
	v19 =	vadd.s32 v20, v18;
	v18 =	vld [tilespmem:s20+$0x20]  }
0x221: {  	v2 =	vadd.s32 v2, v19;
	v3 =	vadd.s32 v13, v3  }
0x222: {  	v3 =	vadd.s32 v4, v3;
	v60 =	vadd.s32 v14, v5  }
0x223: {  	v4 =	vadd.s32 v6, v60;
	v61 =	vadd.s32 v15, v7  }
0x224: {  	v5 =	vadd.s32 v8, v61;
	v62 =	vadd.s32 v16, v10  }
0x225: {  	[tilespmem:v17+s10+$0x0] =	vst.idx.msk $0xffff, v0;
	v6 =	vadd.s32 v9, v62;
	v63 =	vadd.s32 v18, v11  }
0x226: {  	[tilespmem:v2+s10+$0x0] =	vst.idx.msk $0xffff, v0;
	v2 =	vadd.s32 v12, v63  }
0x227: {  	[tilespmem:v3+s10+$0x0] =	vst.idx.msk $0xffff, v0  }
0x228: {  	[tilespmem:v4+s10+$0x0] =	vst.idx.msk $0xffff, v0  }
0x229: {  	[tilespmem:v5+s10+$0x0] =	vst.idx.msk $0xffff, v0  }
0x22a: {  	[tilespmem:v6+s10+$0x0] =	vst.idx.msk $0xffff, v0  }
0x22b: {  	[tilespmem:v2+s10+$0x0] =	vst.idx.msk $0xffff, v0  }
0x22c: {  	_ =	swait.ge [sflag:s9], $0xC80  }
0x22d: {  	[sflag:s9] =	ssyncset.done $0x0  }
0x22e: {  	s20 =	simm.s32 $0x0;
	[sflag:s9] =	ssyncadd.s32 $0xFFFFF380  }
.LBB2_24:
0x22f: {  	s21 =	sshra.s32 s20, $0x2  }
0x230: {  	v2 =	vld [tilespmem:s21+$0xC80]  }
0x231: {  	v3 =	vld [tilespmem:s21+$0x1B200];
	_ =	sdelay $0x3  }
0x232: {  	v4 =	vshll.u32 v2, $0x6;
	v2 =	vand.u32 $0x7F, v2  }
0x233: {  	v4 =	vand.u32 $0xFFFFE000, v4;
	v2 =	vadd.s32 v3, v2  }
0x234: {  	v2 =	vadd.s32 v4, v2;
	_ =	sdelay $0x4  }
0x235: {  	[tilespmem:v2+s10+$0x0] =	vst.idx.add.f32.msk $0xffff, v1  }
0x236: {  	v2 =	vld [tilespmem:s21+$0xC90]  }
0x237: {  	v3 =	vld [tilespmem:s21+$0x1B210];
	_ =	sdelay $0x3  }
0x238: {  	v61 =	vshll.u32 v2, $0x6;
	v2 =	vand.u32 $0x7F, v2  }
0x239: {  	v4 =	vand.u32 $0xFFFFE000, v61;
	v2 =	vadd.s32 v3, v2  }
0x23a: {  	v2 =	vadd.s32 v4, v2;
	_ =	sdelay $0x4  }
0x23b: {  	[tilespmem:v2+s10+$0x0] =	vst.idx.add.f32.msk $0xffff, v1  }
0x23c: {  	v2 =	vld [tilespmem:s21+$0xCA0]  }
0x23d: {  	v3 =	vld [tilespmem:s21+$0x1B220];
	_ =	sdelay $0x3  }
0x23e: {  	v62 =	vshll.u32 v2, $0x6;
	v2 =	vand.u32 $0x7F, v2  }
0x23f: {  	v4 =	vand.u32 $0xFFFFE000, v62;
	v2 =	vadd.s32 v3, v2  }
0x240: {  	v2 =	vadd.s32 v4, v2;
	_ =	sdelay $0x4  }
0x241: {  	[tilespmem:v2+s10+$0x0] =	vst.idx.add.f32.msk $0xffff, v1  }
0x242: {  	v2 =	vld [tilespmem:s21+$0xCB0]  }
0x243: {  	v3 =	vld [tilespmem:s21+$0x1B230];
	_ =	sdelay $0x3  }
0x244: {  	v63 =	vshll.u32 v2, $0x6;
	v2 =	vand.u32 $0x7F, v2  }
0x245: {  	v4 =	vand.u32 $0xFFFFE000, v63;
	v2 =	vadd.s32 v3, v2  }
0x246: {  	p0 =	sne.s32 s20, $0x3100;
	v2 =	vadd.s32 v4, v2  }
.Ltmp11:
0x247: {  	_ = 	snop;
	(pc) =	sbr.rel @p0 .LBB2_24-.Ltmp11, $2  }
0x248: {  	_ =	sdelay $0x2  }
0x249: {  	s20 =	sadd.s32 $0x100, s20;
	[tilespmem:v2+s10+$0x0] =	vst.idx.add.f32.msk $0xffff, v1  }
0x24a: {  	s20 =	sld [smem:$0x7F1];
	_ =	sdelay $0x1  }
0x24b: {  	s21 =	sld [smem:$0x7F2]  }
0x24c: {  	[hbm4b:s20+s1] =	stream.linear.scatter [tilespmem:s10], [sflag:$0x6], $0x2000, $0x38;
	[tilespmem:$0x1BE80] =	vst v63  }
0x24d: {  	s22 =	sld [smem:$0x7F3]  }
0x24e: {  	[hbm4b:s21+s1] =	stream.linear.scatter [tilespmem:s31], [sflag:$0x6], $0x2000, $0x38;
	[tilespmem:$0x1BE80] =	vst v63  }
0x24f: {  	s21 =	sld [smem:$0x7F4]  }
0x250: {  	[hbm4b:s22+s1] =	stream.linear.scatter [tilespmem:s11], [sflag:$0x6], $0x2000, $0x38;
	[tilespmem:$0x1BE80] =	vst v63  }
0x251: {  	s22 =	sld [smem:$0x7F5]  }
0x252: {  	[hbm4b:s21+s1] =	stream.linear.scatter [tilespmem:s12], [sflag:$0x6], $0x2000, $0x38;
	[tilespmem:$0x1BE80] =	vst v63  }
0x253: {  	s21 =	sld [smem:$0x7F6]  }
0x254: {  	[hbm4b:s22+s1] =	stream.linear.scatter [tilespmem:s13], [sflag:$0x6], $0x2000, $0x38;
	[tilespmem:$0x1BE80] =	vst v63  }
0x255: {  	_ = 	snop  }
0x256: {  	[hbm4b:s21+s1] =	stream.linear.scatter [tilespmem:s14], [sflag:$0x6], $0x2000, $0x38;
	[tilespmem:$0x1BE80] =	vst v63  }
0x257: {  	s22 =	rddreg [dreg:$0xb]  }
0x258: {  	[tilespmem:s15], [sflag:$0x4] =	stream.linear.gather [hbm4b:s22+s1], $0xC80, $0x38;
	[tilespmem:$0x1BE80] =	vst v63  }
0x259: {  	_ =	swait.ge [sflag:s16], $0x2000  }
0x25a: {  	[sflag:s16] =	ssyncset.done $0x0  }
0x25b: {  	[sflag:s16] =	ssyncadd.s32 $0xFFFFE000  }
0x25c: {  	_ =	swait.ge [sflag:s16], $0x2000  }
0x25d: {  	[sflag:s16] =	ssyncset.done $0x0  }
0x25e: {  	[sflag:s16] =	ssyncadd.s32 $0xFFFFE000  }
0x25f: {  	_ =	swait.ge [sflag:s16], $0x2000  }
0x260: {  	[sflag:s16] =	ssyncset.done $0x0  }
0x261: {  	[sflag:s16] =	ssyncadd.s32 $0xFFFFE000  }
0x262: {  	_ =	swait.ge [sflag:s16], $0x2000  }
0x263: {  	[sflag:s16] =	ssyncset.done $0x0  }
0x264: {  	[sflag:s16] =	ssyncadd.s32 $0xFFFFE000  }
0x265: {  	_ =	swait.ge [sflag:s16], $0x2000  }
0x266: {  	[sflag:s16] =	ssyncset.done $0x0  }
0x267: {  	[sflag:s16] =	ssyncadd.s32 $0xFFFFE000  }
0x268: {  	_ =	swait.ge [sflag:s16], $0x2000  }
0x269: {  	[sflag:s16] =	ssyncset.done $0x0  }
0x26a: {  	s21 =	simm.s32 $0x40;
	[sflag:s16] =	ssyncadd.s32 $0xFFFFE000  }
0x26b: {  	s20 =	simm.s32 $0x1B240;
	v2 =	vld [tilespmem:s21+$0x30]  }
0x26c: {  	v3 =	vld [tilespmem:s20+$0x30]  }
0x26d: {  	v4 =	vld [tilespmem:s21+$0xFFFFFFD0]  }
0x26e: {  	v9 =	vld [tilespmem:s21+$0x10]  }
0x26f: {  	v15 =	vld [tilespmem:s21+$0xFFFFFFC0]  }
0x270: {  	v5 =	vld [tilespmem:s21+$0xFFFFFFE0]  }
0x271: {  	v11 =	vld [tilespmem:s21+$0x20]  }
0x272: {  	v16 =	vld [tilespmem:s20+$0xFFFFFFC0];
	v8 =	vshll.u32 v2, $0x6;
	v2 =	vand.u32 $0x7F, v2  }
0x273: {  	v19 =	vld [tilespmem:s20+$0xFFFFFFD0];
	v18 =	vand.u32 $0x7F, v4;
	v17 =	vshll.u32 v9, $0x6;
	v10 =	vand.u32 $0x7F, v9  }
0x274: {  	v6 =	vld [tilespmem:s21+$0xFFFFFFF0];
	v20 =	vshll.u32 v15, $0x6;
	v21 =	vand.u32 $0x7F, v15;
	v8 =	vand.u32 $0xFFFFE000, v8  }
0x275: {  	v7 =	vld [tilespmem:s21+$0x0];
	v2 =	vadd.s32 v3, v2;
	v3 =	vshll.u32 v4, $0x6;
	v4 =	vshll.u32 v5, $0x6  }
0x276: {  	v9 =	vand.u32 $0xFFFFE000, v17;
	v17 =	vshll.u32 v11, $0x6;
	v12 =	vadd.s32 v8, v2  }
0x277: {  	v13 =	vld [tilespmem:s20+$0xFFFFFFE0];
	v11 =	vand.u32 $0x7F, v11;
	v20 =	vand.u32 $0xFFFFE000, v20;
	v21 =	vadd.s32 v16, v21  }
0x278: {  	v14 =	vld [tilespmem:s20+$0xFFFFFFF0];
	v19 =	vadd.s32 v19, v18;
	v2 =	vand.u32 $0xFFFFE000, v3;
	v3 =	vand.u32 $0x7F, v5  }
0x279: {  	v15 =	vld [tilespmem:s20+$0x0];
	v8 =	vshll.u32 v6, $0x6;
	v4 =	vand.u32 $0xFFFFE000, v4;
	v5 =	vand.u32 $0x7F, v6  }
0x27a: {  	v16 =	vld [tilespmem:s20+$0x10];
	v6 =	vand.u32 $0xFFFFE000, v8;
	v8 =	vshll.u32 v7, $0x6;
	v7 =	vand.u32 $0x7F, v7  }
0x27b: {  	s22 =	simm.s32 $0xC0;
	s21 =	simm.s32 $0x0;
	v18 =	vld [tilespmem:s20+$0x20];
	v8 =	vand.u32 $0xFFFFE000, v8;
	[tilespmem:v12+s2+$0x0] =	vst.idx.msk $0xffff, v0;
	v12 =	vand.u32 $0xFFFFE000, v17;
	v17 =	vadd.s32 v20, v21  }
.LBB2_26:
0x27c: {  	v20 =	vld [tilespmem:s22+$0x30];
	s21 =	sadd.s32 $0x8, s21;
	v2 =	vadd.s32 v2, v19;
	v3 =	vadd.s32 v13, v3;
	s20 =	sadd.s32 $0x80, s20  }
0x27d: {  	v13 =	vld [tilespmem:s20+$0x30];
	p0 =	slt.u32 s21, $0xC0;
	v3 =	vadd.s32 v4, v3;
	v4 =	vadd.s32 v14, v5  }
0x27e: {  	v5 =	vld [tilespmem:s22+$0xFFFFFFD0];
	v4 =	vadd.s32 v6, v4;
	v6 =	vadd.s32 v15, v7  }
0x27f: {  	v7 =	vld [tilespmem:s22+$0xFFFFFFE0];
	v6 =	vadd.s32 v8, v6;
	v8 =	vadd.s32 v16, v10  }
0x280: {  	v10 =	vld [tilespmem:s22+$0xFFFFFFF0];
	[tilespmem:v17+s2+$0x0] =	vst.idx.msk $0xffff, v0;
	v8 =	vadd.s32 v9, v8;
	v9 =	vadd.s32 v18, v11  }
0x281: {  	v11 =	vld [tilespmem:s22+$0x0];
	v14 =	vshll.u32 v20, $0x6;
	v15 =	vand.u32 $0x7F, v20;
	[tilespmem:v2+s2+$0x0] =	vst.idx.msk $0xffff, v0;
	v9 =	vadd.s32 v12, v9  }
0x282: {  	v12 =	vld [tilespmem:s22+$0x10];
	v2 =	vand.u32 $0xFFFFE000, v14;
	v13 =	vadd.s32 v13, v15;
	[tilespmem:v3+s2+$0x0] =	vst.idx.msk $0xffff, v0  }
0x283: {  	v3 =	vshll.u32 v5, $0x6;
	v18 =	vand.u32 $0x7F, v5;
	v15 =	vld [tilespmem:s22+$0x20];
	v16 =	vadd.s32 v2, v13;
	[tilespmem:v4+s2+$0x0] =	vst.idx.msk $0xffff, v0  }
0x284: {  	v17 =	vld [tilespmem:s22+$0xFFFFFFC0];
	v2 =	vand.u32 $0xFFFFE000, v3;
	v4 =	vshll.u32 v7, $0x6;
	v3 =	vand.u32 $0x7F, v7;
	[tilespmem:v6+s2+$0x0] =	vst.idx.msk $0xffff, v0  }
0x285: {  	v19 =	vld [tilespmem:s20+$0xFFFFFFC0];
	v4 =	vand.u32 $0xFFFFE000, v4;
	v6 =	vshll.u32 v10, $0x6;
	v5 =	vand.u32 $0x7F, v10;
	[tilespmem:v8+s2+$0x0] =	vst.idx.msk $0xffff, v0  }
0x286: {  	v20 =	vld [tilespmem:s20+$0xFFFFFFD0];
	v6 =	vand.u32 $0xFFFFE000, v6;
	v8 =	vshll.u32 v11, $0x6;
	v7 =	vand.u32 $0x7F, v11;
	[tilespmem:v9+s2+$0x0] =	vst.idx.msk $0xffff, v0  }
.Ltmp12:
0x287: {  	v13 =	vld [tilespmem:s20+$0xFFFFFFE0];
	v8 =	vand.u32 $0xFFFFE000, v8;
	v9 =	vshll.u32 v12, $0x6;
	v10 =	vand.u32 $0x7F, v12;
	(pc) =	sbr.rel @p0 .LBB2_26-.Ltmp12, $4  }
0x288: {  	v14 =	vld [tilespmem:s20+$0xFFFFFFF0];
	v9 =	vand.u32 $0xFFFFE000, v9;
	v12 =	vshll.u32 v15, $0x6;
	v11 =	vand.u32 $0x7F, v15;
	[tilespmem:v16+s2+$0x0] =	vst.idx.msk $0xffff, v0  }
0x289: {  	v16 =	vshll.u32 v17, $0x6;
	v17 =	vand.u32 $0x7F, v17;
	v15 =	vld [tilespmem:s20+$0x0];
	v12 =	vand.u32 $0xFFFFE000, v12  }
0x28a: {  	v21 =	vand.u32 $0xFFFFE000, v16;
	v17 =	vadd.s32 v19, v17;
	v16 =	vld [tilespmem:s20+$0x10]  }
0x28b: {  	s22 =	sadd.s32 $0x80, s22;
	v17 =	vadd.s32 v21, v17;
	v19 =	vadd.s32 v20, v18;
	v18 =	vld [tilespmem:s20+$0x20]  }
0x28c: {  	v2 =	vadd.s32 v2, v19;
	v3 =	vadd.s32 v13, v3  }
0x28d: {  	v3 =	vadd.s32 v4, v3;
	v60 =	vadd.s32 v14, v5  }
0x28e: {  	v4 =	vadd.s32 v6, v60;
	v61 =	vadd.s32 v15, v7  }
0x28f: {  	v5 =	vadd.s32 v8, v61;
	v62 =	vadd.s32 v16, v10  }
0x290: {  	[tilespmem:v17+s2+$0x0] =	vst.idx.msk $0xffff, v0;
	v6 =	vadd.s32 v9, v62;
	v63 =	vadd.s32 v18, v11  }
0x291: {  	[tilespmem:v2+s2+$0x0] =	vst.idx.msk $0xffff, v0;
	v2 =	vadd.s32 v12, v63  }
0x292: {  	[tilespmem:v3+s2+$0x0] =	vst.idx.msk $0xffff, v0  }
0x293: {  	[tilespmem:v4+s2+$0x0] =	vst.idx.msk $0xffff, v0  }
0x294: {  	[tilespmem:v5+s2+$0x0] =	vst.idx.msk $0xffff, v0  }
0x295: {  	[tilespmem:v6+s2+$0x0] =	vst.idx.msk $0xffff, v0  }
0x296: {  	[tilespmem:v2+s2+$0x0] =	vst.idx.msk $0xffff, v0  }
0x297: {  	_ =	swait.ge [sflag:s17], $0xC80  }
0x298: {  	[sflag:s17] =	ssyncset.done $0x0  }
0x299: {  	s20 =	simm.s32 $0x0;
	[sflag:s17] =	ssyncadd.s32 $0xFFFFF380  }
.LBB2_28:
0x29a: {  	s21 =	sshra.s32 s20, $0x2  }
0x29b: {  	v2 =	vld [tilespmem:s21+$0x1900]  }
0x29c: {  	v3 =	vld [tilespmem:s21+$0x1B200];
	_ =	sdelay $0x3  }
0x29d: {  	v4 =	vshll.u32 v2, $0x6;
	v2 =	vand.u32 $0x7F, v2  }
0x29e: {  	v4 =	vand.u32 $0xFFFFE000, v4;
	v2 =	vadd.s32 v3, v2  }
0x29f: {  	v2 =	vadd.s32 v4, v2;
	_ =	sdelay $0x4  }
0x2a0: {  	[tilespmem:v2+s2+$0x0] =	vst.idx.add.f32.msk $0xffff, v1  }
0x2a1: {  	v2 =	vld [tilespmem:s21+$0x1910]  }
0x2a2: {  	v3 =	vld [tilespmem:s21+$0x1B210];
	_ =	sdelay $0x3  }
0x2a3: {  	v61 =	vshll.u32 v2, $0x6;
	v2 =	vand.u32 $0x7F, v2  }
0x2a4: {  	v4 =	vand.u32 $0xFFFFE000, v61;
	v2 =	vadd.s32 v3, v2  }
0x2a5: {  	v2 =	vadd.s32 v4, v2;
	_ =	sdelay $0x4  }
0x2a6: {  	[tilespmem:v2+s2+$0x0] =	vst.idx.add.f32.msk $0xffff, v1  }
0x2a7: {  	v2 =	vld [tilespmem:s21+$0x1920]  }
0x2a8: {  	v3 =	vld [tilespmem:s21+$0x1B220];
	_ =	sdelay $0x3  }
0x2a9: {  	v62 =	vshll.u32 v2, $0x6;
	v2 =	vand.u32 $0x7F, v2  }
0x2aa: {  	v4 =	vand.u32 $0xFFFFE000, v62;
	v2 =	vadd.s32 v3, v2  }
0x2ab: {  	v2 =	vadd.s32 v4, v2;
	_ =	sdelay $0x4  }
0x2ac: {  	[tilespmem:v2+s2+$0x0] =	vst.idx.add.f32.msk $0xffff, v1  }
0x2ad: {  	v2 =	vld [tilespmem:s21+$0x1930]  }
0x2ae: {  	v3 =	vld [tilespmem:s21+$0x1B230];
	_ =	sdelay $0x3  }
0x2af: {  	v63 =	vshll.u32 v2, $0x6;
	v2 =	vand.u32 $0x7F, v2  }
0x2b0: {  	v4 =	vand.u32 $0xFFFFE000, v63;
	v2 =	vadd.s32 v3, v2  }
0x2b1: {  	p0 =	sne.s32 s20, $0x3100;
	v2 =	vadd.s32 v4, v2  }
.Ltmp13:
0x2b2: {  	_ = 	snop;
	(pc) =	sbr.rel @p0 .LBB2_28-.Ltmp13, $2  }
0x2b3: {  	_ =	sdelay $0x2  }
0x2b4: {  	s20 =	sadd.s32 $0x100, s20;
	[tilespmem:v2+s2+$0x0] =	vst.idx.add.f32.msk $0xffff, v1  }
0x2b5: {  	s20 =	sld [smem:$0x7F7];
	_ =	sdelay $0x1  }
0x2b6: {  	s22 =	sld [smem:$0x7F8]  }
0x2b7: {  	[hbm4b:s20+s1] =	stream.linear.scatter [tilespmem:s2], [sflag:$0x5], $0x2000, $0x38;
	[tilespmem:$0x1BE80] =	vst v63  }
0x2b8: {  	s21 =	sld [smem:$0x7F9]  }
0x2b9: {  	[hbm4b:s22+s1] =	stream.linear.scatter [tilespmem:s3], [sflag:$0x5], $0x2000, $0x38;
	[tilespmem:$0x1BE80] =	vst v63  }
0x2ba: {  	s22 =	sld [smem:$0x7FA]  }
0x2bb: {  	[hbm4b:s21+s1] =	stream.linear.scatter [tilespmem:s4], [sflag:$0x5], $0x2000, $0x38;
	[tilespmem:$0x1BE80] =	vst v63  }
0x2bc: {  	s21 =	sld [smem:$0x7FB]  }
0x2bd: {  	[hbm4b:s22+s1] =	stream.linear.scatter [tilespmem:s5], [sflag:$0x5], $0x2000, $0x38;
	[tilespmem:$0x1BE80] =	vst v63  }
0x2be: {  	s22 =	sld [smem:$0x7FC]  }
0x2bf: {  	[hbm4b:s21+s1] =	stream.linear.scatter [tilespmem:s6], [sflag:$0x5], $0x2000, $0x38;
	[tilespmem:$0x1BE80] =	vst v63  }
0x2c0: {  	_ = 	snop  }
0x2c1: {  	[hbm4b:s22+s1] =	stream.linear.scatter [tilespmem:s7], [sflag:$0x5], $0x2000, $0x38;
	[tilespmem:$0x1BE80] =	vst v63  }
0x2c2: {  	_ =	swait.ge [sflag:s18], $0x2000  }
0x2c3: {  	[sflag:s18] =	ssyncset.done $0x0  }
0x2c4: {  	[sflag:s18] =	ssyncadd.s32 $0xFFFFE000  }
0x2c5: {  	_ =	swait.ge [sflag:s18], $0x2000  }
0x2c6: {  	[sflag:s18] =	ssyncset.done $0x0  }
0x2c7: {  	[sflag:s18] =	ssyncadd.s32 $0xFFFFE000  }
0x2c8: {  	_ =	swait.ge [sflag:s18], $0x2000  }
0x2c9: {  	[sflag:s18] =	ssyncset.done $0x0  }
0x2ca: {  	[sflag:s18] =	ssyncadd.s32 $0xFFFFE000  }
0x2cb: {  	_ =	swait.ge [sflag:s18], $0x2000  }
0x2cc: {  	[sflag:s18] =	ssyncset.done $0x0  }
0x2cd: {  	[sflag:s18] =	ssyncadd.s32 $0xFFFFE000  }
0x2ce: {  	_ =	swait.ge [sflag:s18], $0x2000  }
0x2cf: {  	[sflag:s18] =	ssyncset.done $0x0  }
0x2d0: {  	[sflag:s18] =	ssyncadd.s32 $0xFFFFE000  }
0x2d1: {  	_ =	swait.ge [sflag:s18], $0x2000  }
0x2d2: {  	[sflag:s18] =	ssyncset.done $0x0  }
0x2d3: {  	s21 =	simm.s32 $0xCC0;
	[sflag:s18] =	ssyncadd.s32 $0xFFFFE000  }
0x2d4: {  	s20 =	simm.s32 $0x1B240;
	v2 =	vld [tilespmem:s21+$0x30]  }
0x2d5: {  	v3 =	vld [tilespmem:s20+$0x30]  }
0x2d6: {  	v4 =	vld [tilespmem:s21+$0xFFFFFFD0]  }
0x2d7: {  	v9 =	vld [tilespmem:s21+$0x10]  }
0x2d8: {  	v15 =	vld [tilespmem:s21+$0xFFFFFFC0]  }
0x2d9: {  	v5 =	vld [tilespmem:s21+$0xFFFFFFE0]  }
0x2da: {  	v11 =	vld [tilespmem:s21+$0x20]  }
0x2db: {  	v16 =	vld [tilespmem:s20+$0xFFFFFFC0];
	v8 =	vshll.u32 v2, $0x6;
	v2 =	vand.u32 $0x7F, v2  }
0x2dc: {  	v19 =	vld [tilespmem:s20+$0xFFFFFFD0];
	v18 =	vand.u32 $0x7F, v4;
	v17 =	vshll.u32 v9, $0x6;
	v10 =	vand.u32 $0x7F, v9  }
0x2dd: {  	v6 =	vld [tilespmem:s21+$0xFFFFFFF0];
	v20 =	vshll.u32 v15, $0x6;
	v21 =	vand.u32 $0x7F, v15;
	v8 =	vand.u32 $0xFFFFE000, v8  }
0x2de: {  	v7 =	vld [tilespmem:s21+$0x0];
	v2 =	vadd.s32 v3, v2;
	v3 =	vshll.u32 v4, $0x6;
	v4 =	vshll.u32 v5, $0x6  }
0x2df: {  	v9 =	vand.u32 $0xFFFFE000, v17;
	v17 =	vshll.u32 v11, $0x6;
	v12 =	vadd.s32 v8, v2  }
0x2e0: {  	v13 =	vld [tilespmem:s20+$0xFFFFFFE0];
	v11 =	vand.u32 $0x7F, v11;
	v20 =	vand.u32 $0xFFFFE000, v20;
	v21 =	vadd.s32 v16, v21  }
0x2e1: {  	v14 =	vld [tilespmem:s20+$0xFFFFFFF0];
	v19 =	vadd.s32 v19, v18;
	v2 =	vand.u32 $0xFFFFE000, v3;
	v3 =	vand.u32 $0x7F, v5  }
0x2e2: {  	v15 =	vld [tilespmem:s20+$0x0];
	v8 =	vshll.u32 v6, $0x6;
	v4 =	vand.u32 $0xFFFFE000, v4;
	v5 =	vand.u32 $0x7F, v6  }
0x2e3: {  	v16 =	vld [tilespmem:s20+$0x10];
	v6 =	vand.u32 $0xFFFFE000, v8;
	v8 =	vshll.u32 v7, $0x6;
	v7 =	vand.u32 $0x7F, v7  }
0x2e4: {  	s22 =	simm.s32 $0xD40;
	s21 =	simm.s32 $0x0;
	v18 =	vld [tilespmem:s20+$0x20];
	v8 =	vand.u32 $0xFFFFE000, v8;
	[tilespmem:v12+s10+$0x0] =	vst.idx.msk $0xffff, v0;
	v12 =	vand.u32 $0xFFFFE000, v17;
	v17 =	vadd.s32 v20, v21  }
.LBB2_30:
0x2e5: {  	v20 =	vld [tilespmem:s22+$0x30];
	s21 =	sadd.s32 $0x8, s21;
	v2 =	vadd.s32 v2, v19;
	v3 =	vadd.s32 v13, v3;
	s20 =	sadd.s32 $0x80, s20  }
0x2e6: {  	v13 =	vld [tilespmem:s20+$0x30];
	p0 =	slt.u32 s21, $0xC0;
	v3 =	vadd.s32 v4, v3;
	v4 =	vadd.s32 v14, v5  }
0x2e7: {  	v5 =	vld [tilespmem:s22+$0xFFFFFFD0];
	v4 =	vadd.s32 v6, v4;
	v6 =	vadd.s32 v15, v7  }
0x2e8: {  	v7 =	vld [tilespmem:s22+$0xFFFFFFE0];
	v6 =	vadd.s32 v8, v6;
	v8 =	vadd.s32 v16, v10  }
0x2e9: {  	v10 =	vld [tilespmem:s22+$0xFFFFFFF0];
	[tilespmem:v17+s10+$0x0] =	vst.idx.msk $0xffff, v0;
	v8 =	vadd.s32 v9, v8;
	v9 =	vadd.s32 v18, v11  }
0x2ea: {  	v11 =	vld [tilespmem:s22+$0x0];
	v14 =	vshll.u32 v20, $0x6;
	v15 =	vand.u32 $0x7F, v20;
	[tilespmem:v2+s10+$0x0] =	vst.idx.msk $0xffff, v0;
	v9 =	vadd.s32 v12, v9  }
0x2eb: {  	v12 =	vld [tilespmem:s22+$0x10];
	v2 =	vand.u32 $0xFFFFE000, v14;
	v13 =	vadd.s32 v13, v15;
	[tilespmem:v3+s10+$0x0] =	vst.idx.msk $0xffff, v0  }
0x2ec: {  	v3 =	vshll.u32 v5, $0x6;
	v18 =	vand.u32 $0x7F, v5;
	v15 =	vld [tilespmem:s22+$0x20];
	v16 =	vadd.s32 v2, v13;
	[tilespmem:v4+s10+$0x0] =	vst.idx.msk $0xffff, v0  }
0x2ed: {  	v17 =	vld [tilespmem:s22+$0xFFFFFFC0];
	v2 =	vand.u32 $0xFFFFE000, v3;
	v4 =	vshll.u32 v7, $0x6;
	v3 =	vand.u32 $0x7F, v7;
	[tilespmem:v6+s10+$0x0] =	vst.idx.msk $0xffff, v0  }
0x2ee: {  	v19 =	vld [tilespmem:s20+$0xFFFFFFC0];
	v4 =	vand.u32 $0xFFFFE000, v4;
	v6 =	vshll.u32 v10, $0x6;
	v5 =	vand.u32 $0x7F, v10;
	[tilespmem:v8+s10+$0x0] =	vst.idx.msk $0xffff, v0  }
0x2ef: {  	v20 =	vld [tilespmem:s20+$0xFFFFFFD0];
	v6 =	vand.u32 $0xFFFFE000, v6;
	v8 =	vshll.u32 v11, $0x6;
	v7 =	vand.u32 $0x7F, v11;
	[tilespmem:v9+s10+$0x0] =	vst.idx.msk $0xffff, v0  }
.Ltmp14:
0x2f0: {  	v13 =	vld [tilespmem:s20+$0xFFFFFFE0];
	v8 =	vand.u32 $0xFFFFE000, v8;
	v9 =	vshll.u32 v12, $0x6;
	v10 =	vand.u32 $0x7F, v12;
	(pc) =	sbr.rel @p0 .LBB2_30-.Ltmp14, $4  }
0x2f1: {  	v14 =	vld [tilespmem:s20+$0xFFFFFFF0];
	v9 =	vand.u32 $0xFFFFE000, v9;
	v12 =	vshll.u32 v15, $0x6;
	v11 =	vand.u32 $0x7F, v15;
	[tilespmem:v16+s10+$0x0] =	vst.idx.msk $0xffff, v0  }
0x2f2: {  	v16 =	vshll.u32 v17, $0x6;
	v17 =	vand.u32 $0x7F, v17;
	v15 =	vld [tilespmem:s20+$0x0];
	v12 =	vand.u32 $0xFFFFE000, v12  }
0x2f3: {  	v21 =	vand.u32 $0xFFFFE000, v16;
	v17 =	vadd.s32 v19, v17;
	v16 =	vld [tilespmem:s20+$0x10]  }
0x2f4: {  	s22 =	sadd.s32 $0x80, s22;
	v17 =	vadd.s32 v21, v17;
	v19 =	vadd.s32 v20, v18;
	v18 =	vld [tilespmem:s20+$0x20]  }
0x2f5: {  	v2 =	vadd.s32 v2, v19;
	v3 =	vadd.s32 v13, v3  }
0x2f6: {  	v3 =	vadd.s32 v4, v3;
	v60 =	vadd.s32 v14, v5  }
0x2f7: {  	v4 =	vadd.s32 v6, v60;
	v61 =	vadd.s32 v15, v7  }
0x2f8: {  	v5 =	vadd.s32 v8, v61;
	v62 =	vadd.s32 v16, v10  }
0x2f9: {  	[tilespmem:v17+s10+$0x0] =	vst.idx.msk $0xffff, v0;
	v6 =	vadd.s32 v9, v62;
	v63 =	vadd.s32 v18, v11  }
0x2fa: {  	[tilespmem:v2+s10+$0x0] =	vst.idx.msk $0xffff, v0;
	v2 =	vadd.s32 v12, v63  }
0x2fb: {  	[tilespmem:v3+s10+$0x0] =	vst.idx.msk $0xffff, v0  }
0x2fc: {  	[tilespmem:v4+s10+$0x0] =	vst.idx.msk $0xffff, v0  }
0x2fd: {  	[tilespmem:v5+s10+$0x0] =	vst.idx.msk $0xffff, v0  }
0x2fe: {  	[tilespmem:v6+s10+$0x0] =	vst.idx.msk $0xffff, v0  }
0x2ff: {  	[tilespmem:v2+s10+$0x0] =	vst.idx.msk $0xffff, v0  }
0x300: {  	_ =	swait.ge [sflag:s8], $0xC80  }
0x301: {  	[sflag:s8] =	ssyncset.done $0x0  }
0x302: {  	s20 =	simm.s32 $0x0;
	[sflag:s8] =	ssyncadd.s32 $0xFFFFF380  }
.LBB2_32:
0x303: {  	s21 =	sshra.s32 s20, $0x2  }
0x304: {  	v2 =	vld [tilespmem:s21+$0x2580]  }
0x305: {  	v3 =	vld [tilespmem:s21+$0x1B200];
	_ =	sdelay $0x3  }
0x306: {  	v4 =	vshll.u32 v2, $0x6;
	v2 =	vand.u32 $0x7F, v2  }
0x307: {  	v4 =	vand.u32 $0xFFFFE000, v4;
	v2 =	vadd.s32 v3, v2  }
0x308: {  	v2 =	vadd.s32 v4, v2;
	_ =	sdelay $0x4  }
0x309: {  	[tilespmem:v2+s10+$0x0] =	vst.idx.add.f32.msk $0xffff, v1  }
0x30a: {  	v2 =	vld [tilespmem:s21+$0x2590]  }
0x30b: {  	v3 =	vld [tilespmem:s21+$0x1B210];
	_ =	sdelay $0x3  }
0x30c: {  	v61 =	vshll.u32 v2, $0x6;
	v2 =	vand.u32 $0x7F, v2  }
0x30d: {  	v4 =	vand.u32 $0xFFFFE000, v61;
	v2 =	vadd.s32 v3, v2  }
0x30e: {  	v2 =	vadd.s32 v4, v2;
	_ =	sdelay $0x4  }
0x30f: {  	[tilespmem:v2+s10+$0x0] =	vst.idx.add.f32.msk $0xffff, v1  }
0x310: {  	v2 =	vld [tilespmem:s21+$0x25A0]  }
0x311: {  	v3 =	vld [tilespmem:s21+$0x1B220];
	_ =	sdelay $0x3  }
0x312: {  	v62 =	vshll.u32 v2, $0x6;
	v2 =	vand.u32 $0x7F, v2  }
0x313: {  	v4 =	vand.u32 $0xFFFFE000, v62;
	v2 =	vadd.s32 v3, v2  }
0x314: {  	v2 =	vadd.s32 v4, v2;
	_ =	sdelay $0x4  }
0x315: {  	[tilespmem:v2+s10+$0x0] =	vst.idx.add.f32.msk $0xffff, v1  }
0x316: {  	v2 =	vld [tilespmem:s21+$0x25B0]  }
0x317: {  	v3 =	vld [tilespmem:s21+$0x1B230];
	_ =	sdelay $0x3  }
0x318: {  	v63 =	vshll.u32 v2, $0x6;
	v2 =	vand.u32 $0x7F, v2  }
0x319: {  	v4 =	vand.u32 $0xFFFFE000, v63;
	v2 =	vadd.s32 v3, v2  }
0x31a: {  	p0 =	sne.s32 s20, $0x3100;
	v2 =	vadd.s32 v4, v2  }
.Ltmp15:
0x31b: {  	_ = 	snop;
	(pc) =	sbr.rel @p0 .LBB2_32-.Ltmp15, $2  }
0x31c: {  	_ =	sdelay $0x2  }
0x31d: {  	s20 =	sadd.s32 $0x100, s20;
	[tilespmem:v2+s10+$0x0] =	vst.idx.add.f32.msk $0xffff, v1  }
0x31e: {  	s20 =	sld [smem:$0x7FD];
	_ =	sdelay $0x2  }
0x31f: {  	[hbm4b:s20+s1] =	stream.linear.scatter [tilespmem:s10], [sflag:$0x6], $0x2000, $0x38;
	[tilespmem:$0x1BE80] =	vst v63  }
0x320: {  	_ = 	snop  }
0x321: {  	[hbm4b:s23+s1] =	stream.linear.scatter [tilespmem:s31], [sflag:$0x6], $0x2000, $0x38;
	[tilespmem:$0x1BE80] =	vst v63  }
0x322: {  	_ = 	snop  }
0x323: {  	[hbm4b:s24+s1] =	stream.linear.scatter [tilespmem:s11], [sflag:$0x6], $0x2000, $0x38;
	[tilespmem:$0x1BE80] =	vst v63  }
0x324: {  	_ = 	snop  }
0x325: {  	[hbm4b:s25+s1] =	stream.linear.scatter [tilespmem:s12], [sflag:$0x6], $0x2000, $0x38;
	[tilespmem:$0x1BE80] =	vst v63  }
0x326: {  	_ = 	snop  }
0x327: {  	[hbm4b:s26+s1] =	stream.linear.scatter [tilespmem:s13], [sflag:$0x6], $0x2000, $0x38;
	[tilespmem:$0x1BE80] =	vst v63  }
0x328: {  	_ = 	snop  }
0x329: {  	[hbm4b:s28+s1] =	stream.linear.scatter [tilespmem:s14], [sflag:$0x6], $0x2000, $0x38;
	[tilespmem:$0x1BE80] =	vst v63  }
0x32a: {  	_ =	swait.ge [sflag:s16], $0x2000  }
0x32b: {  	[sflag:s16] =	ssyncset.done $0x0  }
0x32c: {  	[sflag:s16] =	ssyncadd.s32 $0xFFFFE000  }
0x32d: {  	_ =	swait.ge [sflag:s16], $0x2000  }
0x32e: {  	[sflag:s16] =	ssyncset.done $0x0  }
0x32f: {  	[sflag:s16] =	ssyncadd.s32 $0xFFFFE000  }
0x330: {  	_ =	swait.ge [sflag:s16], $0x2000  }
0x331: {  	[sflag:s16] =	ssyncset.done $0x0  }
0x332: {  	[sflag:s16] =	ssyncadd.s32 $0xFFFFE000  }
0x333: {  	_ =	swait.ge [sflag:s16], $0x2000  }
0x334: {  	[sflag:s16] =	ssyncset.done $0x0  }
0x335: {  	[sflag:s16] =	ssyncadd.s32 $0xFFFFE000  }
0x336: {  	_ =	swait.ge [sflag:s16], $0x2000  }
0x337: {  	[sflag:s16] =	ssyncset.done $0x0  }
0x338: {  	[sflag:s16] =	ssyncadd.s32 $0xFFFFE000  }
0x339: {  	_ =	swait.ge [sflag:s16], $0x2000  }
0x33a: {  	[sflag:s16] =	ssyncset.done $0x0  }
0x33b: {  	[sflag:s16] =	ssyncadd.s32 $0xFFFFE000  }
0x33c: {  	_ =	swait.ge [sflag:s18], $0x2000  }
0x33d: {  	[sflag:s18] =	ssyncset.done $0x0  }
0x33e: {  	[sflag:s18] =	ssyncadd.s32 $0xFFFFE000  }
0x33f: {  	_ =	swait.ge [sflag:s18], $0x2000  }
0x340: {  	[sflag:s18] =	ssyncset.done $0x0  }
0x341: {  	[sflag:s18] =	ssyncadd.s32 $0xFFFFE000  }
0x342: {  	_ =	swait.ge [sflag:s18], $0x2000  }
0x343: {  	[sflag:s18] =	ssyncset.done $0x0  }
0x344: {  	[sflag:s18] =	ssyncadd.s32 $0xFFFFE000  }
0x345: {  	_ =	swait.ge [sflag:s18], $0x2000  }
0x346: {  	[sflag:s18] =	ssyncset.done $0x0  }
0x347: {  	s19 =	sadd.s32 $0x1, s19;
	[sflag:s18] =	ssyncadd.s32 $0xFFFFE000  }
0x348: {  	p0 =	sne.s32 s19, s29;
	_ =	swait.ge [sflag:s18], $0x2000  }
.Ltmp16:
0x349: {  	[sflag:s18] =	ssyncset.done $0x0;
	(pc) =	sbr.rel @p0 .LBB2_1-.Ltmp16, $4  }
0x34a: {  	[sflag:s18] =	ssyncadd.s32 $0xFFFFE000  }
0x34b: {  	_ =	swait.ge [sflag:s18], $0x2000  }
0x34c: {  	[sflag:s18] =	ssyncset.done $0x0  }
0x34d: {  	[sflag:s18] =	ssyncadd.s32 $0xFFFFE000  }
0x34e: {  	_ =	sfence.sel $0x180000  }
0x34f: {  	[bflag:$0x0] =	sbarrier.arrive $0xFFFF  }
0x350: {  	_ =	strace $0x90000047  }
0x351: {  	s0 =	stileid.u32;
	[bflag:$0x2] =	sbarrier.arrive $0xFFFF  }
0x352: {  	p0 =	sne.s32 s0, $0x0;
	s0 =	rddreg [dreg:$0x2]  }
0x353: {  	s0 =	sadd.s32 @!p0 $0x100000, s0  }
0x354: {  	[sflag:s0] =	ssyncadd.tile.s32 @!p0 $0x1;
	_ =	shalt  }
.Lfunc_end2:
_tile_overlayer_lowered:
.L_overlay_start_2:
0x355: {  	(tag) =	ssettag $0x2  }
0x356: {  	s0 =	rddreg [dreg:$0x0];
	s2 =	stileid.u32  }
0x357: {  	s1 =	rddreg [dreg:$0x1];
	p0 =	sne.s32 s2, $0x0  }
0x358: {  	s3 =	rddreg [dreg:$0x2];
	[bflag:$0x3] =	sbarrier.arrive $0xFFFF;
	s2 =	simm.s32 @!p0 $0x1C07  }
0x359: {  	[timem:s3], [sflag:s2] =	dma.local @!p0 [hbm:s0], s1  }
0x35a: {  	s0 =	simm.s32 @!p0 $0x7  }
0x35b: {  	_ =	swait.ge @!p0 [sflag:s0], s1  }
0x35c: {  	s1 =	ssub.s32 @!p0 $0x0, s1;
	[sflag:s0] =	ssyncset.done @!p0 $0x0  }
0x35d: {  	[sflag:s0] =	ssyncadd.s32 @!p0 s1  }
0x35e: {  	[bflag:$0x3] =	sbarrier.arrive $0xFFFF  }
0x35f: {  	_ =	shalt  }

</sc_bundles>
